<compile_context>
chip_gen: v7x
topology: tpu7x:2x2x1
jax: 0.10.2.dev20260603
libtpu: 0.0.44.dev20260713+nightly
codegen_flags: <defaults>
</compile_context>

<pallas_src>
import functools

import jax
import jax.numpy as jnp
from jax import lax
from jax.experimental import pallas as pl
from jax.experimental.pallas import tpu as pltpu
from jax.experimental.pallas import tpu_sc as plsc

NC = 2
NS = 16
L = 16
NROWS = 32
NCOLS = 4096
N = NROWS * NCOLS
CHUNKS = NCOLS // L
GROUPS = NCOLS // 128

_mesh = plsc.VectorSubcoreMesh(
    core_axis_name="c", subcore_axis_name="s", num_cores=NC, num_subcores=NS
)

_params = pltpu.CompilerParams(needs_layout_passes=False)


@functools.partial(
    pl.kernel,
    compiler_params=_params,
    out_type=(
        jax.ShapeDtypeStruct((N,), jnp.int32),
        jax.ShapeDtypeStruct((N,), jnp.int32),
    ),
    mesh=_mesh,
    scratch_types=[
        pltpu.VMEM((2, NCOLS), jnp.float32),
        pltpu.VMEM((NCOLS,), jnp.float32),
        pltpu.VMEM((NS, L), jnp.int32),
        pltpu.VMEM((L,), jnp.int32),
        pltpu.VMEM((NCOLS,), jnp.int32),
        pltpu.VMEM((NCOLS,), jnp.int32),
        pltpu.VMEM((GROUPS, 128), jnp.int32),
        pltpu.VMEM_SHARED((3 * NS, L), jnp.int32),
        pltpu.SemaphoreType.DMA,
    ],
)
def _nonzero_kernel(x_hbm, rows_hbm, cols_hbm, x2, xrow, cnts_v, pub_v,
                    cval_b, rval_b, dest_b, sh_counts, sem):
  c = lax.axis_index("c")
  s = lax.axis_index("s")
  w = c * NS + s
  li = jnp.arange(L, dtype=jnp.int32)

  cp0 = pltpu.async_copy(x_hbm.at[2 * s], x2.at[0], sem)
  cp1 = pltpu.async_copy(x_hbm.at[2 * s + 1], x2.at[1], sem)
  wsplat = jnp.full((L,), w, jnp.int32)
  z16 = jnp.zeros((L,), jnp.int32)
  cp0.wait()

  def cstep0(k, a0):
    v0 = x2[0, pl.ds(k * L, L)]
    a0 = a0 + plsc.all_reduce_population_count(v0 != 0.0)
    rval_b[pl.ds(k * L, L)] = wsplat
    cval_b[pl.ds(k * L, L)] = k * L + li
    return a0

  a0 = lax.fori_loop(0, CHUNKS, cstep0, z16, unroll=8)
  cp1.wait()

  def cstep1(k, a1):
    v1 = x2[1, pl.ds(k * L, L)]
    return a1 + plsc.all_reduce_population_count(v1 != 0.0)

  a1 = lax.fori_loop(0, CHUNKS, cstep1, z16, unroll=8)
  pub_v[...] = jnp.where(li == 0, a0, jnp.where(li == 1, a1, 0))
  pltpu.sync_copy(pub_v, sh_counts.at[2 * NS + s])

  plsc.subcore_barrier()

  pltpu.sync_copy(sh_counts.at[pl.ds(2 * NS, NS)], cnts_v)
  c_lo = plsc.load_gather(cnts_v, [li >> 1, li & 1])
  hi = li + NS
  c_hi = plsc.load_gather(cnts_v, [hi >> 1, hi & 1])
  off = jnp.sum(jnp.where(li < w, c_lo, 0)) + jnp.sum(
      jnp.where(hi < w, c_hi, 0))
  n_w = jnp.sum(jnp.where(li == w, c_lo, 0)) + jnp.sum(
      jnp.where(hi == w, c_hi, 0))
  n_total = jnp.sum(c_lo) + jnp.sum(c_hi)
  zoff = n_total + w * NCOLS - off

  fast = jnp.logical_and(n_w == NCOLS, off % 8 == 0)

  @pl.when(fast)
  def _fast():
    o = pl.multiple_of(off, 8)
    cp_r = pltpu.async_copy(rval_b, rows_hbm.at[pl.ds(o, NCOLS)], sem)
    cp_c = pltpu.async_copy(cval_b, cols_hbm.at[pl.ds(o, NCOLS)], sem)
    cp_r.wait()
    cp_c.wait()

  @pl.when(jnp.logical_not(fast))
  def _general():
    pltpu.sync_copy(x_hbm.at[w], xrow)

    def step(k, carry):
      off_nz, off_z = carry
      v = xrow[pl.ds(k * L, L)]
      m = v != 0.0
      mi = m.astype(jnp.int32)
      excl = plsc.cumsum(mi) - mi
      dest = jnp.where(m, off_nz + excl, off_z + (li - excl))
      dest_b[k >> 3, pl.ds((k & 7) * L, L)] = dest
      rval_b[pl.ds(k * L, L)] = jnp.where(m, w, 0)
      cval_b[pl.ds(k * L, L)] = jnp.where(m, k * L + li, 0)
      pc = plsc.all_reduce_population_count(m)
      return off_nz + pc, off_z + (L - pc)

    init = (jnp.full((L,), off, jnp.int32), jnp.full((L,), zoff, jnp.int32))
    lax.fori_loop(0, CHUNKS, step, init)

    copies = []
    for g in range(GROUPS):
      copies.append(pltpu.async_copy(
          rval_b.at[pl.ds(g * 128, 128)], rows_hbm.at[dest_b.at[g]], sem))
      copies.append(pltpu.async_copy(
          cval_b.at[pl.ds(g * 128, 128)], cols_hbm.at[dest_b.at[g]], sem))
    for cp in copies:
      cp.wait()


def kernel(x):
  rows, cols = _nonzero_kernel(x)
  return rows, cols

# --- scband reference (transcript-rebuilt; emitter-appended) ---
"""Pipeline reference for scband-aten-non-zero-tuple-22445499089103 (READ-ONLY COPY).

The authoritative reference and input builder live on the scoring server;
editing this copy changes nothing except your own understanding.
"""

import jax, jax.numpy as jnp
import numpy as np


def setup_inputs(seed: int = 0) -> dict:
    key = jax.random.key(seed)
    x = jax.random.normal(key, (32, 4096), dtype=jnp.float32)
    return {"x": x}


def reference(x):
    # torch.nonzero(x, as_tuple=True) on a 2D tensor returns (row_idx, col_idx)
    # of all nonzero elements in row-major order. With randn input every
    # element is nonzero (a.s.), so size=x.size is exact and jit-safe.
    rows, cols = jnp.nonzero(x, size=x.size, fill_value=0)
    return (rows, cols)

if __name__ == "__main__":
    import jax
    _d = setup_inputs()
    print(jax.jit(kernel)(*tuple(_d.values())))

</pallas_src>

<mosaic_0001>
#map = affine_map<(d0, d1) -> (0, 0)>
#map1 = affine_map<(d0, d1) -> (0)>
module attributes {stable_mosaic.version = 14 : i64} {
  func.func @_nonzero_kernel(%arg0: i32, %arg1: i32, %arg2: memref<32x4096xf32, #tpu.memory_space<hbm>>, %arg3: memref<131072xi32, #tpu.memory_space<hbm>>, %arg4: memref<131072xi32, #tpu.memory_space<hbm>>, %arg5: memref<2x4096xf32, #tpu.memory_space<vmem>>, %arg6: memref<4096xf32, #tpu.memory_space<vmem>>, %arg7: memref<16x16xi32, #tpu.memory_space<vmem>>, %arg8: memref<16xi32, #tpu.memory_space<vmem>>, %arg9: memref<4096xi32, #tpu.memory_space<vmem>>, %arg10: memref<4096xi32, #tpu.memory_space<vmem>>, %arg11: memref<32x128xi32, #tpu.memory_space<vmem>>, %arg12: memref<48x16xi32, #tpu.memory_space<vmem_shared>>, %arg13: memref<!tpu.dma_semaphore, #tpu.memory_space<semaphore_mem>>) attributes {dimension_semantics = [#tpu.dimension_semantics<core_parallel>, #tpu.dimension_semantics<subcore_parallel>], iteration_bounds = array<i64: 2, 16>, scalar_prefetch = 0 : i64, scratch_operands = 9 : i64, tpu.core_type = #tpu.core_type<sc_vector_subcore>, window_params = [{transform_indices = #map}, {transform_indices = #map1}, {transform_indices = #map1}]} {
    %mul3A = arith.constant 16 : i32
    %mul3A_0 = arith.muli %arg0, %mul3A : i32
    %add3A = arith.addi %mul3A_0, %arg1 : i32
    %iota3A = tpu.iota {dimensions = array<i32: 0>} : vector<16xi32>
    %mul3A_1 = arith.constant 2 : i32
    %mul3A_2 = arith.muli %mul3A_1, %arg1 : i32
    %dma_start3A = arith.constant 0 : i32
    %dma_start3A_3 = arith.constant 0 : i32
    %dma_start3A_4 = tpu.memref_slice %arg5[%dma_start3A, %dma_start3A_3] : memref<2x4096xf32, #tpu.memory_space<vmem>> -> memref<1x4096xf32, #tpu.memory_space<vmem>>
    %dma_start3A_5 = tpu.memref_squeeze %dma_start3A_4 : memref<1x4096xf32, #tpu.memory_space<vmem>> -> memref<4096xf32, #tpu.memory_space<vmem>>
    %dma_start3A_6 = arith.constant 0 : i32
    %dma_start3A_7 = tpu.memref_slice %arg2[%mul3A_2, %dma_start3A_6] : memref<32x4096xf32, #tpu.memory_space<hbm>> -> memref<1x4096xf32, #tpu.memory_space<hbm>>
    %dma_start3A_8 = tpu.memref_squeeze %dma_start3A_7 : memref<1x4096xf32, #tpu.memory_space<hbm>> -> memref<4096xf32, #tpu.memory_space<hbm>>
    %dma_start3A_9 = arith.constant 0 : i32
    %dma_start3A_10 = tpu.memref_slice %arg5[%dma_start3A, %dma_start3A_9] : memref<2x4096xf32, #tpu.memory_space<vmem>> -> memref<1x4096xf32, #tpu.memory_space<vmem>>
    %dma_start3A_11 = tpu.memref_squeeze %dma_start3A_10 : memref<1x4096xf32, #tpu.memory_space<vmem>> -> memref<4096xf32, #tpu.memory_space<vmem>>
    %dma_start3A_12 = arith.constant 0 : i32
    %dma_start3A_13 = tpu.memref_slice %arg2[%mul3A_2, %dma_start3A_12] : memref<32x4096xf32, #tpu.memory_space<hbm>> -> memref<1x4096xf32, #tpu.memory_space<hbm>>
    %dma_start3A_14 = tpu.memref_squeeze %dma_start3A_13 : memref<1x4096xf32, #tpu.memory_space<hbm>> -> memref<4096xf32, #tpu.memory_space<hbm>>
    tpu.enqueue_dma source(%dma_start3A_14 : memref<4096xf32, #tpu.memory_space<hbm>>) target(%dma_start3A_11 : memref<4096xf32, #tpu.memory_space<vmem>>) target_semaphore(%arg13 : memref<!tpu.dma_semaphore, #tpu.memory_space<semaphore_mem>>)
    %mul3A_15 = arith.constant 2 : i32
    %mul3A_16 = arith.muli %mul3A_15, %arg1 : i32
    %add3A_17 = arith.constant 1 : i32
    %add3A_18 = arith.addi %mul3A_16, %add3A_17 : i32
    %dma_start3A_19 = arith.constant 1 : i32
    %dma_start3A_20 = arith.constant 0 : i32
    %dma_start3A_21 = tpu.memref_slice %arg5[%dma_start3A_19, %dma_start3A_20] : memref<2x4096xf32, #tpu.memory_space<vmem>> -> memref<1x4096xf32, #tpu.memory_space<vmem>>
    %dma_start3A_22 = tpu.memref_squeeze %dma_start3A_21 : memref<1x4096xf32, #tpu.memory_space<vmem>> -> memref<4096xf32, #tpu.memory_space<vmem>>
    %dma_start3A_23 = arith.constant 0 : i32
    %dma_start3A_24 = tpu.memref_slice %arg2[%add3A_18, %dma_start3A_23] : memref<32x4096xf32, #tpu.memory_space<hbm>> -> memref<1x4096xf32, #tpu.memory_space<hbm>>
    %dma_start3A_25 = tpu.memref_squeeze %dma_start3A_24 : memref<1x4096xf32, #tpu.memory_space<hbm>> -> memref<4096xf32, #tpu.memory_space<hbm>>
    %dma_start3A_26 = arith.constant 0 : i32
    %dma_start3A_27 = tpu.memref_slice %arg5[%dma_start3A_19, %dma_start3A_26] : memref<2x4096xf32, #tpu.memory_space<vmem>> -> memref<1x4096xf32, #tpu.memory_space<vmem>>
    %dma_start3A_28 = tpu.memref_squeeze %dma_start3A_27 : memref<1x4096xf32, #tpu.memory_space<vmem>> -> memref<4096xf32, #tpu.memory_space<vmem>>
    %dma_start3A_29 = arith.constant 0 : i32
    %dma_start3A_30 = tpu.memref_slice %arg2[%add3A_18, %dma_start3A_29] : memref<32x4096xf32, #tpu.memory_space<hbm>> -> memref<1x4096xf32, #tpu.memory_space<hbm>>
    %dma_start3A_31 = tpu.memref_squeeze %dma_start3A_30 : memref<1x4096xf32, #tpu.memory_space<hbm>> -> memref<4096xf32, #tpu.memory_space<hbm>>
    tpu.enqueue_dma source(%dma_start3A_31 : memref<4096xf32, #tpu.memory_space<hbm>>) target(%dma_start3A_28 : memref<4096xf32, #tpu.memory_space<vmem>>) target_semaphore(%arg13 : memref<!tpu.dma_semaphore, #tpu.memory_space<semaphore_mem>>)
    %broadcast_in_dim3A = vector.broadcast %add3A : i32 to vector<16xi32>
    %broadcast_in_dim3A_32 = arith.constant 0 : i32
    %broadcast_in_dim3A_33 = vector.broadcast %broadcast_in_dim3A_32 : i32 to vector<16xi32>
    %dma_wait3A = arith.constant 0 : i32
    %dma_wait3A_34 = arith.constant 0 : i32
    %dma_wait3A_35 = tpu.memref_slice %arg5[%dma_wait3A, %dma_wait3A_34] : memref<2x4096xf32, #tpu.memory_space<vmem>> -> memref<1x4096xf32, #tpu.memory_space<vmem>>
    %dma_wait3A_36 = tpu.memref_squeeze %dma_wait3A_35 : memref<1x4096xf32, #tpu.memory_space<vmem>> -> memref<4096xf32, #tpu.memory_space<vmem>>
    %dma_wait3A_37 = arith.constant 0 : i32
    %dma_wait3A_38 = tpu.memref_slice %arg2[%mul3A_2, %dma_wait3A_37] : memref<32x4096xf32, #tpu.memory_space<hbm>> -> memref<1x4096xf32, #tpu.memory_space<hbm>>
    %dma_wait3A_39 = tpu.memref_squeeze %dma_wait3A_38 : memref<1x4096xf32, #tpu.memory_space<hbm>> -> memref<4096xf32, #tpu.memory_space<hbm>>
    %dma_wait3A_40 = arith.constant 0 : i32
    %dma_wait3A_41 = tpu.memref_slice %arg5[%dma_wait3A, %dma_wait3A_40] : memref<2x4096xf32, #tpu.memory_space<vmem>> -> memref<1x4096xf32, #tpu.memory_space<vmem>>
    %dma_wait3A_42 = tpu.memref_squeeze %dma_wait3A_41 : memref<1x4096xf32, #tpu.memory_space<vmem>> -> memref<4096xf32, #tpu.memory_space<vmem>>
    %dma_wait3A_43 = arith.constant 0 : i32
    %dma_wait3A_44 = tpu.memref_slice %arg2[%mul3A_2, %dma_wait3A_43] : memref<32x4096xf32, #tpu.memory_space<hbm>> -> memref<1x4096xf32, #tpu.memory_space<hbm>>
    %dma_wait3A_45 = tpu.memref_squeeze %dma_wait3A_44 : memref<1x4096xf32, #tpu.memory_space<hbm>> -> memref<4096xf32, #tpu.memory_space<hbm>>
    tpu.wait_dma2 semaphore(%arg13 : memref<!tpu.dma_semaphore, #tpu.memory_space<semaphore_mem>>) src(%dma_wait3A_45 : memref<4096xf32, #tpu.memory_space<hbm>>) dst(%dma_wait3A_42 : memref<4096xf32, #tpu.memory_space<vmem>>)
    %scan3A = arith.constant 0 : i32
    %scan3A_46 = arith.constant 256 : i32
    %scan3A_47 = arith.addi %scan3A, %scan3A_46 : i32
    %scan3A_48 = arith.constant 8 : i32
    %scan3A_49 = scf.for %scan3A_166 = %scan3A to %scan3A_47 step %scan3A_48 iter_args(%scan3A_167 = %broadcast_in_dim3A_33) -> (vector<16xi32>)  : i32 {
      %mul3A_168 = arith.constant 16 : i32
      %mul3A_169 = arith.muli %scan3A_166, %mul3A_168 : i32
      %get3A = arith.constant 0 : i32
      %get3A_170 = arith.index_cast %get3A : i32 to index
      %get3A_171 = arith.index_cast %mul3A_169 : i32 to index
      %get3A_172 = tpu.vector_load %arg5[%get3A_170, %get3A_171] {strides = array<i32>} : memref<2x4096xf32, #tpu.memory_space<vmem>>, vector<16xf32>,
      %ne3A_173 = arith.constant 0.000000e+00 : f32
      %ne3A_174 = vector.broadcast %ne3A_173 : f32 to vector<16xf32>
      %ne3A_175 = arith.cmpf one, %get3A_172, %ne3A_174 : vector<16xf32>
      %all_reduce_population_count3A = tpu.all_reduce %ne3A_175 {dim = 0 : i64, kind = #tpu.reduction_kind<sum>} : vector<16xi1> -> vector<16xi32>
      %add3A_176 = arith.addi %scan3A_167, %all_reduce_population_count3A : vector<16xi32>
      %mul3A_177 = arith.constant 16 : i32
      %mul3A_178 = arith.muli %scan3A_166, %mul3A_177 : i32
      %swap3A_179 = arith.index_cast %mul3A_178 : i32 to index
      %swap3A_180 = tpu.vector_load %arg10[%swap3A_179] {strides = array<i32>} : memref<4096xi32, #tpu.memory_space<vmem>>, vector<16xi32>,
      tpu.vector_store %arg10[%swap3A_179], %broadcast_in_dim3A {strides = array<i32>} : memref<4096xi32, #tpu.memory_space<vmem>>, vector<16xi32>,
      %mul3A_181 = arith.constant 16 : i32
      %mul3A_182 = arith.muli %scan3A_166, %mul3A_181 : i32
      %add3A_183 = vector.broadcast %mul3A_182 : i32 to vector<16xi32>
      %add3A_184 = arith.addi %add3A_183, %iota3A : vector<16xi32>
      %mul3A_185 = arith.constant 16 : i32
      %mul3A_186 = arith.muli %scan3A_166, %mul3A_185 : i32
      %swap3A_187 = arith.index_cast %mul3A_186 : i32 to index
      %swap3A_188 = tpu.vector_load %arg9[%swap3A_187] {strides = array<i32>} : memref<4096xi32, #tpu.memory_space<vmem>>, vector<16xi32>,
      tpu.vector_store %arg9[%swap3A_187], %add3A_184 {strides = array<i32>} : memref<4096xi32, #tpu.memory_space<vmem>>, vector<16xi32>,
      %scan3A_189 = arith.constant 1 : i32
      %scan3A_190 = arith.addi %scan3A_166, %scan3A_189 : i32
      %mul3A_191 = arith.constant 16 : i32
      %mul3A_192 = arith.muli %scan3A_190, %mul3A_191 : i32
      %get3A_193 = arith.constant 0 : i32
      %get3A_194 = arith.index_cast %get3A_193 : i32 to index
      %get3A_195 = arith.index_cast %mul3A_192 : i32 to index
      %get3A_196 = tpu.vector_load %arg5[%get3A_194, %get3A_195] {strides = array<i32>} : memref<2x4096xf32, #tpu.memory_space<vmem>>, vector<16xf32>,
      %ne3A_197 = arith.constant 0.000000e+00 : f32
      %ne3A_198 = vector.broadcast %ne3A_197 : f32 to vector<16xf32>
      %ne3A_199 = arith.cmpf one, %get3A_196, %ne3A_198 : vector<16xf32>
      %all_reduce_population_count3A_200 = tpu.all_reduce %ne3A_199 {dim = 0 : i64, kind = #tpu.reduction_kind<sum>} : vector<16xi1> -> vector<16xi32>
      %add3A_201 = arith.addi %add3A_176, %all_reduce_population_count3A_200 : vector<16xi32>
      %mul3A_202 = arith.constant 16 : i32
      %mul3A_203 = arith.muli %scan3A_190, %mul3A_202 : i32
      %swap3A_204 = arith.index_cast %mul3A_203 : i32 to index
      %swap3A_205 = tpu.vector_load %arg10[%swap3A_204] {strides = array<i32>} : memref<4096xi32, #tpu.memory_space<vmem>>, vector<16xi32>,
      tpu.vector_store %arg10[%swap3A_204], %broadcast_in_dim3A {strides = array<i32>} : memref<4096xi32, #tpu.memory_space<vmem>>, vector<16xi32>,
      %mul3A_206 = arith.constant 16 : i32
      %mul3A_207 = arith.muli %scan3A_190, %mul3A_206 : i32
      %add3A_208 = vector.broadcast %mul3A_207 : i32 to vector<16xi32>
      %add3A_209 = arith.addi %add3A_208, %iota3A : vector<16xi32>
      %mul3A_210 = arith.constant 16 : i32
      %mul3A_211 = arith.muli %scan3A_190, %mul3A_210 : i32
      %swap3A_212 = arith.index_cast %mul3A_211 : i32 to index
      %swap3A_213 = tpu.vector_load %arg9[%swap3A_212] {strides = array<i32>} : memref<4096xi32, #tpu.memory_space<vmem>>, vector<16xi32>,
      tpu.vector_store %arg9[%swap3A_212], %add3A_209 {strides = array<i32>} : memref<4096xi32, #tpu.memory_space<vmem>>, vector<16xi32>,
      %scan3A_214 = arith.constant 2 : i32
      %scan3A_215 = arith.addi %scan3A_166, %scan3A_214 : i32
      %mul3A_216 = arith.constant 16 : i32
      %mul3A_217 = arith.muli %scan3A_215, %mul3A_216 : i32
      %get3A_218 = arith.constant 0 : i32
      %get3A_219 = arith.index_cast %get3A_218 : i32 to index
      %get3A_220 = arith.index_cast %mul3A_217 : i32 to index
      %get3A_221 = tpu.vector_load %arg5[%get3A_219, %get3A_220] {strides = array<i32>} : memref<2x4096xf32, #tpu.memory_space<vmem>>, vector<16xf32>,
      %ne3A_222 = arith.constant 0.000000e+00 : f32
      %ne3A_223 = vector.broadcast %ne3A_222 : f32 to vector<16xf32>
      %ne3A_224 = arith.cmpf one, %get3A_221, %ne3A_223 : vector<16xf32>
      %all_reduce_population_count3A_225 = tpu.all_reduce %ne3A_224 {dim = 0 : i64, kind = #tpu.reduction_kind<sum>} : vector<16xi1> -> vector<16xi32>
      %add3A_226 = arith.addi %add3A_201, %all_reduce_population_count3A_225 : vector<16xi32>
      %mul3A_227 = arith.constant 16 : i32
      %mul3A_228 = arith.muli %scan3A_215, %mul3A_227 : i32
      %swap3A_229 = arith.index_cast %mul3A_228 : i32 to index
      %swap3A_230 = tpu.vector_load %arg10[%swap3A_229] {strides = array<i32>} : memref<4096xi32, #tpu.memory_space<vmem>>, vector<16xi32>,
      tpu.vector_store %arg10[%swap3A_229], %broadcast_in_dim3A {strides = array<i32>} : memref<4096xi32, #tpu.memory_space<vmem>>, vector<16xi32>,
      %mul3A_231 = arith.constant 16 : i32
      %mul3A_232 = arith.muli %scan3A_215, %mul3A_231 : i32
      %add3A_233 = vector.broadcast %mul3A_232 : i32 to vector<16xi32>
      %add3A_234 = arith.addi %add3A_233, %iota3A : vector<16xi32>
      %mul3A_235 = arith.constant 16 : i32
      %mul3A_236 = arith.muli %scan3A_215, %mul3A_235 : i32
      %swap3A_237 = arith.index_cast %mul3A_236 : i32 to index
      %swap3A_238 = tpu.vector_load %arg9[%swap3A_237] {strides = array<i32>} : memref<4096xi32, #tpu.memory_space<vmem>>, vector<16xi32>,
      tpu.vector_store %arg9[%swap3A_237], %add3A_234 {strides = array<i32>} : memref<4096xi32, #tpu.memory_space<vmem>>, vector<16xi32>,
      %scan3A_239 = arith.constant 3 : i32
      %scan3A_240 = arith.addi %scan3A_166, %scan3A_239 : i32
      %mul3A_241 = arith.constant 16 : i32
      %mul3A_242 = arith.muli %scan3A_240, %mul3A_241 : i32
      %get3A_243 = arith.constant 0 : i32
      %get3A_244 = arith.index_cast %get3A_243 : i32 to index
      %get3A_245 = arith.index_cast %mul3A_242 : i32 to index
      %get3A_246 = tpu.vector_load %arg5[%get3A_244, %get3A_245] {strides = array<i32>} : memref<2x4096xf32, #tpu.memory_space<vmem>>, vector<16xf32>,
      %ne3A_247 = arith.constant 0.000000e+00 : f32
      %ne3A_248 = vector.broadcast %ne3A_247 : f32 to vector<16xf32>
      %ne3A_249 = arith.cmpf one, %get3A_246, %ne3A_248 : vector<16xf32>
      %all_reduce_population_count3A_250 = tpu.all_reduce %ne3A_249 {dim = 0 : i64, kind = #tpu.reduction_kind<sum>} : vector<16xi1> -> vector<16xi32>
      %add3A_251 = arith.addi %add3A_226, %all_reduce_population_count3A_250 : vector<16xi32>
      %mul3A_252 = arith.constant 16 : i32
      %mul3A_253 = arith.muli %scan3A_240, %mul3A_252 : i32
      %swap3A_254 = arith.index_cast %mul3A_253 : i32 to index
      %swap3A_255 = tpu.vector_load %arg10[%swap3A_254] {strides = array<i32>} : memref<4096xi32, #tpu.memory_space<vmem>>, vector<16xi32>,
      tpu.vector_store %arg10[%swap3A_254], %broadcast_in_dim3A {strides = array<i32>} : memref<4096xi32, #tpu.memory_space<vmem>>, vector<16xi32>,
      %mul3A_256 = arith.constant 16 : i32
      %mul3A_257 = arith.muli %scan3A_240, %mul3A_256 : i32
      %add3A_258 = vector.broadcast %mul3A_257 : i32 to vector<16xi32>
      %add3A_259 = arith.addi %add3A_258, %iota3A : vector<16xi32>
      %mul3A_260 = arith.constant 16 : i32
      %mul3A_261 = arith.muli %scan3A_240, %mul3A_260 : i32
      %swap3A_262 = arith.index_cast %mul3A_261 : i32 to index
      %swap3A_263 = tpu.vector_load %arg9[%swap3A_262] {strides = array<i32>} : memref<4096xi32, #tpu.memory_space<vmem>>, vector<16xi32>,
      tpu.vector_store %arg9[%swap3A_262], %add3A_259 {strides = array<i32>} : memref<4096xi32, #tpu.memory_space<vmem>>, vector<16xi32>,
      %scan3A_264 = arith.constant 4 : i32
      %scan3A_265 = arith.addi %scan3A_166, %scan3A_264 : i32
      %mul3A_266 = arith.constant 16 : i32
      %mul3A_267 = arith.muli %scan3A_265, %mul3A_266 : i32
      %get3A_268 = arith.constant 0 : i32
      %get3A_269 = arith.index_cast %get3A_268 : i32 to index
      %get3A_270 = arith.index_cast %mul3A_267 : i32 to index
      %get3A_271 = tpu.vector_load %arg5[%get3A_269, %get3A_270] {strides = array<i32>} : memref<2x4096xf32, #tpu.memory_space<vmem>>, vector<16xf32>,
      %ne3A_272 = arith.constant 0.000000e+00 : f32
      %ne3A_273 = vector.broadcast %ne3A_272 : f32 to vector<16xf32>
      %ne3A_274 = arith.cmpf one, %get3A_271, %ne3A_273 : vector<16xf32>
      %all_reduce_population_count3A_275 = tpu.all_reduce %ne3A_274 {dim = 0 : i64, kind = #tpu.reduction_kind<sum>} : vector<16xi1> -> vector<16xi32>
      %add3A_276 = arith.addi %add3A_251, %all_reduce_population_count3A_275 : vector<16xi32>
      %mul3A_277 = arith.constant 16 : i32
      %mul3A_278 = arith.muli %scan3A_265, %mul3A_277 : i32
      %swap3A_279 = arith.index_cast %mul3A_278 : i32 to index
      %swap3A_280 = tpu.vector_load %arg10[%swap3A_279] {strides = array<i32>} : memref<4096xi32, #tpu.memory_space<vmem>>, vector<16xi32>,
      tpu.vector_store %arg10[%swap3A_279], %broadcast_in_dim3A {strides = array<i32>} : memref<4096xi32, #tpu.memory_space<vmem>>, vector<16xi32>,
      %mul3A_281 = arith.constant 16 : i32
      %mul3A_282 = arith.muli %scan3A_265, %mul3A_281 : i32
      %add3A_283 = vector.broadcast %mul3A_282 : i32 to vector<16xi32>
      %add3A_284 = arith.addi %add3A_283, %iota3A : vector<16xi32>
      %mul3A_285 = arith.constant 16 : i32
      %mul3A_286 = arith.muli %scan3A_265, %mul3A_285 : i32
      %swap3A_287 = arith.index_cast %mul3A_286 : i32 to index
      %swap3A_288 = tpu.vector_load %arg9[%swap3A_287] {strides = array<i32>} : memref<4096xi32, #tpu.memory_space<vmem>>, vector<16xi32>,
      tpu.vector_store %arg9[%swap3A_287], %add3A_284 {strides = array<i32>} : memref<4096xi32, #tpu.memory_space<vmem>>, vector<16xi32>,
      %scan3A_289 = arith.constant 5 : i32
      %scan3A_290 = arith.addi %scan3A_166, %scan3A_289 : i32
      %mul3A_291 = arith.constant 16 : i32
      %mul3A_292 = arith.muli %scan3A_290, %mul3A_291 : i32
      %get3A_293 = arith.constant 0 : i32
      %get3A_294 = arith.index_cast %get3A_293 : i32 to index
      %get3A_295 = arith.index_cast %mul3A_292 : i32 to index
      %get3A_296 = tpu.vector_load %arg5[%get3A_294, %get3A_295] {strides = array<i32>} : memref<2x4096xf32, #tpu.memory_space<vmem>>, vector<16xf32>,
      %ne3A_297 = arith.constant 0.000000e+00 : f32
      %ne3A_298 = vector.broadcast %ne3A_297 : f32 to vector<16xf32>
      %ne3A_299 = arith.cmpf one, %get3A_296, %ne3A_298 : vector<16xf32>
      %all_reduce_population_count3A_300 = tpu.all_reduce %ne3A_299 {dim = 0 : i64, kind = #tpu.reduction_kind<sum>} : vector<16xi1> -> vector<16xi32>
      %add3A_301 = arith.addi %add3A_276, %all_reduce_population_count3A_300 : vector<16xi32>
      %mul3A_302 = arith.constant 16 : i32
      %mul3A_303 = arith.muli %scan3A_290, %mul3A_302 : i32
      %swap3A_304 = arith.index_cast %mul3A_303 : i32 to index
      %swap3A_305 = tpu.vector_load %arg10[%swap3A_304] {strides = array<i32>} : memref<4096xi32, #tpu.memory_space<vmem>>, vector<16xi32>,
      tpu.vector_store %arg10[%swap3A_304], %broadcast_in_dim3A {strides = array<i32>} : memref<4096xi32, #tpu.memory_space<vmem>>, vector<16xi32>,
      %mul3A_306 = arith.constant 16 : i32
      %mul3A_307 = arith.muli %scan3A_290, %mul3A_306 : i32
      %add3A_308 = vector.broadcast %mul3A_307 : i32 to vector<16xi32>
      %add3A_309 = arith.addi %add3A_308, %iota3A : vector<16xi32>
      %mul3A_310 = arith.constant 16 : i32
      %mul3A_311 = arith.muli %scan3A_290, %mul3A_310 : i32
      %swap3A_312 = arith.index_cast %mul3A_311 : i32 to index
      %swap3A_313 = tpu.vector_load %arg9[%swap3A_312] {strides = array<i32>} : memref<4096xi32, #tpu.memory_space<vmem>>, vector<16xi32>,
      tpu.vector_store %arg9[%swap3A_312], %add3A_309 {strides = array<i32>} : memref<4096xi32, #tpu.memory_space<vmem>>, vector<16xi32>,
      %scan3A_314 = arith.constant 6 : i32
      %scan3A_315 = arith.addi %scan3A_166, %scan3A_314 : i32
      %mul3A_316 = arith.constant 16 : i32
      %mul3A_317 = arith.muli %scan3A_315, %mul3A_316 : i32
      %get3A_318 = arith.constant 0 : i32
      %get3A_319 = arith.index_cast %get3A_318 : i32 to index
      %get3A_320 = arith.index_cast %mul3A_317 : i32 to index
      %get3A_321 = tpu.vector_load %arg5[%get3A_319, %get3A_320] {strides = array<i32>} : memref<2x4096xf32, #tpu.memory_space<vmem>>, vector<16xf32>,
      %ne3A_322 = arith.constant 0.000000e+00 : f32
      %ne3A_323 = vector.broadcast %ne3A_322 : f32 to vector<16xf32>
      %ne3A_324 = arith.cmpf one, %get3A_321, %ne3A_323 : vector<16xf32>
      %all_reduce_population_count3A_325 = tpu.all_reduce %ne3A_324 {dim = 0 : i64, kind = #tpu.reduction_kind<sum>} : vector<16xi1> -> vector<16xi32>
      %add3A_326 = arith.addi %add3A_301, %all_reduce_population_count3A_325 : vector<16xi32>
      %mul3A_327 = arith.constant 16 : i32
      %mul3A_328 = arith.muli %scan3A_315, %mul3A_327 : i32
      %swap3A_329 = arith.index_cast %mul3A_328 : i32 to index
      %swap3A_330 = tpu.vector_load %arg10[%swap3A_329] {strides = array<i32>} : memref<4096xi32, #tpu.memory_space<vmem>>, vector<16xi32>,
      tpu.vector_store %arg10[%swap3A_329], %broadcast_in_dim3A {strides = array<i32>} : memref<4096xi32, #tpu.memory_space<vmem>>, vector<16xi32>,
      %mul3A_331 = arith.constant 16 : i32
      %mul3A_332 = arith.muli %scan3A_315, %mul3A_331 : i32
      %add3A_333 = vector.broadcast %mul3A_332 : i32 to vector<16xi32>
      %add3A_334 = arith.addi %add3A_333, %iota3A : vector<16xi32>
      %mul3A_335 = arith.constant 16 : i32
      %mul3A_336 = arith.muli %scan3A_315, %mul3A_335 : i32
      %swap3A_337 = arith.index_cast %mul3A_336 : i32 to index
      %swap3A_338 = tpu.vector_load %arg9[%swap3A_337] {strides = array<i32>} : memref<4096xi32, #tpu.memory_space<vmem>>, vector<16xi32>,
      tpu.vector_store %arg9[%swap3A_337], %add3A_334 {strides = array<i32>} : memref<4096xi32, #tpu.memory_space<vmem>>, vector<16xi32>,
      %scan3A_339 = arith.constant 7 : i32
      %scan3A_340 = arith.addi %scan3A_166, %scan3A_339 : i32
      %mul3A_341 = arith.constant 16 : i32
      %mul3A_342 = arith.muli %scan3A_340, %mul3A_341 : i32
      %get3A_343 = arith.constant 0 : i32
      %get3A_344 = arith.index_cast %get3A_343 : i32 to index
      %get3A_345 = arith.index_cast %mul3A_342 : i32 to index
      %get3A_346 = tpu.vector_load %arg5[%get3A_344, %get3A_345] {strides = array<i32>} : memref<2x4096xf32, #tpu.memory_space<vmem>>, vector<16xf32>,
      %ne3A_347 = arith.constant 0.000000e+00 : f32
      %ne3A_348 = vector.broadcast %ne3A_347 : f32 to vector<16xf32>
      %ne3A_349 = arith.cmpf one, %get3A_346, %ne3A_348 : vector<16xf32>
      %all_reduce_population_count3A_350 = tpu.all_reduce %ne3A_349 {dim = 0 : i64, kind = #tpu.reduction_kind<sum>} : vector<16xi1> -> vector<16xi32>
      %add3A_351 = arith.addi %add3A_326, %all_reduce_population_count3A_350 : vector<16xi32>
      %mul3A_352 = arith.constant 16 : i32
      %mul3A_353 = arith.muli %scan3A_340, %mul3A_352 : i32
      %swap3A_354 = arith.index_cast %mul3A_353 : i32 to index
      %swap3A_355 = tpu.vector_load %arg10[%swap3A_354] {strides = array<i32>} : memref<4096xi32, #tpu.memory_space<vmem>>, vector<16xi32>,
      tpu.vector_store %arg10[%swap3A_354], %broadcast_in_dim3A {strides = array<i32>} : memref<4096xi32, #tpu.memory_space<vmem>>, vector<16xi32>,
      %mul3A_356 = arith.constant 16 : i32
      %mul3A_357 = arith.muli %scan3A_340, %mul3A_356 : i32
      %add3A_358 = vector.broadcast %mul3A_357 : i32 to vector<16xi32>
      %add3A_359 = arith.addi %add3A_358, %iota3A : vector<16xi32>
      %mul3A_360 = arith.constant 16 : i32
      %mul3A_361 = arith.muli %scan3A_340, %mul3A_360 : i32
      %swap3A_362 = arith.index_cast %mul3A_361 : i32 to index
      %swap3A_363 = tpu.vector_load %arg9[%swap3A_362] {strides = array<i32>} : memref<4096xi32, #tpu.memory_space<vmem>>, vector<16xi32>,
      tpu.vector_store %arg9[%swap3A_362], %add3A_359 {strides = array<i32>} : memref<4096xi32, #tpu.memory_space<vmem>>, vector<16xi32>,
      scf.yield %add3A_351 : vector<16xi32>
    }
    %scan3A_50 = arith.constant 256 : i32
    %dma_wait3A_51 = arith.constant 1 : i32
    %dma_wait3A_52 = arith.constant 0 : i32
    %dma_wait3A_53 = tpu.memref_slice %arg5[%dma_wait3A_51, %dma_wait3A_52] : memref<2x4096xf32, #tpu.memory_space<vmem>> -> memref<1x4096xf32, #tpu.memory_space<vmem>>
    %dma_wait3A_54 = tpu.memref_squeeze %dma_wait3A_53 : memref<1x4096xf32, #tpu.memory_space<vmem>> -> memref<4096xf32, #tpu.memory_space<vmem>>
    %dma_wait3A_55 = arith.constant 0 : i32
    %dma_wait3A_56 = tpu.memref_slice %arg2[%add3A_18, %dma_wait3A_55] : memref<32x4096xf32, #tpu.memory_space<hbm>> -> memref<1x4096xf32, #tpu.memory_space<hbm>>
    %dma_wait3A_57 = tpu.memref_squeeze %dma_wait3A_56 : memref<1x4096xf32, #tpu.memory_space<hbm>> -> memref<4096xf32, #tpu.memory_space<hbm>>
    %dma_wait3A_58 = arith.constant 0 : i32
    %dma_wait3A_59 = tpu.memref_slice %arg5[%dma_wait3A_51, %dma_wait3A_58] : memref<2x4096xf32, #tpu.memory_space<vmem>> -> memref<1x4096xf32, #tpu.memory_space<vmem>>
    %dma_wait3A_60 = tpu.memref_squeeze %dma_wait3A_59 : memref<1x4096xf32, #tpu.memory_space<vmem>> -> memref<4096xf32, #tpu.memory_space<vmem>>
    %dma_wait3A_61 = arith.constant 0 : i32
    %dma_wait3A_62 = tpu.memref_slice %arg2[%add3A_18, %dma_wait3A_61] : memref<32x4096xf32, #tpu.memory_space<hbm>> -> memref<1x4096xf32, #tpu.memory_space<hbm>>
    %dma_wait3A_63 = tpu.memref_squeeze %dma_wait3A_62 : memref<1x4096xf32, #tpu.memory_space<hbm>> -> memref<4096xf32, #tpu.memory_space<hbm>>
    tpu.wait_dma2 semaphore(%arg13 : memref<!tpu.dma_semaphore, #tpu.memory_space<semaphore_mem>>) src(%dma_wait3A_63 : memref<4096xf32, #tpu.memory_space<hbm>>) dst(%dma_wait3A_60 : memref<4096xf32, #tpu.memory_space<vmem>>)
    %scan3A_64 = arith.constant 0 : i32
    %scan3A_65 = arith.constant 256 : i32
    %scan3A_66 = arith.addi %scan3A_64, %scan3A_65 : i32
    %scan3A_67 = arith.constant 8 : i32
    %scan3A_68 = scf.for %scan3A_166 = %scan3A_64 to %scan3A_66 step %scan3A_67 iter_args(%scan3A_167 = %broadcast_in_dim3A_33) -> (vector<16xi32>)  : i32 {
      %mul3A_168 = arith.constant 16 : i32
      %mul3A_169 = arith.muli %scan3A_166, %mul3A_168 : i32
      %get3A = arith.constant 1 : i32
      %get3A_170 = arith.index_cast %get3A : i32 to index
      %get3A_171 = arith.index_cast %mul3A_169 : i32 to index
      %get3A_172 = tpu.vector_load %arg5[%get3A_170, %get3A_171] {strides = array<i32>} : memref<2x4096xf32, #tpu.memory_space<vmem>>, vector<16xf32>,
      %ne3A_173 = arith.constant 0.000000e+00 : f32
      %ne3A_174 = vector.broadcast %ne3A_173 : f32 to vector<16xf32>
      %ne3A_175 = arith.cmpf one, %get3A_172, %ne3A_174 : vector<16xf32>
      %all_reduce_population_count3A = tpu.all_reduce %ne3A_175 {dim = 0 : i64, kind = #tpu.reduction_kind<sum>} : vector<16xi1> -> vector<16xi32>
      %add3A_176 = arith.addi %scan3A_167, %all_reduce_population_count3A : vector<16xi32>
      %scan3A_177 = arith.constant 1 : i32
      %scan3A_178 = arith.addi %scan3A_166, %scan3A_177 : i32
      %mul3A_179 = arith.constant 16 : i32
      %mul3A_180 = arith.muli %scan3A_178, %mul3A_179 : i32
      %get3A_181 = arith.constant 1 : i32
      %get3A_182 = arith.index_cast %get3A_181 : i32 to index
      %get3A_183 = arith.index_cast %mul3A_180 : i32 to index
      %get3A_184 = tpu.vector_load %arg5[%get3A_182, %get3A_183] {strides = array<i32>} : memref<2x4096xf32, #tpu.memory_space<vmem>>, vector<16xf32>,
      %ne3A_185 = arith.constant 0.000000e+00 : f32
      %ne3A_186 = vector.broadcast %ne3A_185 : f32 to vector<16xf32>
      %ne3A_187 = arith.cmpf one, %get3A_184, %ne3A_186 : vector<16xf32>
      %all_reduce_population_count3A_188 = tpu.all_reduce %ne3A_187 {dim = 0 : i64, kind = #tpu.reduction_kind<sum>} : vector<16xi1> -> vector<16xi32>
      %add3A_189 = arith.addi %add3A_176, %all_reduce_population_count3A_188 : vector<16xi32>
      %scan3A_190 = arith.constant 2 : i32
      %scan3A_191 = arith.addi %scan3A_166, %scan3A_190 : i32
      %mul3A_192 = arith.constant 16 : i32
      %mul3A_193 = arith.muli %scan3A_191, %mul3A_192 : i32
      %get3A_194 = arith.constant 1 : i32
      %get3A_195 = arith.index_cast %get3A_194 : i32 to index
      %get3A_196 = arith.index_cast %mul3A_193 : i32 to index
      %get3A_197 = tpu.vector_load %arg5[%get3A_195, %get3A_196] {strides = array<i32>} : memref<2x4096xf32, #tpu.memory_space<vmem>>, vector<16xf32>,
      %ne3A_198 = arith.constant 0.000000e+00 : f32
      %ne3A_199 = vector.broadcast %ne3A_198 : f32 to vector<16xf32>
      %ne3A_200 = arith.cmpf one, %get3A_197, %ne3A_199 : vector<16xf32>
      %all_reduce_population_count3A_201 = tpu.all_reduce %ne3A_200 {dim = 0 : i64, kind = #tpu.reduction_kind<sum>} : vector<16xi1> -> vector<16xi32>
      %add3A_202 = arith.addi %add3A_189, %all_reduce_population_count3A_201 : vector<16xi32>
      %scan3A_203 = arith.constant 3 : i32
      %scan3A_204 = arith.addi %scan3A_166, %scan3A_203 : i32
      %mul3A_205 = arith.constant 16 : i32
      %mul3A_206 = arith.muli %scan3A_204, %mul3A_205 : i32
      %get3A_207 = arith.constant 1 : i32
      %get3A_208 = arith.index_cast %get3A_207 : i32 to index
      %get3A_209 = arith.index_cast %mul3A_206 : i32 to index
      %get3A_210 = tpu.vector_load %arg5[%get3A_208, %get3A_209] {strides = array<i32>} : memref<2x4096xf32, #tpu.memory_space<vmem>>, vector<16xf32>,
      %ne3A_211 = arith.constant 0.000000e+00 : f32
      %ne3A_212 = vector.broadcast %ne3A_211 : f32 to vector<16xf32>
      %ne3A_213 = arith.cmpf one, %get3A_210, %ne3A_212 : vector<16xf32>
      %all_reduce_population_count3A_214 = tpu.all_reduce %ne3A_213 {dim = 0 : i64, kind = #tpu.reduction_kind<sum>} : vector<16xi1> -> vector<16xi32>
      %add3A_215 = arith.addi %add3A_202, %all_reduce_population_count3A_214 : vector<16xi32>
      %scan3A_216 = arith.constant 4 : i32
      %scan3A_217 = arith.addi %scan3A_166, %scan3A_216 : i32
      %mul3A_218 = arith.constant 16 : i32
      %mul3A_219 = arith.muli %scan3A_217, %mul3A_218 : i32
      %get3A_220 = arith.constant 1 : i32
      %get3A_221 = arith.index_cast %get3A_220 : i32 to index
      %get3A_222 = arith.index_cast %mul3A_219 : i32 to index
      %get3A_223 = tpu.vector_load %arg5[%get3A_221, %get3A_222] {strides = array<i32>} : memref<2x4096xf32, #tpu.memory_space<vmem>>, vector<16xf32>,
      %ne3A_224 = arith.constant 0.000000e+00 : f32
      %ne3A_225 = vector.broadcast %ne3A_224 : f32 to vector<16xf32>
      %ne3A_226 = arith.cmpf one, %get3A_223, %ne3A_225 : vector<16xf32>
      %all_reduce_population_count3A_227 = tpu.all_reduce %ne3A_226 {dim = 0 : i64, kind = #tpu.reduction_kind<sum>} : vector<16xi1> -> vector<16xi32>
      %add3A_228 = arith.addi %add3A_215, %all_reduce_population_count3A_227 : vector<16xi32>
      %scan3A_229 = arith.constant 5 : i32
      %scan3A_230 = arith.addi %scan3A_166, %scan3A_229 : i32
      %mul3A_231 = arith.constant 16 : i32
      %mul3A_232 = arith.muli %scan3A_230, %mul3A_231 : i32
      %get3A_233 = arith.constant 1 : i32
      %get3A_234 = arith.index_cast %get3A_233 : i32 to index
      %get3A_235 = arith.index_cast %mul3A_232 : i32 to index
      %get3A_236 = tpu.vector_load %arg5[%get3A_234, %get3A_235] {strides = array<i32>} : memref<2x4096xf32, #tpu.memory_space<vmem>>, vector<16xf32>,
      %ne3A_237 = arith.constant 0.000000e+00 : f32
      %ne3A_238 = vector.broadcast %ne3A_237 : f32 to vector<16xf32>
      %ne3A_239 = arith.cmpf one, %get3A_236, %ne3A_238 : vector<16xf32>
      %all_reduce_population_count3A_240 = tpu.all_reduce %ne3A_239 {dim = 0 : i64, kind = #tpu.reduction_kind<sum>} : vector<16xi1> -> vector<16xi32>
      %add3A_241 = arith.addi %add3A_228, %all_reduce_population_count3A_240 : vector<16xi32>
      %scan3A_242 = arith.constant 6 : i32
      %scan3A_243 = arith.addi %scan3A_166, %scan3A_242 : i32
      %mul3A_244 = arith.constant 16 : i32
      %mul3A_245 = arith.muli %scan3A_243, %mul3A_244 : i32
      %get3A_246 = arith.constant 1 : i32
      %get3A_247 = arith.index_cast %get3A_246 : i32 to index
      %get3A_248 = arith.index_cast %mul3A_245 : i32 to index
      %get3A_249 = tpu.vector_load %arg5[%get3A_247, %get3A_248] {strides = array<i32>} : memref<2x4096xf32, #tpu.memory_space<vmem>>, vector<16xf32>,
      %ne3A_250 = arith.constant 0.000000e+00 : f32
      %ne3A_251 = vector.broadcast %ne3A_250 : f32 to vector<16xf32>
      %ne3A_252 = arith.cmpf one, %get3A_249, %ne3A_251 : vector<16xf32>
      %all_reduce_population_count3A_253 = tpu.all_reduce %ne3A_252 {dim = 0 : i64, kind = #tpu.reduction_kind<sum>} : vector<16xi1> -> vector<16xi32>
      %add3A_254 = arith.addi %add3A_241, %all_reduce_population_count3A_253 : vector<16xi32>
      %scan3A_255 = arith.constant 7 : i32
      %scan3A_256 = arith.addi %scan3A_166, %scan3A_255 : i32
      %mul3A_257 = arith.constant 16 : i32
      %mul3A_258 = arith.muli %scan3A_256, %mul3A_257 : i32
      %get3A_259 = arith.constant 1 : i32
      %get3A_260 = arith.index_cast %get3A_259 : i32 to index
      %get3A_261 = arith.index_cast %mul3A_258 : i32 to index
      %get3A_262 = tpu.vector_load %arg5[%get3A_260, %get3A_261] {strides = array<i32>} : memref<2x4096xf32, #tpu.memory_space<vmem>>, vector<16xf32>,
      %ne3A_263 = arith.constant 0.000000e+00 : f32
      %ne3A_264 = vector.broadcast %ne3A_263 : f32 to vector<16xf32>
      %ne3A_265 = arith.cmpf one, %get3A_262, %ne3A_264 : vector<16xf32>
      %all_reduce_population_count3A_266 = tpu.all_reduce %ne3A_265 {dim = 0 : i64, kind = #tpu.reduction_kind<sum>} : vector<16xi1> -> vector<16xi32>
      %add3A_267 = arith.addi %add3A_254, %all_reduce_population_count3A_266 : vector<16xi32>
      scf.yield %add3A_267 : vector<16xi32>
    }
    %scan3A_69 = arith.constant 256 : i32
    %eq3A = arith.constant 0 : i32
    %eq3A_70 = vector.broadcast %eq3A : i32 to vector<16xi32>
    %eq3A_71 = arith.cmpi eq, %iota3A, %eq3A_70 : vector<16xi32>
    %eq3A_72 = arith.constant 1 : i32
    %eq3A_73 = vector.broadcast %eq3A_72 : i32 to vector<16xi32>
    %eq3A_74 = arith.cmpi eq, %iota3A, %eq3A_73 : vector<16xi32>
    %jit3A = arith.constant 0 : i32
    %broadcast_in_dim3A_75 = vector.broadcast %jit3A : i32 to vector<16xi32>
    %select_n3A = arith.select %eq3A_74, %scan3A_68, %broadcast_in_dim3A_75 : vector<16xi1>, vector<16xi32>
    %select_n3A_76 = arith.select %eq3A_71, %scan3A_49, %select_n3A : vector<16xi1>, vector<16xi32>
    %swap3A = arith.constant 0 : index
    %swap3A_77 = tpu.vector_load %arg8[%swap3A] {strides = array<i32>} : memref<16xi32, #tpu.memory_space<vmem>>, vector<16xi32>,
    tpu.vector_store %arg8[%swap3A], %select_n3A_76 {strides = array<i32>} : memref<16xi32, #tpu.memory_space<vmem>>, vector<16xi32>,
    %add3A_78 = arith.constant 32 : i32
    %add3A_79 = arith.addi %add3A_78, %arg1 : i32
    "tpu.region"() ({
      %run_scoped3A = tpu.sem_alloc : memref<!tpu.dma_semaphore, #tpu.memory_space<semaphore_mem>>
      %dma_start3A_166 = arith.constant 0 : i32
      %dma_start3A_167 = tpu.memref_slice %arg12[%add3A_79, %dma_start3A_166] : memref<48x16xi32, #tpu.memory_space<vmem_shared>> -> memref<1x16xi32, #tpu.memory_space<vmem_shared>>
      %dma_start3A_168 = tpu.memref_squeeze %dma_start3A_167 : memref<1x16xi32, #tpu.memory_space<vmem_shared>> -> memref<16xi32, #tpu.memory_space<vmem_shared>>
      %dma_start3A_169 = arith.constant 0 : i32
      %dma_start3A_170 = tpu.memref_slice %arg12[%add3A_79, %dma_start3A_169] : memref<48x16xi32, #tpu.memory_space<vmem_shared>> -> memref<1x16xi32, #tpu.memory_space<vmem_shared>>
      %dma_start3A_171 = tpu.memref_squeeze %dma_start3A_170 : memref<1x16xi32, #tpu.memory_space<vmem_shared>> -> memref<16xi32, #tpu.memory_space<vmem_shared>>
      tpu.enqueue_dma source(%arg8 : memref<16xi32, #tpu.memory_space<vmem>>) target(%dma_start3A_171 : memref<16xi32, #tpu.memory_space<vmem_shared>>) target_semaphore(%run_scoped3A : memref<!tpu.dma_semaphore, #tpu.memory_space<semaphore_mem>>)
      %dma_wait3A_172 = arith.constant 0 : i32
      %dma_wait3A_173 = tpu.memref_slice %arg12[%add3A_79, %dma_wait3A_172] : memref<48x16xi32, #tpu.memory_space<vmem_shared>> -> memref<1x16xi32, #tpu.memory_space<vmem_shared>>
      %dma_wait3A_174 = tpu.memref_squeeze %dma_wait3A_173 : memref<1x16xi32, #tpu.memory_space<vmem_shared>> -> memref<16xi32, #tpu.memory_space<vmem_shared>>
      %dma_wait3A_175 = arith.constant 0 : i32
      %dma_wait3A_176 = tpu.memref_slice %arg12[%add3A_79, %dma_wait3A_175] : memref<48x16xi32, #tpu.memory_space<vmem_shared>> -> memref<1x16xi32, #tpu.memory_space<vmem_shared>>
      %dma_wait3A_177 = tpu.memref_squeeze %dma_wait3A_176 : memref<1x16xi32, #tpu.memory_space<vmem_shared>> -> memref<16xi32, #tpu.memory_space<vmem_shared>>
      tpu.wait_dma2 semaphore(%run_scoped3A : memref<!tpu.dma_semaphore, #tpu.memory_space<semaphore_mem>>) src(%arg8 : memref<16xi32, #tpu.memory_space<vmem>>) dst(%dma_wait3A_177 : memref<16xi32, #tpu.memory_space<vmem_shared>>)
      tpu.yield
    }) : () -> ()
    %barrier3A = arith.constant 0 : index
    tpu.barrier barrier_id(%barrier3A)
    "tpu.region"() ({
      %run_scoped3A = tpu.sem_alloc : memref<!tpu.dma_semaphore, #tpu.memory_space<semaphore_mem>>
      %dma_start3A_166 = arith.constant 32 : i32
      %dma_start3A_167 = arith.constant 0 : i32
      %dma_start3A_168 = tpu.memref_slice %arg12[%dma_start3A_166, %dma_start3A_167] : memref<48x16xi32, #tpu.memory_space<vmem_shared>> -> memref<16x16xi32, #tpu.memory_space<vmem_shared>>
      %dma_start3A_169 = arith.constant 32 : i32
      %dma_start3A_170 = arith.constant 0 : i32
      %dma_start3A_171 = tpu.memref_slice %arg12[%dma_start3A_169, %dma_start3A_170] : memref<48x16xi32, #tpu.memory_space<vmem_shared>> -> memref<16x16xi32, #tpu.memory_space<vmem_shared>>
      tpu.enqueue_dma source(%dma_start3A_171 : memref<16x16xi32, #tpu.memory_space<vmem_shared>>) target(%arg7 : memref<16x16xi32, #tpu.memory_space<vmem>>) target_semaphore(%run_scoped3A : memref<!tpu.dma_semaphore, #tpu.memory_space<semaphore_mem>>)
      %dma_wait3A_172 = arith.constant 32 : i32
      %dma_wait3A_173 = arith.constant 0 : i32
      %dma_wait3A_174 = tpu.memref_slice %arg12[%dma_wait3A_172, %dma_wait3A_173] : memref<48x16xi32, #tpu.memory_space<vmem_shared>> -> memref<16x16xi32, #tpu.memory_space<vmem_shared>>
      %dma_wait3A_175 = arith.constant 32 : i32
      %dma_wait3A_176 = arith.constant 0 : i32
      %dma_wait3A_177 = tpu.memref_slice %arg12[%dma_wait3A_175, %dma_wait3A_176] : memref<48x16xi32, #tpu.memory_space<vmem_shared>> -> memref<16x16xi32, #tpu.memory_space<vmem_shared>>
      tpu.wait_dma2 semaphore(%run_scoped3A : memref<!tpu.dma_semaphore, #tpu.memory_space<semaphore_mem>>) src(%dma_wait3A_177 : memref<16x16xi32, #tpu.memory_space<vmem_shared>>) dst(%arg7 : memref<16x16xi32, #tpu.memory_space<vmem>>)
      tpu.yield
    }) : () -> ()
    %shift_right_arithmetic3A = arith.constant 1 : i32
    %shift_right_arithmetic3A_80 = vector.broadcast %shift_right_arithmetic3A : i32 to vector<16xi32>
    %shift_right_arithmetic3A_81 = arith.shrsi %iota3A, %shift_right_arithmetic3A_80 : vector<16xi32>
    %and3A = arith.constant 1 : i32
    %and3A_82 = vector.broadcast %and3A : i32 to vector<16xi32>
    %and3A_83 = arith.andi %iota3A, %and3A_82 : vector<16xi32>
    %gather3A = tpu.vector_load_idx %arg7[%shift_right_arithmetic3A_81, %and3A_83] : memref<16x16xi32, #tpu.memory_space<vmem>>[vector<16xi32>, vector<16xi32>], vector<16xi32>,
    %add3A_84 = arith.constant 16 : i32
    %add3A_85 = vector.broadcast %add3A_84 : i32 to vector<16xi32>
    %add3A_86 = arith.addi %iota3A, %add3A_85 : vector<16xi32>
    %shift_right_arithmetic3A_87 = arith.constant 1 : i32
    %shift_right_arithmetic3A_88 = vector.broadcast %shift_right_arithmetic3A_87 : i32 to vector<16xi32>
    %shift_right_arithmetic3A_89 = arith.shrsi %add3A_86, %shift_right_arithmetic3A_88 : vector<16xi32>
    %and3A_90 = arith.constant 1 : i32
    %and3A_91 = vector.broadcast %and3A_90 : i32 to vector<16xi32>
    %and3A_92 = arith.andi %add3A_86, %and3A_91 : vector<16xi32>
    %gather3A_93 = tpu.vector_load_idx %arg7[%shift_right_arithmetic3A_89, %and3A_92] : memref<16x16xi32, #tpu.memory_space<vmem>>[vector<16xi32>, vector<16xi32>], vector<16xi32>,
    %lt3A = vector.broadcast %add3A : i32 to vector<16xi32>
    %lt3A_94 = arith.cmpi slt, %iota3A, %lt3A : vector<16xi32>
    %jit3A_95 = arith.constant 0 : i32
    %broadcast_in_dim3A_96 = vector.broadcast %jit3A_95 : i32 to vector<16xi32>
    %select_n3A_97 = arith.select %lt3A_94, %gather3A, %broadcast_in_dim3A_96 : vector<16xi1>, vector<16xi32>
    %reduce_sum3A = arith.constant true
    %reduce_sum3A_98 = vector.broadcast %reduce_sum3A : i1 to vector<16xi1>
    %reduce_sum3A_99 = tpu.scan <sum>, %select_n3A_97 masked %reduce_sum3A_98 : vector<16xi32>, vector<16xi1> -> vector<16xi32>
    %reduce_sum3A_100 = vector.extract %reduce_sum3A_99[15] : i32 from vector<16xi32>
    %lt3A_101 = vector.broadcast %add3A : i32 to vector<16xi32>
    %lt3A_102 = arith.cmpi slt, %add3A_86, %lt3A_101 : vector<16xi32>
    %jit3A_103 = arith.constant 0 : i32
    %broadcast_in_dim3A_104 = vector.broadcast %jit3A_103 : i32 to vector<16xi32>
    %select_n3A_105 = arith.select %lt3A_102, %gather3A_93, %broadcast_in_dim3A_104 : vector<16xi1>, vector<16xi32>
    %reduce_sum3A_106 = arith.constant true
    %reduce_sum3A_107 = vector.broadcast %reduce_sum3A_106 : i1 to vector<16xi1>
    %reduce_sum3A_108 = tpu.scan <sum>, %select_n3A_105 masked %reduce_sum3A_107 : vector<16xi32>, vector<16xi1> -> vector<16xi32>
    %reduce_sum3A_109 = vector.extract %reduce_sum3A_108[15] : i32 from vector<16xi32>
    %add3A_110 = arith.addi %reduce_sum3A_100, %reduce_sum3A_109 : i32
    %eq3A_111 = vector.broadcast %add3A : i32 to vector<16xi32>
    %eq3A_112 = arith.cmpi eq, %iota3A, %eq3A_111 : vector<16xi32>
    %jit3A_113 = arith.constant 0 : i32
    %broadcast_in_dim3A_114 = vector.broadcast %jit3A_113 : i32 to vector<16xi32>
    %select_n3A_115 = arith.select %eq3A_112, %gather3A, %broadcast_in_dim3A_114 : vector<16xi1>, vector<16xi32>
    %reduce_sum3A_116 = arith.constant true
    %reduce_sum3A_117 = vector.broadcast %reduce_sum3A_116 : i1 to vector<16xi1>
    %reduce_sum3A_118 = tpu.scan <sum>, %select_n3A_115 masked %reduce_sum3A_117 : vector<16xi32>, vector<16xi1> -> vector<16xi32>
    %reduce_sum3A_119 = vector.extract %reduce_sum3A_118[15] : i32 from vector<16xi32>
    %eq3A_120 = vector.broadcast %add3A : i32 to vector<16xi32>
    %eq3A_121 = arith.cmpi eq, %add3A_86, %eq3A_120 : vector<16xi32>
    %jit3A_122 = arith.constant 0 : i32
    %broadcast_in_dim3A_123 = vector.broadcast %jit3A_122 : i32 to vector<16xi32>
    %select_n3A_124 = arith.select %eq3A_121, %gather3A_93, %broadcast_in_dim3A_123 : vector<16xi1>, vector<16xi32>
    %reduce_sum3A_125 = arith.constant true
    %reduce_sum3A_126 = vector.broadcast %reduce_sum3A_125 : i1 to vector<16xi1>
    %reduce_sum3A_127 = tpu.scan <sum>, %select_n3A_124 masked %reduce_sum3A_126 : vector<16xi32>, vector<16xi1> -> vector<16xi32>
    %reduce_sum3A_128 = vector.extract %reduce_sum3A_127[15] : i32 from vector<16xi32>
    %add3A_129 = arith.addi %reduce_sum3A_119, %reduce_sum3A_128 : i32
    %reduce_sum3A_130 = arith.constant true
    %reduce_sum3A_131 = vector.broadcast %reduce_sum3A_130 : i1 to vector<16xi1>
    %reduce_sum3A_132 = tpu.scan <sum>, %gather3A masked %reduce_sum3A_131 : vector<16xi32>, vector<16xi1> -> vector<16xi32>
    %reduce_sum3A_133 = vector.extract %reduce_sum3A_132[15] : i32 from vector<16xi32>
    %reduce_sum3A_134 = arith.constant true
    %reduce_sum3A_135 = vector.broadcast %reduce_sum3A_134 : i1 to vector<16xi1>
    %reduce_sum3A_136 = tpu.scan <sum>, %gather3A_93 masked %reduce_sum3A_135 : vector<16xi32>, vector<16xi1> -> vector<16xi32>
    %reduce_sum3A_137 = vector.extract %reduce_sum3A_136[15] : i32 from vector<16xi32>
    %add3A_138 = arith.addi %reduce_sum3A_133, %reduce_sum3A_137 : i32
    %mul3A_139 = arith.constant 4096 : i32
    %mul3A_140 = arith.muli %add3A, %mul3A_139 : i32
    %add3A_141 = arith.addi %add3A_138, %mul3A_140 : i32
    %sub3A = arith.subi %add3A_141, %add3A_110 : i32
    %eq3A_142 = arith.constant 4096 : i32
    %eq3A_143 = arith.cmpi eq, %add3A_129, %eq3A_142 : i32
    %jit3A_144 = arith.constant 8 : i32
    %eq3A_145 = arith.constant 0 : i32
    %eq3A_146 = arith.cmpi eq, %jit3A_144, %eq3A_145 : i32
    %jit3A_147 = arith.constant 1 : i32
    %select_n3A_148 = arith.select %eq3A_146, %jit3A_147, %jit3A_144 : i32
    %rem3A = arith.remsi %add3A_110, %select_n3A_148 : i32
    %ne3A = arith.constant 0 : i32
    %ne3A_149 = arith.cmpi ne, %rem3A, %ne3A : i32
    %lt3A_150 = arith.constant 0 : i32
    %lt3A_151 = arith.cmpi slt, %rem3A, %lt3A_150 : i32
    %lt3A_152 = arith.constant 0 : i32
    %lt3A_153 = arith.cmpi slt, %select_n3A_148, %lt3A_152 : i32
    %ne3A_154 = arith.xori %lt3A_151, %lt3A_153 : i1
    %and3A_155 = arith.andi %ne3A_154, %ne3A_149 : i1
    %add3A_156 = arith.addi %rem3A, %select_n3A_148 : i32
    %select_n3A_157 = arith.select %and3A_155, %add3A_156, %rem3A : i32
    %eq3A_158 = arith.constant 0 : i32
    %eq3A_159 = arith.cmpi eq, %select_n3A_157, %eq3A_158 : i32
    %and3A_160 = arith.andi %eq3A_143, %eq3A_159 : i1
    %convert_element_type3A = arith.extui %and3A_160 : i1 to i32
    %cond3A = arith.constant 0 : i32
    %cond3A_161 = arith.cmpi ne, %convert_element_type3A, %cond3A : i32
    scf.if %cond3A_161 {
      %multiple_of3A = tpu.assume_multiple %add3A_110, 8 : i32
      %dma_start3A_166 = tpu.memref_slice %arg3[%multiple_of3A] : memref<131072xi32, #tpu.memory_space<hbm>> -> memref<4096xi32, #tpu.memory_space<hbm>>
      %dma_start3A_167 = tpu.memref_slice %arg3[%multiple_of3A] : memref<131072xi32, #tpu.memory_space<hbm>> -> memref<4096xi32, #tpu.memory_space<hbm>>
      tpu.enqueue_dma source(%arg10 : memref<4096xi32, #tpu.memory_space<vmem>>) target(%dma_start3A_167 : memref<4096xi32, #tpu.memory_space<hbm>>) target_semaphore(%arg13 : memref<!tpu.dma_semaphore, #tpu.memory_space<semaphore_mem>>)
      %dma_start3A_168 = tpu.memref_slice %arg4[%multiple_of3A] : memref<131072xi32, #tpu.memory_space<hbm>> -> memref<4096xi32, #tpu.memory_space<hbm>>
      %dma_start3A_169 = tpu.memref_slice %arg4[%multiple_of3A] : memref<131072xi32, #tpu.memory_space<hbm>> -> memref<4096xi32, #tpu.memory_space<hbm>>
      tpu.enqueue_dma source(%arg9 : memref<4096xi32, #tpu.memory_space<vmem>>) target(%dma_start3A_169 : memref<4096xi32, #tpu.memory_space<hbm>>) target_semaphore(%arg13 : memref<!tpu.dma_semaphore, #tpu.memory_space<semaphore_mem>>)
      %dma_wait3A_170 = tpu.memref_slice %arg3[%multiple_of3A] : memref<131072xi32, #tpu.memory_space<hbm>> -> memref<4096xi32, #tpu.memory_space<hbm>>
      %dma_wait3A_171 = tpu.memref_slice %arg3[%multiple_of3A] : memref<131072xi32, #tpu.memory_space<hbm>> -> memref<4096xi32, #tpu.memory_space<hbm>>
      tpu.wait_dma2 semaphore(%arg13 : memref<!tpu.dma_semaphore, #tpu.memory_space<semaphore_mem>>) src(%arg10 : memref<4096xi32, #tpu.memory_space<vmem>>) dst(%dma_wait3A_171 : memref<4096xi32, #tpu.memory_space<hbm>>)
      %dma_wait3A_172 = tpu.memref_slice %arg4[%multiple_of3A] : memref<131072xi32, #tpu.memory_space<hbm>> -> memref<4096xi32, #tpu.memory_space<hbm>>
      %dma_wait3A_173 = tpu.memref_slice %arg4[%multiple_of3A] : memref<131072xi32, #tpu.memory_space<hbm>> -> memref<4096xi32, #tpu.memory_space<hbm>>
      tpu.wait_dma2 semaphore(%arg13 : memref<!tpu.dma_semaphore, #tpu.memory_space<semaphore_mem>>) src(%arg9 : memref<4096xi32, #tpu.memory_space<vmem>>) dst(%dma_wait3A_173 : memref<4096xi32, #tpu.memory_space<hbm>>)
    } else {
    }
    %not3A = arith.constant true
    %not3A_162 = arith.xori %and3A_160, %not3A : i1
    %convert_element_type3A_163 = arith.extui %not3A_162 : i1 to i32
    %cond3A_164 = arith.constant 0 : i32
    %cond3A_165 = arith.cmpi ne, %convert_element_type3A_163, %cond3A_164 : i32
    scf.if %cond3A_165 {
      "tpu.region"() ({
        %run_scoped3A = tpu.sem_alloc : memref<!tpu.dma_semaphore, #tpu.memory_space<semaphore_mem>>
        %dma_start3A_1198 = arith.constant 0 : i32
        %dma_start3A_1199 = tpu.memref_slice %arg2[%add3A, %dma_start3A_1198] : memref<32x4096xf32, #tpu.memory_space<hbm>> -> memref<1x4096xf32, #tpu.memory_space<hbm>>
        %dma_start3A_1200 = tpu.memref_squeeze %dma_start3A_1199 : memref<1x4096xf32, #tpu.memory_space<hbm>> -> memref<4096xf32, #tpu.memory_space<hbm>>
        %dma_start3A_1201 = arith.constant 0 : i32
        %dma_start3A_1202 = tpu.memref_slice %arg2[%add3A, %dma_start3A_1201] : memref<32x4096xf32, #tpu.memory_space<hbm>> -> memref<1x4096xf32, #tpu.memory_space<hbm>>
        %dma_start3A_1203 = tpu.memref_squeeze %dma_start3A_1202 : memref<1x4096xf32, #tpu.memory_space<hbm>> -> memref<4096xf32, #tpu.memory_space<hbm>>
        tpu.enqueue_dma source(%dma_start3A_1203 : memref<4096xf32, #tpu.memory_space<hbm>>) target(%arg6 : memref<4096xf32, #tpu.memory_space<vmem>>) target_semaphore(%run_scoped3A : memref<!tpu.dma_semaphore, #tpu.memory_space<semaphore_mem>>)
        %dma_wait3A_1204 = arith.constant 0 : i32
        %dma_wait3A_1205 = tpu.memref_slice %arg2[%add3A, %dma_wait3A_1204] : memref<32x4096xf32, #tpu.memory_space<hbm>> -> memref<1x4096xf32, #tpu.memory_space<hbm>>
        %dma_wait3A_1206 = tpu.memref_squeeze %dma_wait3A_1205 : memref<1x4096xf32, #tpu.memory_space<hbm>> -> memref<4096xf32, #tpu.memory_space<hbm>>
        %dma_wait3A_1207 = arith.constant 0 : i32
        %dma_wait3A_1208 = tpu.memref_slice %arg2[%add3A, %dma_wait3A_1207] : memref<32x4096xf32, #tpu.memory_space<hbm>> -> memref<1x4096xf32, #tpu.memory_space<hbm>>
        %dma_wait3A_1209 = tpu.memref_squeeze %dma_wait3A_1208 : memref<1x4096xf32, #tpu.memory_space<hbm>> -> memref<4096xf32, #tpu.memory_space<hbm>>
        tpu.wait_dma2 semaphore(%run_scoped3A : memref<!tpu.dma_semaphore, #tpu.memory_space<semaphore_mem>>) src(%dma_wait3A_1209 : memref<4096xf32, #tpu.memory_space<hbm>>) dst(%arg6 : memref<4096xf32, #tpu.memory_space<vmem>>)
        tpu.yield
      }) : () -> ()
      %broadcast_in_dim3A_166 = vector.broadcast %add3A_110 : i32 to vector<16xi32>
      %broadcast_in_dim3A_167 = vector.broadcast %sub3A : i32 to vector<16xi32>
      %scan3A_168 = arith.constant 0 : i32
      %scan3A_169 = arith.constant 256 : i32
      %scan3A_170 = arith.addi %scan3A_168, %scan3A_169 : i32
      %scan3A_171 = arith.constant 1 : i32
      %scan3A_172:2 = scf.for %scan3A_1198 = %scan3A_168 to %scan3A_170 step %scan3A_171 iter_args(%scan3A_1199 = %broadcast_in_dim3A_166, %scan3A_1200 = %broadcast_in_dim3A_167) -> (vector<16xi32>, vector<16xi32>)  : i32 {
        %mul3A_1201 = arith.constant 16 : i32
        %mul3A_1202 = arith.muli %scan3A_1198, %mul3A_1201 : i32
        %get3A = arith.index_cast %mul3A_1202 : i32 to index
        %get3A_1203 = tpu.vector_load %arg6[%get3A] {strides = array<i32>} : memref<4096xf32, #tpu.memory_space<vmem>>, vector<16xf32>,
        %ne3A_1204 = arith.constant 0.000000e+00 : f32
        %ne3A_1205 = vector.broadcast %ne3A_1204 : f32 to vector<16xf32>
        %ne3A_1206 = arith.cmpf one, %get3A_1203, %ne3A_1205 : vector<16xf32>
        %convert_element_type3A_1207 = arith.extui %ne3A_1206 : vector<16xi1> to vector<16xi32>
        %broadcast_in_dim3A_1208 = arith.constant true
        %broadcast_in_dim3A_1209 = vector.broadcast %broadcast_in_dim3A_1208 : i1 to vector<16xi1>
        %masked_cumsum3A = tpu.scan <sum>, %convert_element_type3A_1207 masked %broadcast_in_dim3A_1209 : vector<16xi32>, vector<16xi1> -> vector<16xi32>
        %sub3A_1210 = arith.subi %masked_cumsum3A, %convert_element_type3A_1207 : vector<16xi32>
        %add3A_1211 = arith.addi %scan3A_1199, %sub3A_1210 : vector<16xi32>
        %sub3A_1212 = arith.subi %iota3A, %sub3A_1210 : vector<16xi32>
        %add3A_1213 = arith.addi %scan3A_1200, %sub3A_1212 : vector<16xi32>
        %select_n3A_1214 = arith.select %ne3A_1206, %add3A_1211, %add3A_1213 : vector<16xi1>, vector<16xi32>
        %shift_right_arithmetic3A_1215 = arith.constant 3 : i32
        %shift_right_arithmetic3A_1216 = arith.shrsi %scan3A_1198, %shift_right_arithmetic3A_1215 : i32
        %and3A_1217 = arith.constant 7 : i32
        %and3A_1218 = arith.andi %scan3A_1198, %and3A_1217 : i32
        %mul3A_1219 = arith.constant 16 : i32
        %mul3A_1220 = arith.muli %and3A_1218, %mul3A_1219 : i32
        %swap3A_1221 = arith.index_cast %shift_right_arithmetic3A_1216 : i32 to index
        %swap3A_1222 = arith.index_cast %mul3A_1220 : i32 to index
        %swap3A_1223 = tpu.vector_load %arg11[%swap3A_1221, %swap3A_1222] {strides = array<i32>} : memref<32x128xi32, #tpu.memory_space<vmem>>, vector<16xi32>,
        tpu.vector_store %arg11[%swap3A_1221, %swap3A_1222], %select_n3A_1214 {strides = array<i32>} : memref<32x128xi32, #tpu.memory_space<vmem>>, vector<16xi32>,
        %jit3A_1224 = arith.constant 0 : i32
        %broadcast_in_dim3A_1225 = vector.broadcast %add3A : i32 to vector<16xi32>
        %broadcast_in_dim3A_1226 = vector.broadcast %jit3A_1224 : i32 to vector<16xi32>
        %select_n3A_1227 = arith.select %ne3A_1206, %broadcast_in_dim3A_1225, %broadcast_in_dim3A_1226 : vector<16xi1>, vector<16xi32>
        %mul3A_1228 = arith.constant 16 : i32
        %mul3A_1229 = arith.muli %scan3A_1198, %mul3A_1228 : i32
        %swap3A_1230 = arith.index_cast %mul3A_1229 : i32 to index
        %swap3A_1231 = tpu.vector_load %arg10[%swap3A_1230] {strides = array<i32>} : memref<4096xi32, #tpu.memory_space<vmem>>, vector<16xi32>,
        tpu.vector_store %arg10[%swap3A_1230], %select_n3A_1227 {strides = array<i32>} : memref<4096xi32, #tpu.memory_space<vmem>>, vector<16xi32>,
        %mul3A_1232 = arith.constant 16 : i32
        %mul3A_1233 = arith.muli %scan3A_1198, %mul3A_1232 : i32
        %add3A_1234 = vector.broadcast %mul3A_1233 : i32 to vector<16xi32>
        %add3A_1235 = arith.addi %add3A_1234, %iota3A : vector<16xi32>
        %jit3A_1236 = arith.constant 0 : i32
        %broadcast_in_dim3A_1237 = vector.broadcast %jit3A_1236 : i32 to vector<16xi32>
        %select_n3A_1238 = arith.select %ne3A_1206, %add3A_1235, %broadcast_in_dim3A_1237 : vector<16xi1>, vector<16xi32>
        %mul3A_1239 = arith.constant 16 : i32
        %mul3A_1240 = arith.muli %scan3A_1198, %mul3A_1239 : i32
        %swap3A_1241 = arith.index_cast %mul3A_1240 : i32 to index
        %swap3A_1242 = tpu.vector_load %arg9[%swap3A_1241] {strides = array<i32>} : memref<4096xi32, #tpu.memory_space<vmem>>, vector<16xi32>,
        tpu.vector_store %arg9[%swap3A_1241], %select_n3A_1238 {strides = array<i32>} : memref<4096xi32, #tpu.memory_space<vmem>>, vector<16xi32>,
        %all_reduce_population_count3A = tpu.all_reduce %ne3A_1206 {dim = 0 : i64, kind = #tpu.reduction_kind<sum>} : vector<16xi1> -> vector<16xi32>
        %add3A_1243 = arith.addi %scan3A_1199, %all_reduce_population_count3A : vector<16xi32>
        %sub3A_1244 = arith.constant 16 : i32
        %sub3A_1245 = vector.broadcast %sub3A_1244 : i32 to vector<16xi32>
        %sub3A_1246 = arith.subi %sub3A_1245, %all_reduce_population_count3A : vector<16xi32>
        %add3A_1247 = arith.addi %scan3A_1200, %sub3A_1246 : vector<16xi32>
        scf.yield %add3A_1243, %add3A_1247 : vector<16xi32>, vector<16xi32>
      }
      %scan3A_173 = arith.constant 256 : i32
      %dma_start3A_174 = arith.constant 0 : i32
      %dma_start3A_175 = arith.constant 0 : i32
      %dma_start3A_176 = tpu.memref_slice %arg10[%dma_start3A_175] : memref<4096xi32, #tpu.memory_space<vmem>> -> memref<128xi32, #tpu.memory_space<vmem>>
      %dma_start3A_177 = arith.constant 0 : i32
      %dma_start3A_178 = tpu.memref_slice %arg11[%dma_start3A_174, %dma_start3A_177] : memref<32x128xi32, #tpu.memory_space<vmem>> -> memref<1x128xi32, #tpu.memory_space<vmem>>
      %dma_start3A_179 = tpu.memref_squeeze %dma_start3A_178 : memref<1x128xi32, #tpu.memory_space<vmem>> -> memref<128xi32, #tpu.memory_space<vmem>>
      %dma_start3A_180 = arith.constant 0 : i32
      %dma_start3A_181 = tpu.memref_slice %arg3[%dma_start3A_180] : memref<131072xi32, #tpu.memory_space<hbm>> -> memref<131072xi32, #tpu.memory_space<hbm>>
      tpu.enqueue_indirect_dma source(%dma_start3A_176 : memref<128xi32, #tpu.memory_space<vmem>>) target(%dma_start3A_181 : memref<131072xi32, #tpu.memory_space<hbm>>) offsets(%dma_start3A_179 : memref<128xi32, #tpu.memory_space<vmem>>) semaphore(%arg13 : memref<!tpu.dma_semaphore, #tpu.memory_space<semaphore_mem>>)
      %dma_start3A_182 = arith.constant 0 : i32
      %dma_start3A_183 = arith.constant 0 : i32
      %dma_start3A_184 = tpu.memref_slice %arg9[%dma_start3A_183] : memref<4096xi32, #tpu.memory_space<vmem>> -> memref<128xi32, #tpu.memory_space<vmem>>
      %dma_start3A_185 = arith.constant 0 : i32
      %dma_start3A_186 = tpu.memref_slice %arg11[%dma_start3A_182, %dma_start3A_185] : memref<32x128xi32, #tpu.memory_space<vmem>> -> memref<1x128xi32, #tpu.memory_space<vmem>>
      %dma_start3A_187 = tpu.memref_squeeze %dma_start3A_186 : memref<1x128xi32, #tpu.memory_space<vmem>> -> memref<128xi32, #tpu.memory_space<vmem>>
      %dma_start3A_188 = arith.constant 0 : i32
      %dma_start3A_189 = tpu.memref_slice %arg4[%dma_start3A_188] : memref<131072xi32, #tpu.memory_space<hbm>> -> memref<131072xi32, #tpu.memory_space<hbm>>
      tpu.enqueue_indirect_dma source(%dma_start3A_184 : memref<128xi32, #tpu.memory_space<vmem>>) target(%dma_start3A_189 : memref<131072xi32, #tpu.memory_space<hbm>>) offsets(%dma_start3A_187 : memref<128xi32, #tpu.memory_space<vmem>>) semaphore(%arg13 : memref<!tpu.dma_semaphore, #tpu.memory_space<semaphore_mem>>)
      %dma_start3A_190 = arith.constant 1 : i32
      %dma_start3A_191 = arith.constant 128 : i32
      %dma_start3A_192 = tpu.memref_slice %arg10[%dma_start3A_191] : memref<4096xi32, #tpu.memory_space<vmem>> -> memref<128xi32, #tpu.memory_space<vmem>>
      %dma_start3A_193 = arith.constant 0 : i32
      %dma_start3A_194 = tpu.memref_slice %arg11[%dma_start3A_190, %dma_start3A_193] : memref<32x128xi32, #tpu.memory_space<vmem>> -> memref<1x128xi32, #tpu.memory_space<vmem>>
      %dma_start3A_195 = tpu.memref_squeeze %dma_start3A_194 : memref<1x128xi32, #tpu.memory_space<vmem>> -> memref<128xi32, #tpu.memory_space<vmem>>
      %dma_start3A_196 = arith.constant 0 : i32
      %dma_start3A_197 = tpu.memref_slice %arg3[%dma_start3A_196] : memref<131072xi32, #tpu.memory_space<hbm>> -> memref<131072xi32, #tpu.memory_space<hbm>>
      tpu.enqueue_indirect_dma source(%dma_start3A_192 : memref<128xi32, #tpu.memory_space<vmem>>) target(%dma_start3A_197 : memref<131072xi32, #tpu.memory_space<hbm>>) offsets(%dma_start3A_195 : memref<128xi32, #tpu.memory_space<vmem>>) semaphore(%arg13 : memref<!tpu.dma_semaphore, #tpu.memory_space<semaphore_mem>>)
      %dma_start3A_198 = arith.constant 1 : i32
      %dma_start3A_199 = arith.constant 128 : i32
      %dma_start3A_200 = tpu.memref_slice %arg9[%dma_start3A_199] : memref<4096xi32, #tpu.memory_space<vmem>> -> memref<128xi32, #tpu.memory_space<vmem>>
      %dma_start3A_201 = arith.constant 0 : i32
      %dma_start3A_202 = tpu.memref_slice %arg11[%dma_start3A_198, %dma_start3A_201] : memref<32x128xi32, #tpu.memory_space<vmem>> -> memref<1x128xi32, #tpu.memory_space<vmem>>
      %dma_start3A_203 = tpu.memref_squeeze %dma_start3A_202 : memref<1x128xi32, #tpu.memory_space<vmem>> -> memref<128xi32, #tpu.memory_space<vmem>>
      %dma_start3A_204 = arith.constant 0 : i32
      %dma_start3A_205 = tpu.memref_slice %arg4[%dma_start3A_204] : memref<131072xi32, #tpu.memory_space<hbm>> -> memref<131072xi32, #tpu.memory_space<hbm>>
      tpu.enqueue_indirect_dma source(%dma_start3A_200 : memref<128xi32, #tpu.memory_space<vmem>>) target(%dma_start3A_205 : memref<131072xi32, #tpu.memory_space<hbm>>) offsets(%dma_start3A_203 : memref<128xi32, #tpu.memory_space<vmem>>) semaphore(%arg13 : memref<!tpu.dma_semaphore, #tpu.memory_space<semaphore_mem>>)
      %dma_start3A_206 = arith.constant 2 : i32
      %dma_start3A_207 = arith.constant 256 : i32
      %dma_start3A_208 = tpu.memref_slice %arg10[%dma_start3A_207] : memref<4096xi32, #tpu.memory_space<vmem>> -> memref<128xi32, #tpu.memory_space<vmem>>
      %dma_start3A_209 = arith.constant 0 : i32
      %dma_start3A_210 = tpu.memref_slice %arg11[%dma_start3A_206, %dma_start3A_209] : memref<32x128xi32, #tpu.memory_space<vmem>> -> memref<1x128xi32, #tpu.memory_space<vmem>>
      %dma_start3A_211 = tpu.memref_squeeze %dma_start3A_210 : memref<1x128xi32, #tpu.memory_space<vmem>> -> memref<128xi32, #tpu.memory_space<vmem>>
      %dma_start3A_212 = arith.constant 0 : i32
      %dma_start3A_213 = tpu.memref_slice %arg3[%dma_start3A_212] : memref<131072xi32, #tpu.memory_space<hbm>> -> memref<131072xi32, #tpu.memory_space<hbm>>
      tpu.enqueue_indirect_dma source(%dma_start3A_208 : memref<128xi32, #tpu.memory_space<vmem>>) target(%dma_start3A_213 : memref<131072xi32, #tpu.memory_space<hbm>>) offsets(%dma_start3A_211 : memref<128xi32, #tpu.memory_space<vmem>>) semaphore(%arg13 : memref<!tpu.dma_semaphore, #tpu.memory_space<semaphore_mem>>)
      %dma_start3A_214 = arith.constant 2 : i32
      %dma_start3A_215 = arith.constant 256 : i32
      %dma_start3A_216 = tpu.memref_slice %arg9[%dma_start3A_215] : memref<4096xi32, #tpu.memory_space<vmem>> -> memref<128xi32, #tpu.memory_space<vmem>>
      %dma_start3A_217 = arith.constant 0 : i32
      %dma_start3A_218 = tpu.memref_slice %arg11[%dma_start3A_214, %dma_start3A_217] : memref<32x128xi32, #tpu.memory_space<vmem>> -> memref<1x128xi32, #tpu.memory_space<vmem>>
      %dma_start3A_219 = tpu.memref_squeeze %dma_start3A_218 : memref<1x128xi32, #tpu.memory_space<vmem>> -> memref<128xi32, #tpu.memory_space<vmem>>
      %dma_start3A_220 = arith.constant 0 : i32
      %dma_start3A_221 = tpu.memref_slice %arg4[%dma_start3A_220] : memref<131072xi32, #tpu.memory_space<hbm>> -> memref<131072xi32, #tpu.memory_space<hbm>>
      tpu.enqueue_indirect_dma source(%dma_start3A_216 : memref<128xi32, #tpu.memory_space<vmem>>) target(%dma_start3A_221 : memref<131072xi32, #tpu.memory_space<hbm>>) offsets(%dma_start3A_219 : memref<128xi32, #tpu.memory_space<vmem>>) semaphore(%arg13 : memref<!tpu.dma_semaphore, #tpu.memory_space<semaphore_mem>>)
      %dma_start3A_222 = arith.constant 3 : i32
      %dma_start3A_223 = arith.constant 384 : i32
      %dma_start3A_224 = tpu.memref_slice %arg10[%dma_start3A_223] : memref<4096xi32, #tpu.memory_space<vmem>> -> memref<128xi32, #tpu.memory_space<vmem>>
      %dma_start3A_225 = arith.constant 0 : i32
      %dma_start3A_226 = tpu.memref_slice %arg11[%dma_start3A_222, %dma_start3A_225] : memref<32x128xi32, #tpu.memory_space<vmem>> -> memref<1x128xi32, #tpu.memory_space<vmem>>
      %dma_start3A_227 = tpu.memref_squeeze %dma_start3A_226 : memref<1x128xi32, #tpu.memory_space<vmem>> -> memref<128xi32, #tpu.memory_space<vmem>>
      %dma_start3A_228 = arith.constant 0 : i32
      %dma_start3A_229 = tpu.memref_slice %arg3[%dma_start3A_228] : memref<131072xi32, #tpu.memory_space<hbm>> -> memref<131072xi32, #tpu.memory_space<hbm>>
      tpu.enqueue_indirect_dma source(%dma_start3A_224 : memref<128xi32, #tpu.memory_space<vmem>>) target(%dma_start3A_229 : memref<131072xi32, #tpu.memory_space<hbm>>) offsets(%dma_start3A_227 : memref<128xi32, #tpu.memory_space<vmem>>) semaphore(%arg13 : memref<!tpu.dma_semaphore, #tpu.memory_space<semaphore_mem>>)
      %dma_start3A_230 = arith.constant 3 : i32
      %dma_start3A_231 = arith.constant 384 : i32
      %dma_start3A_232 = tpu.memref_slice %arg9[%dma_start3A_231] : memref<4096xi32, #tpu.memory_space<vmem>> -> memref<128xi32, #tpu.memory_space<vmem>>
      %dma_start3A_233 = arith.constant 0 : i32
      %dma_start3A_234 = tpu.memref_slice %arg11[%dma_start3A_230, %dma_start3A_233] : memref<32x128xi32, #tpu.memory_space<vmem>> -> memref<1x128xi32, #tpu.memory_space<vmem>>
      %dma_start3A_235 = tpu.memref_squeeze %dma_start3A_234 : memref<1x128xi32, #tpu.memory_space<vmem>> -> memref<128xi32, #tpu.memory_space<vmem>>
      %dma_start3A_236 = arith.constant 0 : i32
      %dma_start3A_237 = tpu.memref_slice %arg4[%dma_start3A_236] : memref<131072xi32, #tpu.memory_space<hbm>> -> memref<131072xi32, #tpu.memory_space<hbm>>
      tpu.enqueue_indirect_dma source(%dma_start3A_232 : memref<128xi32, #tpu.memory_space<vmem>>) target(%dma_start3A_237 : memref<131072xi32, #tpu.memory_space<hbm>>) offsets(%dma_start3A_235 : memref<128xi32, #tpu.memory_space<vmem>>) semaphore(%arg13 : memref<!tpu.dma_semaphore, #tpu.memory_space<semaphore_mem>>)
      %dma_start3A_238 = arith.constant 4 : i32
      %dma_start3A_239 = arith.constant 512 : i32
      %dma_start3A_240 = tpu.memref_slice %arg10[%dma_start3A_239] : memref<4096xi32, #tpu.memory_space<vmem>> -> memref<128xi32, #tpu.memory_space<vmem>>
      %dma_start3A_241 = arith.constant 0 : i32
      %dma_start3A_242 = tpu.memref_slice %arg11[%dma_start3A_238, %dma_start3A_241] : memref<32x128xi32, #tpu.memory_space<vmem>> -> memref<1x128xi32, #tpu.memory_space<vmem>>
      %dma_start3A_243 = tpu.memref_squeeze %dma_start3A_242 : memref<1x128xi32, #tpu.memory_space<vmem>> -> memref<128xi32, #tpu.memory_space<vmem>>
      %dma_start3A_244 = arith.constant 0 : i32
      %dma_start3A_245 = tpu.memref_slice %arg3[%dma_start3A_244] : memref<131072xi32, #tpu.memory_space<hbm>> -> memref<131072xi32, #tpu.memory_space<hbm>>
      tpu.enqueue_indirect_dma source(%dma_start3A_240 : memref<128xi32, #tpu.memory_space<vmem>>) target(%dma_start3A_245 : memref<131072xi32, #tpu.memory_space<hbm>>) offsets(%dma_start3A_243 : memref<128xi32, #tpu.memory_space<vmem>>) semaphore(%arg13 : memref<!tpu.dma_semaphore, #tpu.memory_space<semaphore_mem>>)
      %dma_start3A_246 = arith.constant 4 : i32
      %dma_start3A_247 = arith.constant 512 : i32
      %dma_start3A_248 = tpu.memref_slice %arg9[%dma_start3A_247] : memref<4096xi32, #tpu.memory_space<vmem>> -> memref<128xi32, #tpu.memory_space<vmem>>
      %dma_start3A_249 = arith.constant 0 : i32
      %dma_start3A_250 = tpu.memref_slice %arg11[%dma_start3A_246, %dma_start3A_249] : memref<32x128xi32, #tpu.memory_space<vmem>> -> memref<1x128xi32, #tpu.memory_space<vmem>>
      %dma_start3A_251 = tpu.memref_squeeze %dma_start3A_250 : memref<1x128xi32, #tpu.memory_space<vmem>> -> memref<128xi32, #tpu.memory_space<vmem>>
      %dma_start3A_252 = arith.constant 0 : i32
      %dma_start3A_253 = tpu.memref_slice %arg4[%dma_start3A_252] : memref<131072xi32, #tpu.memory_space<hbm>> -> memref<131072xi32, #tpu.memory_space<hbm>>
      tpu.enqueue_indirect_dma source(%dma_start3A_248 : memref<128xi32, #tpu.memory_space<vmem>>) target(%dma_start3A_253 : memref<131072xi32, #tpu.memory_space<hbm>>) offsets(%dma_start3A_251 : memref<128xi32, #tpu.memory_space<vmem>>) semaphore(%arg13 : memref<!tpu.dma_semaphore, #tpu.memory_space<semaphore_mem>>)
      %dma_start3A_254 = arith.constant 5 : i32
      %dma_start3A_255 = arith.constant 640 : i32
      %dma_start3A_256 = tpu.memref_slice %arg10[%dma_start3A_255] : memref<4096xi32, #tpu.memory_space<vmem>> -> memref<128xi32, #tpu.memory_space<vmem>>
      %dma_start3A_257 = arith.constant 0 : i32
      %dma_start3A_258 = tpu.memref_slice %arg11[%dma_start3A_254, %dma_start3A_257] : memref<32x128xi32, #tpu.memory_space<vmem>> -> memref<1x128xi32, #tpu.memory_space<vmem>>
      %dma_start3A_259 = tpu.memref_squeeze %dma_start3A_258 : memref<1x128xi32, #tpu.memory_space<vmem>> -> memref<128xi32, #tpu.memory_space<vmem>>
      %dma_start3A_260 = arith.constant 0 : i32
      %dma_start3A_261 = tpu.memref_slice %arg3[%dma_start3A_260] : memref<131072xi32, #tpu.memory_space<hbm>> -> memref<131072xi32, #tpu.memory_space<hbm>>
      tpu.enqueue_indirect_dma source(%dma_start3A_256 : memref<128xi32, #tpu.memory_space<vmem>>) target(%dma_start3A_261 : memref<131072xi32, #tpu.memory_space<hbm>>) offsets(%dma_start3A_259 : memref<128xi32, #tpu.memory_space<vmem>>) semaphore(%arg13 : memref<!tpu.dma_semaphore, #tpu.memory_space<semaphore_mem>>)
      %dma_start3A_262 = arith.constant 5 : i32
      %dma_start3A_263 = arith.constant 640 : i32
      %dma_start3A_264 = tpu.memref_slice %arg9[%dma_start3A_263] : memref<4096xi32, #tpu.memory_space<vmem>> -> memref<128xi32, #tpu.memory_space<vmem>>
      %dma_start3A_265 = arith.constant 0 : i32
      %dma_start3A_266 = tpu.memref_slice %arg11[%dma_start3A_262, %dma_start3A_265] : memref<32x128xi32, #tpu.memory_space<vmem>> -> memref<1x128xi32, #tpu.memory_space<vmem>>
      %dma_start3A_267 = tpu.memref_squeeze %dma_start3A_266 : memref<1x128xi32, #tpu.memory_space<vmem>> -> memref<128xi32, #tpu.memory_space<vmem>>
      %dma_start3A_268 = arith.constant 0 : i32
      %dma_start3A_269 = tpu.memref_slice %arg4[%dma_start3A_268] : memref<131072xi32, #tpu.memory_space<hbm>> -> memref<131072xi32, #tpu.memory_space<hbm>>
      tpu.enqueue_indirect_dma source(%dma_start3A_264 : memref<128xi32, #tpu.memory_space<vmem>>) target(%dma_start3A_269 : memref<131072xi32, #tpu.memory_space<hbm>>) offsets(%dma_start3A_267 : memref<128xi32, #tpu.memory_space<vmem>>) semaphore(%arg13 : memref<!tpu.dma_semaphore, #tpu.memory_space<semaphore_mem>>)
      %dma_start3A_270 = arith.constant 6 : i32
      %dma_start3A_271 = arith.constant 768 : i32
      %dma_start3A_272 = tpu.memref_slice %arg10[%dma_start3A_271] : memref<4096xi32, #tpu.memory_space<vmem>> -> memref<128xi32, #tpu.memory_space<vmem>>
      %dma_start3A_273 = arith.constant 0 : i32
      %dma_start3A_274 = tpu.memref_slice %arg11[%dma_start3A_270, %dma_start3A_273] : memref<32x128xi32, #tpu.memory_space<vmem>> -> memref<1x128xi32, #tpu.memory_space<vmem>>
      %dma_start3A_275 = tpu.memref_squeeze %dma_start3A_274 : memref<1x128xi32, #tpu.memory_space<vmem>> -> memref<128xi32, #tpu.memory_space<vmem>>
      %dma_start3A_276 = arith.constant 0 : i32
      %dma_start3A_277 = tpu.memref_slice %arg3[%dma_start3A_276] : memref<131072xi32, #tpu.memory_space<hbm>> -> memref<131072xi32, #tpu.memory_space<hbm>>
      tpu.enqueue_indirect_dma source(%dma_start3A_272 : memref<128xi32, #tpu.memory_space<vmem>>) target(%dma_start3A_277 : memref<131072xi32, #tpu.memory_space<hbm>>) offsets(%dma_start3A_275 : memref<128xi32, #tpu.memory_space<vmem>>) semaphore(%arg13 : memref<!tpu.dma_semaphore, #tpu.memory_space<semaphore_mem>>)
      %dma_start3A_278 = arith.constant 6 : i32
      %dma_start3A_279 = arith.constant 768 : i32
      %dma_start3A_280 = tpu.memref_slice %arg9[%dma_start3A_279] : memref<4096xi32, #tpu.memory_space<vmem>> -> memref<128xi32, #tpu.memory_space<vmem>>
      %dma_start3A_281 = arith.constant 0 : i32
      %dma_start3A_282 = tpu.memref_slice %arg11[%dma_start3A_278, %dma_start3A_281] : memref<32x128xi32, #tpu.memory_space<vmem>> -> memref<1x128xi32, #tpu.memory_space<vmem>>
      %dma_start3A_283 = tpu.memref_squeeze %dma_start3A_282 : memref<1x128xi32, #tpu.memory_space<vmem>> -> memref<128xi32, #tpu.memory_space<vmem>>
      %dma_start3A_284 = arith.constant 0 : i32
      %dma_start3A_285 = tpu.memref_slice %arg4[%dma_start3A_284] : memref<131072xi32, #tpu.memory_space<hbm>> -> memref<131072xi32, #tpu.memory_space<hbm>>
      tpu.enqueue_indirect_dma source(%dma_start3A_280 : memref<128xi32, #tpu.memory_space<vmem>>) target(%dma_start3A_285 : memref<131072xi32, #tpu.memory_space<hbm>>) offsets(%dma_start3A_283 : memref<128xi32, #tpu.memory_space<vmem>>) semaphore(%arg13 : memref<!tpu.dma_semaphore, #tpu.memory_space<semaphore_mem>>)
      %dma_start3A_286 = arith.constant 7 : i32
      %dma_start3A_287 = arith.constant 896 : i32
      %dma_start3A_288 = tpu.memref_slice %arg10[%dma_start3A_287] : memref<4096xi32, #tpu.memory_space<vmem>> -> memref<128xi32, #tpu.memory_space<vmem>>
      %dma_start3A_289 = arith.constant 0 : i32
      %dma_start3A_290 = tpu.memref_slice %arg11[%dma_start3A_286, %dma_start3A_289] : memref<32x128xi32, #tpu.memory_space<vmem>> -> memref<1x128xi32, #tpu.memory_space<vmem>>
      %dma_start3A_291 = tpu.memref_squeeze %dma_start3A_290 : memref<1x128xi32, #tpu.memory_space<vmem>> -> memref<128xi32, #tpu.memory_space<vmem>>
      %dma_start3A_292 = arith.constant 0 : i32
      %dma_start3A_293 = tpu.memref_slice %arg3[%dma_start3A_292] : memref<131072xi32, #tpu.memory_space<hbm>> -> memref<131072xi32, #tpu.memory_space<hbm>>
      tpu.enqueue_indirect_dma source(%dma_start3A_288 : memref<128xi32, #tpu.memory_space<vmem>>) target(%dma_start3A_293 : memref<131072xi32, #tpu.memory_space<hbm>>) offsets(%dma_start3A_291 : memref<128xi32, #tpu.memory_space<vmem>>) semaphore(%arg13 : memref<!tpu.dma_semaphore, #tpu.memory_space<semaphore_mem>>)
      %dma_start3A_294 = arith.constant 7 : i32
      %dma_start3A_295 = arith.constant 896 : i32
      %dma_start3A_296 = tpu.memref_slice %arg9[%dma_start3A_295] : memref<4096xi32, #tpu.memory_space<vmem>> -> memref<128xi32, #tpu.memory_space<vmem>>
      %dma_start3A_297 = arith.constant 0 : i32
      %dma_start3A_298 = tpu.memref_slice %arg11[%dma_start3A_294, %dma_start3A_297] : memref<32x128xi32, #tpu.memory_space<vmem>> -> memref<1x128xi32, #tpu.memory_space<vmem>>
      %dma_start3A_299 = tpu.memref_squeeze %dma_start3A_298 : memref<1x128xi32, #tpu.memory_space<vmem>> -> memref<128xi32, #tpu.memory_space<vmem>>
      %dma_start3A_300 = arith.constant 0 : i32
      %dma_start3A_301 = tpu.memref_slice %arg4[%dma_start3A_300] : memref<131072xi32, #tpu.memory_space<hbm>> -> memref<131072xi32, #tpu.memory_space<hbm>>
      tpu.enqueue_indirect_dma source(%dma_start3A_296 : memref<128xi32, #tpu.memory_space<vmem>>) target(%dma_start3A_301 : memref<131072xi32, #tpu.memory_space<hbm>>) offsets(%dma_start3A_299 : memref<128xi32, #tpu.memory_space<vmem>>) semaphore(%arg13 : memref<!tpu.dma_semaphore, #tpu.memory_space<semaphore_mem>>)
      %dma_start3A_302 = arith.constant 8 : i32
      %dma_start3A_303 = arith.constant 1024 : i32
      %dma_start3A_304 = tpu.memref_slice %arg10[%dma_start3A_303] : memref<4096xi32, #tpu.memory_space<vmem>> -> memref<128xi32, #tpu.memory_space<vmem>>
      %dma_start3A_305 = arith.constant 0 : i32
      %dma_start3A_306 = tpu.memref_slice %arg11[%dma_start3A_302, %dma_start3A_305] : memref<32x128xi32, #tpu.memory_space<vmem>> -> memref<1x128xi32, #tpu.memory_space<vmem>>
      %dma_start3A_307 = tpu.memref_squeeze %dma_start3A_306 : memref<1x128xi32, #tpu.memory_space<vmem>> -> memref<128xi32, #tpu.memory_space<vmem>>
      %dma_start3A_308 = arith.constant 0 : i32
      %dma_start3A_309 = tpu.memref_slice %arg3[%dma_start3A_308] : memref<131072xi32, #tpu.memory_space<hbm>> -> memref<131072xi32, #tpu.memory_space<hbm>>
      tpu.enqueue_indirect_dma source(%dma_start3A_304 : memref<128xi32, #tpu.memory_space<vmem>>) target(%dma_start3A_309 : memref<131072xi32, #tpu.memory_space<hbm>>) offsets(%dma_start3A_307 : memref<128xi32, #tpu.memory_space<vmem>>) semaphore(%arg13 : memref<!tpu.dma_semaphore, #tpu.memory_space<semaphore_mem>>)
      %dma_start3A_310 = arith.constant 8 : i32
      %dma_start3A_311 = arith.constant 1024 : i32
      %dma_start3A_312 = tpu.memref_slice %arg9[%dma_start3A_311] : memref<4096xi32, #tpu.memory_space<vmem>> -> memref<128xi32, #tpu.memory_space<vmem>>
      %dma_start3A_313 = arith.constant 0 : i32
      %dma_start3A_314 = tpu.memref_slice %arg11[%dma_start3A_310, %dma_start3A_313] : memref<32x128xi32, #tpu.memory_space<vmem>> -> memref<1x128xi32, #tpu.memory_space<vmem>>
      %dma_start3A_315 = tpu.memref_squeeze %dma_start3A_314 : memref<1x128xi32, #tpu.memory_space<vmem>> -> memref<128xi32, #tpu.memory_space<vmem>>
      %dma_start3A_316 = arith.constant 0 : i32
      %dma_start3A_317 = tpu.memref_slice %arg4[%dma_start3A_316] : memref<131072xi32, #tpu.memory_space<hbm>> -> memref<131072xi32, #tpu.memory_space<hbm>>
      tpu.enqueue_indirect_dma source(%dma_start3A_312 : memref<128xi32, #tpu.memory_space<vmem>>) target(%dma_start3A_317 : memref<131072xi32, #tpu.memory_space<hbm>>) offsets(%dma_start3A_315 : memref<128xi32, #tpu.memory_space<vmem>>) semaphore(%arg13 : memref<!tpu.dma_semaphore, #tpu.memory_space<semaphore_mem>>)
      %dma_start3A_318 = arith.constant 9 : i32
      %dma_start3A_319 = arith.constant 1152 : i32
      %dma_start3A_320 = tpu.memref_slice %arg10[%dma_start3A_319] : memref<4096xi32, #tpu.memory_space<vmem>> -> memref<128xi32, #tpu.memory_space<vmem>>
      %dma_start3A_321 = arith.constant 0 : i32
      %dma_start3A_322 = tpu.memref_slice %arg11[%dma_start3A_318, %dma_start3A_321] : memref<32x128xi32, #tpu.memory_space<vmem>> -> memref<1x128xi32, #tpu.memory_space<vmem>>
      %dma_start3A_323 = tpu.memref_squeeze %dma_start3A_322 : memref<1x128xi32, #tpu.memory_space<vmem>> -> memref<128xi32, #tpu.memory_space<vmem>>
      %dma_start3A_324 = arith.constant 0 : i32
      %dma_start3A_325 = tpu.memref_slice %arg3[%dma_start3A_324] : memref<131072xi32, #tpu.memory_space<hbm>> -> memref<131072xi32, #tpu.memory_space<hbm>>
      tpu.enqueue_indirect_dma source(%dma_start3A_320 : memref<128xi32, #tpu.memory_space<vmem>>) target(%dma_start3A_325 : memref<131072xi32, #tpu.memory_space<hbm>>) offsets(%dma_start3A_323 : memref<128xi32, #tpu.memory_space<vmem>>) semaphore(%arg13 : memref<!tpu.dma_semaphore, #tpu.memory_space<semaphore_mem>>)
      %dma_start3A_326 = arith.constant 9 : i32
      %dma_start3A_327 = arith.constant 1152 : i32
      %dma_start3A_328 = tpu.memref_slice %arg9[%dma_start3A_327] : memref<4096xi32, #tpu.memory_space<vmem>> -> memref<128xi32, #tpu.memory_space<vmem>>
      %dma_start3A_329 = arith.constant 0 : i32
      %dma_start3A_330 = tpu.memref_slice %arg11[%dma_start3A_326, %dma_start3A_329] : memref<32x128xi32, #tpu.memory_space<vmem>> -> memref<1x128xi32, #tpu.memory_space<vmem>>
      %dma_start3A_331 = tpu.memref_squeeze %dma_start3A_330 : memref<1x128xi32, #tpu.memory_space<vmem>> -> memref<128xi32, #tpu.memory_space<vmem>>
      %dma_start3A_332 = arith.constant 0 : i32
      %dma_start3A_333 = tpu.memref_slice %arg4[%dma_start3A_332] : memref<131072xi32, #tpu.memory_space<hbm>> -> memref<131072xi32, #tpu.memory_space<hbm>>
      tpu.enqueue_indirect_dma source(%dma_start3A_328 : memref<128xi32, #tpu.memory_space<vmem>>) target(%dma_start3A_333 : memref<131072xi32, #tpu.memory_space<hbm>>) offsets(%dma_start3A_331 : memref<128xi32, #tpu.memory_space<vmem>>) semaphore(%arg13 : memref<!tpu.dma_semaphore, #tpu.memory_space<semaphore_mem>>)
      %dma_start3A_334 = arith.constant 10 : i32
      %dma_start3A_335 = arith.constant 1280 : i32
      %dma_start3A_336 = tpu.memref_slice %arg10[%dma_start3A_335] : memref<4096xi32, #tpu.memory_space<vmem>> -> memref<128xi32, #tpu.memory_space<vmem>>
      %dma_start3A_337 = arith.constant 0 : i32
      %dma_start3A_338 = tpu.memref_slice %arg11[%dma_start3A_334, %dma_start3A_337] : memref<32x128xi32, #tpu.memory_space<vmem>> -> memref<1x128xi32, #tpu.memory_space<vmem>>
      %dma_start3A_339 = tpu.memref_squeeze %dma_start3A_338 : memref<1x128xi32, #tpu.memory_space<vmem>> -> memref<128xi32, #tpu.memory_space<vmem>>
      %dma_start3A_340 = arith.constant 0 : i32
      %dma_start3A_341 = tpu.memref_slice %arg3[%dma_start3A_340] : memref<131072xi32, #tpu.memory_space<hbm>> -> memref<131072xi32, #tpu.memory_space<hbm>>
      tpu.enqueue_indirect_dma source(%dma_start3A_336 : memref<128xi32, #tpu.memory_space<vmem>>) target(%dma_start3A_341 : memref<131072xi32, #tpu.memory_space<hbm>>) offsets(%dma_start3A_339 : memref<128xi32, #tpu.memory_space<vmem>>) semaphore(%arg13 : memref<!tpu.dma_semaphore, #tpu.memory_space<semaphore_mem>>)
      %dma_start3A_342 = arith.constant 10 : i32
      %dma_start3A_343 = arith.constant 1280 : i32
      %dma_start3A_344 = tpu.memref_slice %arg9[%dma_start3A_343] : memref<4096xi32, #tpu.memory_space<vmem>> -> memref<128xi32, #tpu.memory_space<vmem>>
      %dma_start3A_345 = arith.constant 0 : i32
      %dma_start3A_346 = tpu.memref_slice %arg11[%dma_start3A_342, %dma_start3A_345] : memref<32x128xi32, #tpu.memory_space<vmem>> -> memref<1x128xi32, #tpu.memory_space<vmem>>
      %dma_start3A_347 = tpu.memref_squeeze %dma_start3A_346 : memref<1x128xi32, #tpu.memory_space<vmem>> -> memref<128xi32, #tpu.memory_space<vmem>>
      %dma_start3A_348 = arith.constant 0 : i32
      %dma_start3A_349 = tpu.memref_slice %arg4[%dma_start3A_348] : memref<131072xi32, #tpu.memory_space<hbm>> -> memref<131072xi32, #tpu.memory_space<hbm>>
      tpu.enqueue_indirect_dma source(%dma_start3A_344 : memref<128xi32, #tpu.memory_space<vmem>>) target(%dma_start3A_349 : memref<131072xi32, #tpu.memory_space<hbm>>) offsets(%dma_start3A_347 : memref<128xi32, #tpu.memory_space<vmem>>) semaphore(%arg13 : memref<!tpu.dma_semaphore, #tpu.memory_space<semaphore_mem>>)
      %dma_start3A_350 = arith.constant 11 : i32
      %dma_start3A_351 = arith.constant 1408 : i32
      %dma_start3A_352 = tpu.memref_slice %arg10[%dma_start3A_351] : memref<4096xi32, #tpu.memory_space<vmem>> -> memref<128xi32, #tpu.memory_space<vmem>>
      %dma_start3A_353 = arith.constant 0 : i32
      %dma_start3A_354 = tpu.memref_slice %arg11[%dma_start3A_350, %dma_start3A_353] : memref<32x128xi32, #tpu.memory_space<vmem>> -> memref<1x128xi32, #tpu.memory_space<vmem>>
      %dma_start3A_355 = tpu.memref_squeeze %dma_start3A_354 : memref<1x128xi32, #tpu.memory_space<vmem>> -> memref<128xi32, #tpu.memory_space<vmem>>
      %dma_start3A_356 = arith.constant 0 : i32
      %dma_start3A_357 = tpu.memref_slice %arg3[%dma_start3A_356] : memref<131072xi32, #tpu.memory_space<hbm>> -> memref<131072xi32, #tpu.memory_space<hbm>>
      tpu.enqueue_indirect_dma source(%dma_start3A_352 : memref<128xi32, #tpu.memory_space<vmem>>) target(%dma_start3A_357 : memref<131072xi32, #tpu.memory_space<hbm>>) offsets(%dma_start3A_355 : memref<128xi32, #tpu.memory_space<vmem>>) semaphore(%arg13 : memref<!tpu.dma_semaphore, #tpu.memory_space<semaphore_mem>>)
      %dma_start3A_358 = arith.constant 11 : i32
      %dma_start3A_359 = arith.constant 1408 : i32
      %dma_start3A_360 = tpu.memref_slice %arg9[%dma_start3A_359] : memref<4096xi32, #tpu.memory_space<vmem>> -> memref<128xi32, #tpu.memory_space<vmem>>
      %dma_start3A_361 = arith.constant 0 : i32
      %dma_start3A_362 = tpu.memref_slice %arg11[%dma_start3A_358, %dma_start3A_361] : memref<32x128xi32, #tpu.memory_space<vmem>> -> memref<1x128xi32, #tpu.memory_space<vmem>>
      %dma_start3A_363 = tpu.memref_squeeze %dma_start3A_362 : memref<1x128xi32, #tpu.memory_space<vmem>> -> memref<128xi32, #tpu.memory_space<vmem>>
      %dma_start3A_364 = arith.constant 0 : i32
      %dma_start3A_365 = tpu.memref_slice %arg4[%dma_start3A_364] : memref<131072xi32, #tpu.memory_space<hbm>> -> memref<131072xi32, #tpu.memory_space<hbm>>
      tpu.enqueue_indirect_dma source(%dma_start3A_360 : memref<128xi32, #tpu.memory_space<vmem>>) target(%dma_start3A_365 : memref<131072xi32, #tpu.memory_space<hbm>>) offsets(%dma_start3A_363 : memref<128xi32, #tpu.memory_space<vmem>>) semaphore(%arg13 : memref<!tpu.dma_semaphore, #tpu.memory_space<semaphore_mem>>)
      %dma_start3A_366 = arith.constant 12 : i32
      %dma_start3A_367 = arith.constant 1536 : i32
      %dma_start3A_368 = tpu.memref_slice %arg10[%dma_start3A_367] : memref<4096xi32, #tpu.memory_space<vmem>> -> memref<128xi32, #tpu.memory_space<vmem>>
      %dma_start3A_369 = arith.constant 0 : i32
      %dma_start3A_370 = tpu.memref_slice %arg11[%dma_start3A_366, %dma_start3A_369] : memref<32x128xi32, #tpu.memory_space<vmem>> -> memref<1x128xi32, #tpu.memory_space<vmem>>
      %dma_start3A_371 = tpu.memref_squeeze %dma_start3A_370 : memref<1x128xi32, #tpu.memory_space<vmem>> -> memref<128xi32, #tpu.memory_space<vmem>>
      %dma_start3A_372 = arith.constant 0 : i32
      %dma_start3A_373 = tpu.memref_slice %arg3[%dma_start3A_372] : memref<131072xi32, #tpu.memory_space<hbm>> -> memref<131072xi32, #tpu.memory_space<hbm>>
      tpu.enqueue_indirect_dma source(%dma_start3A_368 : memref<128xi32, #tpu.memory_space<vmem>>) target(%dma_start3A_373 : memref<131072xi32, #tpu.memory_space<hbm>>) offsets(%dma_start3A_371 : memref<128xi32, #tpu.memory_space<vmem>>) semaphore(%arg13 : memref<!tpu.dma_semaphore, #tpu.memory_space<semaphore_mem>>)
      %dma_start3A_374 = arith.constant 12 : i32
      %dma_start3A_375 = arith.constant 1536 : i32
      %dma_start3A_376 = tpu.memref_slice %arg9[%dma_start3A_375] : memref<4096xi32, #tpu.memory_space<vmem>> -> memref<128xi32, #tpu.memory_space<vmem>>
      %dma_start3A_377 = arith.constant 0 : i32
      %dma_start3A_378 = tpu.memref_slice %arg11[%dma_start3A_374, %dma_start3A_377] : memref<32x128xi32, #tpu.memory_space<vmem>> -> memref<1x128xi32, #tpu.memory_space<vmem>>
      %dma_start3A_379 = tpu.memref_squeeze %dma_start3A_378 : memref<1x128xi32, #tpu.memory_space<vmem>> -> memref<128xi32, #tpu.memory_space<vmem>>
      %dma_start3A_380 = arith.constant 0 : i32
      %dma_start3A_381 = tpu.memref_slice %arg4[%dma_start3A_380] : memref<131072xi32, #tpu.memory_space<hbm>> -> memref<131072xi32, #tpu.memory_space<hbm>>
      tpu.enqueue_indirect_dma source(%dma_start3A_376 : memref<128xi32, #tpu.memory_space<vmem>>) target(%dma_start3A_381 : memref<131072xi32, #tpu.memory_space<hbm>>) offsets(%dma_start3A_379 : memref<128xi32, #tpu.memory_space<vmem>>) semaphore(%arg13 : memref<!tpu.dma_semaphore, #tpu.memory_space<semaphore_mem>>)
      %dma_start3A_382 = arith.constant 13 : i32
      %dma_start3A_383 = arith.constant 1664 : i32
      %dma_start3A_384 = tpu.memref_slice %arg10[%dma_start3A_383] : memref<4096xi32, #tpu.memory_space<vmem>> -> memref<128xi32, #tpu.memory_space<vmem>>
      %dma_start3A_385 = arith.constant 0 : i32
      %dma_start3A_386 = tpu.memref_slice %arg11[%dma_start3A_382, %dma_start3A_385] : memref<32x128xi32, #tpu.memory_space<vmem>> -> memref<1x128xi32, #tpu.memory_space<vmem>>
      %dma_start3A_387 = tpu.memref_squeeze %dma_start3A_386 : memref<1x128xi32, #tpu.memory_space<vmem>> -> memref<128xi32, #tpu.memory_space<vmem>>
      %dma_start3A_388 = arith.constant 0 : i32
      %dma_start3A_389 = tpu.memref_slice %arg3[%dma_start3A_388] : memref<131072xi32, #tpu.memory_space<hbm>> -> memref<131072xi32, #tpu.memory_space<hbm>>
      tpu.enqueue_indirect_dma source(%dma_start3A_384 : memref<128xi32, #tpu.memory_space<vmem>>) target(%dma_start3A_389 : memref<131072xi32, #tpu.memory_space<hbm>>) offsets(%dma_start3A_387 : memref<128xi32, #tpu.memory_space<vmem>>) semaphore(%arg13 : memref<!tpu.dma_semaphore, #tpu.memory_space<semaphore_mem>>)
      %dma_start3A_390 = arith.constant 13 : i32
      %dma_start3A_391 = arith.constant 1664 : i32
      %dma_start3A_392 = tpu.memref_slice %arg9[%dma_start3A_391] : memref<4096xi32, #tpu.memory_space<vmem>> -> memref<128xi32, #tpu.memory_space<vmem>>
      %dma_start3A_393 = arith.constant 0 : i32
      %dma_start3A_394 = tpu.memref_slice %arg11[%dma_start3A_390, %dma_start3A_393] : memref<32x128xi32, #tpu.memory_space<vmem>> -> memref<1x128xi32, #tpu.memory_space<vmem>>
      %dma_start3A_395 = tpu.memref_squeeze %dma_start3A_394 : memref<1x128xi32, #tpu.memory_space<vmem>> -> memref<128xi32, #tpu.memory_space<vmem>>
      %dma_start3A_396 = arith.constant 0 : i32
      %dma_start3A_397 = tpu.memref_slice %arg4[%dma_start3A_396] : memref<131072xi32, #tpu.memory_space<hbm>> -> memref<131072xi32, #tpu.memory_space<hbm>>
      tpu.enqueue_indirect_dma source(%dma_start3A_392 : memref<128xi32, #tpu.memory_space<vmem>>) target(%dma_start3A_397 : memref<131072xi32, #tpu.memory_space<hbm>>) offsets(%dma_start3A_395 : memref<128xi32, #tpu.memory_space<vmem>>) semaphore(%arg13 : memref<!tpu.dma_semaphore, #tpu.memory_space<semaphore_mem>>)
      %dma_start3A_398 = arith.constant 14 : i32
      %dma_start3A_399 = arith.constant 1792 : i32
      %dma_start3A_400 = tpu.memref_slice %arg10[%dma_start3A_399] : memref<4096xi32, #tpu.memory_space<vmem>> -> memref<128xi32, #tpu.memory_space<vmem>>
      %dma_start3A_401 = arith.constant 0 : i32
      %dma_start3A_402 = tpu.memref_slice %arg11[%dma_start3A_398, %dma_start3A_401] : memref<32x128xi32, #tpu.memory_space<vmem>> -> memref<1x128xi32, #tpu.memory_space<vmem>>
      %dma_start3A_403 = tpu.memref_squeeze %dma_start3A_402 : memref<1x128xi32, #tpu.memory_space<vmem>> -> memref<128xi32, #tpu.memory_space<vmem>>
      %dma_start3A_404 = arith.constant 0 : i32
      %dma_start3A_405 = tpu.memref_slice %arg3[%dma_start3A_404] : memref<131072xi32, #tpu.memory_space<hbm>> -> memref<131072xi32, #tpu.memory_space<hbm>>
      tpu.enqueue_indirect_dma source(%dma_start3A_400 : memref<128xi32, #tpu.memory_space<vmem>>) target(%dma_start3A_405 : memref<131072xi32, #tpu.memory_space<hbm>>) offsets(%dma_start3A_403 : memref<128xi32, #tpu.memory_space<vmem>>) semaphore(%arg13 : memref<!tpu.dma_semaphore, #tpu.memory_space<semaphore_mem>>)
      %dma_start3A_406 = arith.constant 14 : i32
      %dma_start3A_407 = arith.constant 1792 : i32
      %dma_start3A_408 = tpu.memref_slice %arg9[%dma_start3A_407] : memref<4096xi32, #tpu.memory_space<vmem>> -> memref<128xi32, #tpu.memory_space<vmem>>
      %dma_start3A_409 = arith.constant 0 : i32
      %dma_start3A_410 = tpu.memref_slice %arg11[%dma_start3A_406, %dma_start3A_409] : memref<32x128xi32, #tpu.memory_space<vmem>> -> memref<1x128xi32, #tpu.memory_space<vmem>>
      %dma_start3A_411 = tpu.memref_squeeze %dma_start3A_410 : memref<1x128xi32, #tpu.memory_space<vmem>> -> memref<128xi32, #tpu.memory_space<vmem>>
      %dma_start3A_412 = arith.constant 0 : i32
      %dma_start3A_413 = tpu.memref_slice %arg4[%dma_start3A_412] : memref<131072xi32, #tpu.memory_space<hbm>> -> memref<131072xi32, #tpu.memory_space<hbm>>
      tpu.enqueue_indirect_dma source(%dma_start3A_408 : memref<128xi32, #tpu.memory_space<vmem>>) target(%dma_start3A_413 : memref<131072xi32, #tpu.memory_space<hbm>>) offsets(%dma_start3A_411 : memref<128xi32, #tpu.memory_space<vmem>>) semaphore(%arg13 : memref<!tpu.dma_semaphore, #tpu.memory_space<semaphore_mem>>)
      %dma_start3A_414 = arith.constant 15 : i32
      %dma_start3A_415 = arith.constant 1920 : i32
      %dma_start3A_416 = tpu.memref_slice %arg10[%dma_start3A_415] : memref<4096xi32, #tpu.memory_space<vmem>> -> memref<128xi32, #tpu.memory_space<vmem>>
      %dma_start3A_417 = arith.constant 0 : i32
      %dma_start3A_418 = tpu.memref_slice %arg11[%dma_start3A_414, %dma_start3A_417] : memref<32x128xi32, #tpu.memory_space<vmem>> -> memref<1x128xi32, #tpu.memory_space<vmem>>
      %dma_start3A_419 = tpu.memref_squeeze %dma_start3A_418 : memref<1x128xi32, #tpu.memory_space<vmem>> -> memref<128xi32, #tpu.memory_space<vmem>>
      %dma_start3A_420 = arith.constant 0 : i32
      %dma_start3A_421 = tpu.memref_slice %arg3[%dma_start3A_420] : memref<131072xi32, #tpu.memory_space<hbm>> -> memref<131072xi32, #tpu.memory_space<hbm>>
      tpu.enqueue_indirect_dma source(%dma_start3A_416 : memref<128xi32, #tpu.memory_space<vmem>>) target(%dma_start3A_421 : memref<131072xi32, #tpu.memory_space<hbm>>) offsets(%dma_start3A_419 : memref<128xi32, #tpu.memory_space<vmem>>) semaphore(%arg13 : memref<!tpu.dma_semaphore, #tpu.memory_space<semaphore_mem>>)
      %dma_start3A_422 = arith.constant 15 : i32
      %dma_start3A_423 = arith.constant 1920 : i32
      %dma_start3A_424 = tpu.memref_slice %arg9[%dma_start3A_423] : memref<4096xi32, #tpu.memory_space<vmem>> -> memref<128xi32, #tpu.memory_space<vmem>>
      %dma_start3A_425 = arith.constant 0 : i32
      %dma_start3A_426 = tpu.memref_slice %arg11[%dma_start3A_422, %dma_start3A_425] : memref<32x128xi32, #tpu.memory_space<vmem>> -> memref<1x128xi32, #tpu.memory_space<vmem>>
      %dma_start3A_427 = tpu.memref_squeeze %dma_start3A_426 : memref<1x128xi32, #tpu.memory_space<vmem>> -> memref<128xi32, #tpu.memory_space<vmem>>
      %dma_start3A_428 = arith.constant 0 : i32
      %dma_start3A_429 = tpu.memref_slice %arg4[%dma_start3A_428] : memref<131072xi32, #tpu.memory_space<hbm>> -> memref<131072xi32, #tpu.memory_space<hbm>>
      tpu.enqueue_indirect_dma source(%dma_start3A_424 : memref<128xi32, #tpu.memory_space<vmem>>) target(%dma_start3A_429 : memref<131072xi32, #tpu.memory_space<hbm>>) offsets(%dma_start3A_427 : memref<128xi32, #tpu.memory_space<vmem>>) semaphore(%arg13 : memref<!tpu.dma_semaphore, #tpu.memory_space<semaphore_mem>>)
      %dma_start3A_430 = arith.constant 16 : i32
      %dma_start3A_431 = arith.constant 2048 : i32
      %dma_start3A_432 = tpu.memref_slice %arg10[%dma_start3A_431] : memref<4096xi32, #tpu.memory_space<vmem>> -> memref<128xi32, #tpu.memory_space<vmem>>
      %dma_start3A_433 = arith.constant 0 : i32
      %dma_start3A_434 = tpu.memref_slice %arg11[%dma_start3A_430, %dma_start3A_433] : memref<32x128xi32, #tpu.memory_space<vmem>> -> memref<1x128xi32, #tpu.memory_space<vmem>>
      %dma_start3A_435 = tpu.memref_squeeze %dma_start3A_434 : memref<1x128xi32, #tpu.memory_space<vmem>> -> memref<128xi32, #tpu.memory_space<vmem>>
      %dma_start3A_436 = arith.constant 0 : i32
      %dma_start3A_437 = tpu.memref_slice %arg3[%dma_start3A_436] : memref<131072xi32, #tpu.memory_space<hbm>> -> memref<131072xi32, #tpu.memory_space<hbm>>
      tpu.enqueue_indirect_dma source(%dma_start3A_432 : memref<128xi32, #tpu.memory_space<vmem>>) target(%dma_start3A_437 : memref<131072xi32, #tpu.memory_space<hbm>>) offsets(%dma_start3A_435 : memref<128xi32, #tpu.memory_space<vmem>>) semaphore(%arg13 : memref<!tpu.dma_semaphore, #tpu.memory_space<semaphore_mem>>)
      %dma_start3A_438 = arith.constant 16 : i32
      %dma_start3A_439 = arith.constant 2048 : i32
      %dma_start3A_440 = tpu.memref_slice %arg9[%dma_start3A_439] : memref<4096xi32, #tpu.memory_space<vmem>> -> memref<128xi32, #tpu.memory_space<vmem>>
      %dma_start3A_441 = arith.constant 0 : i32
      %dma_start3A_442 = tpu.memref_slice %arg11[%dma_start3A_438, %dma_start3A_441] : memref<32x128xi32, #tpu.memory_space<vmem>> -> memref<1x128xi32, #tpu.memory_space<vmem>>
      %dma_start3A_443 = tpu.memref_squeeze %dma_start3A_442 : memref<1x128xi32, #tpu.memory_space<vmem>> -> memref<128xi32, #tpu.memory_space<vmem>>
      %dma_start3A_444 = arith.constant 0 : i32
      %dma_start3A_445 = tpu.memref_slice %arg4[%dma_start3A_444] : memref<131072xi32, #tpu.memory_space<hbm>> -> memref<131072xi32, #tpu.memory_space<hbm>>
      tpu.enqueue_indirect_dma source(%dma_start3A_440 : memref<128xi32, #tpu.memory_space<vmem>>) target(%dma_start3A_445 : memref<131072xi32, #tpu.memory_space<hbm>>) offsets(%dma_start3A_443 : memref<128xi32, #tpu.memory_space<vmem>>) semaphore(%arg13 : memref<!tpu.dma_semaphore, #tpu.memory_space<semaphore_mem>>)
      %dma_start3A_446 = arith.constant 17 : i32
      %dma_start3A_447 = arith.constant 2176 : i32
      %dma_start3A_448 = tpu.memref_slice %arg10[%dma_start3A_447] : memref<4096xi32, #tpu.memory_space<vmem>> -> memref<128xi32, #tpu.memory_space<vmem>>
      %dma_start3A_449 = arith.constant 0 : i32
      %dma_start3A_450 = tpu.memref_slice %arg11[%dma_start3A_446, %dma_start3A_449] : memref<32x128xi32, #tpu.memory_space<vmem>> -> memref<1x128xi32, #tpu.memory_space<vmem>>
      %dma_start3A_451 = tpu.memref_squeeze %dma_start3A_450 : memref<1x128xi32, #tpu.memory_space<vmem>> -> memref<128xi32, #tpu.memory_space<vmem>>
      %dma_start3A_452 = arith.constant 0 : i32
      %dma_start3A_453 = tpu.memref_slice %arg3[%dma_start3A_452] : memref<131072xi32, #tpu.memory_space<hbm>> -> memref<131072xi32, #tpu.memory_space<hbm>>
      tpu.enqueue_indirect_dma source(%dma_start3A_448 : memref<128xi32, #tpu.memory_space<vmem>>) target(%dma_start3A_453 : memref<131072xi32, #tpu.memory_space<hbm>>) offsets(%dma_start3A_451 : memref<128xi32, #tpu.memory_space<vmem>>) semaphore(%arg13 : memref<!tpu.dma_semaphore, #tpu.memory_space<semaphore_mem>>)
      %dma_start3A_454 = arith.constant 17 : i32
      %dma_start3A_455 = arith.constant 2176 : i32
      %dma_start3A_456 = tpu.memref_slice %arg9[%dma_start3A_455] : memref<4096xi32, #tpu.memory_space<vmem>> -> memref<128xi32, #tpu.memory_space<vmem>>
      %dma_start3A_457 = arith.constant 0 : i32
      %dma_start3A_458 = tpu.memref_slice %arg11[%dma_start3A_454, %dma_start3A_457] : memref<32x128xi32, #tpu.memory_space<vmem>> -> memref<1x128xi32, #tpu.memory_space<vmem>>
      %dma_start3A_459 = tpu.memref_squeeze %dma_start3A_458 : memref<1x128xi32, #tpu.memory_space<vmem>> -> memref<128xi32, #tpu.memory_space<vmem>>
      %dma_start3A_460 = arith.constant 0 : i32
      %dma_start3A_461 = tpu.memref_slice %arg4[%dma_start3A_460] : memref<131072xi32, #tpu.memory_space<hbm>> -> memref<131072xi32, #tpu.memory_space<hbm>>
      tpu.enqueue_indirect_dma source(%dma_start3A_456 : memref<128xi32, #tpu.memory_space<vmem>>) target(%dma_start3A_461 : memref<131072xi32, #tpu.memory_space<hbm>>) offsets(%dma_start3A_459 : memref<128xi32, #tpu.memory_space<vmem>>) semaphore(%arg13 : memref<!tpu.dma_semaphore, #tpu.memory_space<semaphore_mem>>)
      %dma_start3A_462 = arith.constant 18 : i32
      %dma_start3A_463 = arith.constant 2304 : i32
      %dma_start3A_464 = tpu.memref_slice %arg10[%dma_start3A_463] : memref<4096xi32, #tpu.memory_space<vmem>> -> memref<128xi32, #tpu.memory_space<vmem>>
      %dma_start3A_465 = arith.constant 0 : i32
      %dma_start3A_466 = tpu.memref_slice %arg11[%dma_start3A_462, %dma_start3A_465] : memref<32x128xi32, #tpu.memory_space<vmem>> -> memref<1x128xi32, #tpu.memory_space<vmem>>
      %dma_start3A_467 = tpu.memref_squeeze %dma_start3A_466 : memref<1x128xi32, #tpu.memory_space<vmem>> -> memref<128xi32, #tpu.memory_space<vmem>>
      %dma_start3A_468 = arith.constant 0 : i32
      %dma_start3A_469 = tpu.memref_slice %arg3[%dma_start3A_468] : memref<131072xi32, #tpu.memory_space<hbm>> -> memref<131072xi32, #tpu.memory_space<hbm>>
      tpu.enqueue_indirect_dma source(%dma_start3A_464 : memref<128xi32, #tpu.memory_space<vmem>>) target(%dma_start3A_469 : memref<131072xi32, #tpu.memory_space<hbm>>) offsets(%dma_start3A_467 : memref<128xi32, #tpu.memory_space<vmem>>) semaphore(%arg13 : memref<!tpu.dma_semaphore, #tpu.memory_space<semaphore_mem>>)
      %dma_start3A_470 = arith.constant 18 : i32
      %dma_start3A_471 = arith.constant 2304 : i32
      %dma_start3A_472 = tpu.memref_slice %arg9[%dma_start3A_471] : memref<4096xi32, #tpu.memory_space<vmem>> -> memref<128xi32, #tpu.memory_space<vmem>>
      %dma_start3A_473 = arith.constant 0 : i32
      %dma_start3A_474 = tpu.memref_slice %arg11[%dma_start3A_470, %dma_start3A_473] : memref<32x128xi32, #tpu.memory_space<vmem>> -> memref<1x128xi32, #tpu.memory_space<vmem>>
      %dma_start3A_475 = tpu.memref_squeeze %dma_start3A_474 : memref<1x128xi32, #tpu.memory_space<vmem>> -> memref<128xi32, #tpu.memory_space<vmem>>
      %dma_start3A_476 = arith.constant 0 : i32
      %dma_start3A_477 = tpu.memref_slice %arg4[%dma_start3A_476] : memref<131072xi32, #tpu.memory_space<hbm>> -> memref<131072xi32, #tpu.memory_space<hbm>>
      tpu.enqueue_indirect_dma source(%dma_start3A_472 : memref<128xi32, #tpu.memory_space<vmem>>) target(%dma_start3A_477 : memref<131072xi32, #tpu.memory_space<hbm>>) offsets(%dma_start3A_475 : memref<128xi32, #tpu.memory_space<vmem>>) semaphore(%arg13 : memref<!tpu.dma_semaphore, #tpu.memory_space<semaphore_mem>>)
      %dma_start3A_478 = arith.constant 19 : i32
      %dma_start3A_479 = arith.constant 2432 : i32
      %dma_start3A_480 = tpu.memref_slice %arg10[%dma_start3A_479] : memref<4096xi32, #tpu.memory_space<vmem>> -> memref<128xi32, #tpu.memory_space<vmem>>
      %dma_start3A_481 = arith.constant 0 : i32
      %dma_start3A_482 = tpu.memref_slice %arg11[%dma_start3A_478, %dma_start3A_481] : memref<32x128xi32, #tpu.memory_space<vmem>> -> memref<1x128xi32, #tpu.memory_space<vmem>>
      %dma_start3A_483 = tpu.memref_squeeze %dma_start3A_482 : memref<1x128xi32, #tpu.memory_space<vmem>> -> memref<128xi32, #tpu.memory_space<vmem>>
      %dma_start3A_484 = arith.constant 0 : i32
      %dma_start3A_485 = tpu.memref_slice %arg3[%dma_start3A_484] : memref<131072xi32, #tpu.memory_space<hbm>> -> memref<131072xi32, #tpu.memory_space<hbm>>
      tpu.enqueue_indirect_dma source(%dma_start3A_480 : memref<128xi32, #tpu.memory_space<vmem>>) target(%dma_start3A_485 : memref<131072xi32, #tpu.memory_space<hbm>>) offsets(%dma_start3A_483 : memref<128xi32, #tpu.memory_space<vmem>>) semaphore(%arg13 : memref<!tpu.dma_semaphore, #tpu.memory_space<semaphore_mem>>)
      %dma_start3A_486 = arith.constant 19 : i32
      %dma_start3A_487 = arith.constant 2432 : i32
      %dma_start3A_488 = tpu.memref_slice %arg9[%dma_start3A_487] : memref<4096xi32, #tpu.memory_space<vmem>> -> memref<128xi32, #tpu.memory_space<vmem>>
      %dma_start3A_489 = arith.constant 0 : i32
      %dma_start3A_490 = tpu.memref_slice %arg11[%dma_start3A_486, %dma_start3A_489] : memref<32x128xi32, #tpu.memory_space<vmem>> -> memref<1x128xi32, #tpu.memory_space<vmem>>
      %dma_start3A_491 = tpu.memref_squeeze %dma_start3A_490 : memref<1x128xi32, #tpu.memory_space<vmem>> -> memref<128xi32, #tpu.memory_space<vmem>>
      %dma_start3A_492 = arith.constant 0 : i32
      %dma_start3A_493 = tpu.memref_slice %arg4[%dma_start3A_492] : memref<131072xi32, #tpu.memory_space<hbm>> -> memref<131072xi32, #tpu.memory_space<hbm>>
      tpu.enqueue_indirect_dma source(%dma_start3A_488 : memref<128xi32, #tpu.memory_space<vmem>>) target(%dma_start3A_493 : memref<131072xi32, #tpu.memory_space<hbm>>) offsets(%dma_start3A_491 : memref<128xi32, #tpu.memory_space<vmem>>) semaphore(%arg13 : memref<!tpu.dma_semaphore, #tpu.memory_space<semaphore_mem>>)
      %dma_start3A_494 = arith.constant 20 : i32
      %dma_start3A_495 = arith.constant 2560 : i32
      %dma_start3A_496 = tpu.memref_slice %arg10[%dma_start3A_495] : memref<4096xi32, #tpu.memory_space<vmem>> -> memref<128xi32, #tpu.memory_space<vmem>>
      %dma_start3A_497 = arith.constant 0 : i32
      %dma_start3A_498 = tpu.memref_slice %arg11[%dma_start3A_494, %dma_start3A_497] : memref<32x128xi32, #tpu.memory_space<vmem>> -> memref<1x128xi32, #tpu.memory_space<vmem>>
      %dma_start3A_499 = tpu.memref_squeeze %dma_start3A_498 : memref<1x128xi32, #tpu.memory_space<vmem>> -> memref<128xi32, #tpu.memory_space<vmem>>
      %dma_start3A_500 = arith.constant 0 : i32
      %dma_start3A_501 = tpu.memref_slice %arg3[%dma_start3A_500] : memref<131072xi32, #tpu.memory_space<hbm>> -> memref<131072xi32, #tpu.memory_space<hbm>>
      tpu.enqueue_indirect_dma source(%dma_start3A_496 : memref<128xi32, #tpu.memory_space<vmem>>) target(%dma_start3A_501 : memref<131072xi32, #tpu.memory_space<hbm>>) offsets(%dma_start3A_499 : memref<128xi32, #tpu.memory_space<vmem>>) semaphore(%arg13 : memref<!tpu.dma_semaphore, #tpu.memory_space<semaphore_mem>>)
      %dma_start3A_502 = arith.constant 20 : i32
      %dma_start3A_503 = arith.constant 2560 : i32
      %dma_start3A_504 = tpu.memref_slice %arg9[%dma_start3A_503] : memref<4096xi32, #tpu.memory_space<vmem>> -> memref<128xi32, #tpu.memory_space<vmem>>
      %dma_start3A_505 = arith.constant 0 : i32
      %dma_start3A_506 = tpu.memref_slice %arg11[%dma_start3A_502, %dma_start3A_505] : memref<32x128xi32, #tpu.memory_space<vmem>> -> memref<1x128xi32, #tpu.memory_space<vmem>>
      %dma_start3A_507 = tpu.memref_squeeze %dma_start3A_506 : memref<1x128xi32, #tpu.memory_space<vmem>> -> memref<128xi32, #tpu.memory_space<vmem>>
      %dma_start3A_508 = arith.constant 0 : i32
      %dma_start3A_509 = tpu.memref_slice %arg4[%dma_start3A_508] : memref<131072xi32, #tpu.memory_space<hbm>> -> memref<131072xi32, #tpu.memory_space<hbm>>
      tpu.enqueue_indirect_dma source(%dma_start3A_504 : memref<128xi32, #tpu.memory_space<vmem>>) target(%dma_start3A_509 : memref<131072xi32, #tpu.memory_space<hbm>>) offsets(%dma_start3A_507 : memref<128xi32, #tpu.memory_space<vmem>>) semaphore(%arg13 : memref<!tpu.dma_semaphore, #tpu.memory_space<semaphore_mem>>)
      %dma_start3A_510 = arith.constant 21 : i32
      %dma_start3A_511 = arith.constant 2688 : i32
      %dma_start3A_512 = tpu.memref_slice %arg10[%dma_start3A_511] : memref<4096xi32, #tpu.memory_space<vmem>> -> memref<128xi32, #tpu.memory_space<vmem>>
      %dma_start3A_513 = arith.constant 0 : i32
      %dma_start3A_514 = tpu.memref_slice %arg11[%dma_start3A_510, %dma_start3A_513] : memref<32x128xi32, #tpu.memory_space<vmem>> -> memref<1x128xi32, #tpu.memory_space<vmem>>
      %dma_start3A_515 = tpu.memref_squeeze %dma_start3A_514 : memref<1x128xi32, #tpu.memory_space<vmem>> -> memref<128xi32, #tpu.memory_space<vmem>>
      %dma_start3A_516 = arith.constant 0 : i32
      %dma_start3A_517 = tpu.memref_slice %arg3[%dma_start3A_516] : memref<131072xi32, #tpu.memory_space<hbm>> -> memref<131072xi32, #tpu.memory_space<hbm>>
      tpu.enqueue_indirect_dma source(%dma_start3A_512 : memref<128xi32, #tpu.memory_space<vmem>>) target(%dma_start3A_517 : memref<131072xi32, #tpu.memory_space<hbm>>) offsets(%dma_start3A_515 : memref<128xi32, #tpu.memory_space<vmem>>) semaphore(%arg13 : memref<!tpu.dma_semaphore, #tpu.memory_space<semaphore_mem>>)
      %dma_start3A_518 = arith.constant 21 : i32
      %dma_start3A_519 = arith.constant 2688 : i32
      %dma_start3A_520 = tpu.memref_slice %arg9[%dma_start3A_519] : memref<4096xi32, #tpu.memory_space<vmem>> -> memref<128xi32, #tpu.memory_space<vmem>>
      %dma_start3A_521 = arith.constant 0 : i32
      %dma_start3A_522 = tpu.memref_slice %arg11[%dma_start3A_518, %dma_start3A_521] : memref<32x128xi32, #tpu.memory_space<vmem>> -> memref<1x128xi32, #tpu.memory_space<vmem>>
      %dma_start3A_523 = tpu.memref_squeeze %dma_start3A_522 : memref<1x128xi32, #tpu.memory_space<vmem>> -> memref<128xi32, #tpu.memory_space<vmem>>
      %dma_start3A_524 = arith.constant 0 : i32
      %dma_start3A_525 = tpu.memref_slice %arg4[%dma_start3A_524] : memref<131072xi32, #tpu.memory_space<hbm>> -> memref<131072xi32, #tpu.memory_space<hbm>>
      tpu.enqueue_indirect_dma source(%dma_start3A_520 : memref<128xi32, #tpu.memory_space<vmem>>) target(%dma_start3A_525 : memref<131072xi32, #tpu.memory_space<hbm>>) offsets(%dma_start3A_523 : memref<128xi32, #tpu.memory_space<vmem>>) semaphore(%arg13 : memref<!tpu.dma_semaphore, #tpu.memory_space<semaphore_mem>>)
      %dma_start3A_526 = arith.constant 22 : i32
      %dma_start3A_527 = arith.constant 2816 : i32
      %dma_start3A_528 = tpu.memref_slice %arg10[%dma_start3A_527] : memref<4096xi32, #tpu.memory_space<vmem>> -> memref<128xi32, #tpu.memory_space<vmem>>
      %dma_start3A_529 = arith.constant 0 : i32
      %dma_start3A_530 = tpu.memref_slice %arg11[%dma_start3A_526, %dma_start3A_529] : memref<32x128xi32, #tpu.memory_space<vmem>> -> memref<1x128xi32, #tpu.memory_space<vmem>>
      %dma_start3A_531 = tpu.memref_squeeze %dma_start3A_530 : memref<1x128xi32, #tpu.memory_space<vmem>> -> memref<128xi32, #tpu.memory_space<vmem>>
      %dma_start3A_532 = arith.constant 0 : i32
      %dma_start3A_533 = tpu.memref_slice %arg3[%dma_start3A_532] : memref<131072xi32, #tpu.memory_space<hbm>> -> memref<131072xi32, #tpu.memory_space<hbm>>
      tpu.enqueue_indirect_dma source(%dma_start3A_528 : memref<128xi32, #tpu.memory_space<vmem>>) target(%dma_start3A_533 : memref<131072xi32, #tpu.memory_space<hbm>>) offsets(%dma_start3A_531 : memref<128xi32, #tpu.memory_space<vmem>>) semaphore(%arg13 : memref<!tpu.dma_semaphore, #tpu.memory_space<semaphore_mem>>)
      %dma_start3A_534 = arith.constant 22 : i32
      %dma_start3A_535 = arith.constant 2816 : i32
      %dma_start3A_536 = tpu.memref_slice %arg9[%dma_start3A_535] : memref<4096xi32, #tpu.memory_space<vmem>> -> memref<128xi32, #tpu.memory_space<vmem>>
      %dma_start3A_537 = arith.constant 0 : i32
      %dma_start3A_538 = tpu.memref_slice %arg11[%dma_start3A_534, %dma_start3A_537] : memref<32x128xi32, #tpu.memory_space<vmem>> -> memref<1x128xi32, #tpu.memory_space<vmem>>
      %dma_start3A_539 = tpu.memref_squeeze %dma_start3A_538 : memref<1x128xi32, #tpu.memory_space<vmem>> -> memref<128xi32, #tpu.memory_space<vmem>>
      %dma_start3A_540 = arith.constant 0 : i32
      %dma_start3A_541 = tpu.memref_slice %arg4[%dma_start3A_540] : memref<131072xi32, #tpu.memory_space<hbm>> -> memref<131072xi32, #tpu.memory_space<hbm>>
      tpu.enqueue_indirect_dma source(%dma_start3A_536 : memref<128xi32, #tpu.memory_space<vmem>>) target(%dma_start3A_541 : memref<131072xi32, #tpu.memory_space<hbm>>) offsets(%dma_start3A_539 : memref<128xi32, #tpu.memory_space<vmem>>) semaphore(%arg13 : memref<!tpu.dma_semaphore, #tpu.memory_space<semaphore_mem>>)
      %dma_start3A_542 = arith.constant 23 : i32
      %dma_start3A_543 = arith.constant 2944 : i32
      %dma_start3A_544 = tpu.memref_slice %arg10[%dma_start3A_543] : memref<4096xi32, #tpu.memory_space<vmem>> -> memref<128xi32, #tpu.memory_space<vmem>>
      %dma_start3A_545 = arith.constant 0 : i32
      %dma_start3A_546 = tpu.memref_slice %arg11[%dma_start3A_542, %dma_start3A_545] : memref<32x128xi32, #tpu.memory_space<vmem>> -> memref<1x128xi32, #tpu.memory_space<vmem>>
      %dma_start3A_547 = tpu.memref_squeeze %dma_start3A_546 : memref<1x128xi32, #tpu.memory_space<vmem>> -> memref<128xi32, #tpu.memory_space<vmem>>
      %dma_start3A_548 = arith.constant 0 : i32
      %dma_start3A_549 = tpu.memref_slice %arg3[%dma_start3A_548] : memref<131072xi32, #tpu.memory_space<hbm>> -> memref<131072xi32, #tpu.memory_space<hbm>>
      tpu.enqueue_indirect_dma source(%dma_start3A_544 : memref<128xi32, #tpu.memory_space<vmem>>) target(%dma_start3A_549 : memref<131072xi32, #tpu.memory_space<hbm>>) offsets(%dma_start3A_547 : memref<128xi32, #tpu.memory_space<vmem>>) semaphore(%arg13 : memref<!tpu.dma_semaphore, #tpu.memory_space<semaphore_mem>>)
      %dma_start3A_550 = arith.constant 23 : i32
      %dma_start3A_551 = arith.constant 2944 : i32
      %dma_start3A_552 = tpu.memref_slice %arg9[%dma_start3A_551] : memref<4096xi32, #tpu.memory_space<vmem>> -> memref<128xi32, #tpu.memory_space<vmem>>
      %dma_start3A_553 = arith.constant 0 : i32
      %dma_start3A_554 = tpu.memref_slice %arg11[%dma_start3A_550, %dma_start3A_553] : memref<32x128xi32, #tpu.memory_space<vmem>> -> memref<1x128xi32, #tpu.memory_space<vmem>>
      %dma_start3A_555 = tpu.memref_squeeze %dma_start3A_554 : memref<1x128xi32, #tpu.memory_space<vmem>> -> memref<128xi32, #tpu.memory_space<vmem>>
      %dma_start3A_556 = arith.constant 0 : i32
      %dma_start3A_557 = tpu.memref_slice %arg4[%dma_start3A_556] : memref<131072xi32, #tpu.memory_space<hbm>> -> memref<131072xi32, #tpu.memory_space<hbm>>
      tpu.enqueue_indirect_dma source(%dma_start3A_552 : memref<128xi32, #tpu.memory_space<vmem>>) target(%dma_start3A_557 : memref<131072xi32, #tpu.memory_space<hbm>>) offsets(%dma_start3A_555 : memref<128xi32, #tpu.memory_space<vmem>>) semaphore(%arg13 : memref<!tpu.dma_semaphore, #tpu.memory_space<semaphore_mem>>)
      %dma_start3A_558 = arith.constant 24 : i32
      %dma_start3A_559 = arith.constant 3072 : i32
      %dma_start3A_560 = tpu.memref_slice %arg10[%dma_start3A_559] : memref<4096xi32, #tpu.memory_space<vmem>> -> memref<128xi32, #tpu.memory_space<vmem>>
      %dma_start3A_561 = arith.constant 0 : i32
      %dma_start3A_562 = tpu.memref_slice %arg11[%dma_start3A_558, %dma_start3A_561] : memref<32x128xi32, #tpu.memory_space<vmem>> -> memref<1x128xi32, #tpu.memory_space<vmem>>
      %dma_start3A_563 = tpu.memref_squeeze %dma_start3A_562 : memref<1x128xi32, #tpu.memory_space<vmem>> -> memref<128xi32, #tpu.memory_space<vmem>>
      %dma_start3A_564 = arith.constant 0 : i32
      %dma_start3A_565 = tpu.memref_slice %arg3[%dma_start3A_564] : memref<131072xi32, #tpu.memory_space<hbm>> -> memref<131072xi32, #tpu.memory_space<hbm>>
      tpu.enqueue_indirect_dma source(%dma_start3A_560 : memref<128xi32, #tpu.memory_space<vmem>>) target(%dma_start3A_565 : memref<131072xi32, #tpu.memory_space<hbm>>) offsets(%dma_start3A_563 : memref<128xi32, #tpu.memory_space<vmem>>) semaphore(%arg13 : memref<!tpu.dma_semaphore, #tpu.memory_space<semaphore_mem>>)
      %dma_start3A_566 = arith.constant 24 : i32
      %dma_start3A_567 = arith.constant 3072 : i32
      %dma_start3A_568 = tpu.memref_slice %arg9[%dma_start3A_567] : memref<4096xi32, #tpu.memory_space<vmem>> -> memref<128xi32, #tpu.memory_space<vmem>>
      %dma_start3A_569 = arith.constant 0 : i32
      %dma_start3A_570 = tpu.memref_slice %arg11[%dma_start3A_566, %dma_start3A_569] : memref<32x128xi32, #tpu.memory_space<vmem>> -> memref<1x128xi32, #tpu.memory_space<vmem>>
      %dma_start3A_571 = tpu.memref_squeeze %dma_start3A_570 : memref<1x128xi32, #tpu.memory_space<vmem>> -> memref<128xi32, #tpu.memory_space<vmem>>
      %dma_start3A_572 = arith.constant 0 : i32
      %dma_start3A_573 = tpu.memref_slice %arg4[%dma_start3A_572] : memref<131072xi32, #tpu.memory_space<hbm>> -> memref<131072xi32, #tpu.memory_space<hbm>>
      tpu.enqueue_indirect_dma source(%dma_start3A_568 : memref<128xi32, #tpu.memory_space<vmem>>) target(%dma_start3A_573 : memref<131072xi32, #tpu.memory_space<hbm>>) offsets(%dma_start3A_571 : memref<128xi32, #tpu.memory_space<vmem>>) semaphore(%arg13 : memref<!tpu.dma_semaphore, #tpu.memory_space<semaphore_mem>>)
      %dma_start3A_574 = arith.constant 25 : i32
      %dma_start3A_575 = arith.constant 3200 : i32
      %dma_start3A_576 = tpu.memref_slice %arg10[%dma_start3A_575] : memref<4096xi32, #tpu.memory_space<vmem>> -> memref<128xi32, #tpu.memory_space<vmem>>
      %dma_start3A_577 = arith.constant 0 : i32
      %dma_start3A_578 = tpu.memref_slice %arg11[%dma_start3A_574, %dma_start3A_577] : memref<32x128xi32, #tpu.memory_space<vmem>> -> memref<1x128xi32, #tpu.memory_space<vmem>>
      %dma_start3A_579 = tpu.memref_squeeze %dma_start3A_578 : memref<1x128xi32, #tpu.memory_space<vmem>> -> memref<128xi32, #tpu.memory_space<vmem>>
      %dma_start3A_580 = arith.constant 0 : i32
      %dma_start3A_581 = tpu.memref_slice %arg3[%dma_start3A_580] : memref<131072xi32, #tpu.memory_space<hbm>> -> memref<131072xi32, #tpu.memory_space<hbm>>
      tpu.enqueue_indirect_dma source(%dma_start3A_576 : memref<128xi32, #tpu.memory_space<vmem>>) target(%dma_start3A_581 : memref<131072xi32, #tpu.memory_space<hbm>>) offsets(%dma_start3A_579 : memref<128xi32, #tpu.memory_space<vmem>>) semaphore(%arg13 : memref<!tpu.dma_semaphore, #tpu.memory_space<semaphore_mem>>)
      %dma_start3A_582 = arith.constant 25 : i32
      %dma_start3A_583 = arith.constant 3200 : i32
      %dma_start3A_584 = tpu.memref_slice %arg9[%dma_start3A_583] : memref<4096xi32, #tpu.memory_space<vmem>> -> memref<128xi32, #tpu.memory_space<vmem>>
      %dma_start3A_585 = arith.constant 0 : i32
      %dma_start3A_586 = tpu.memref_slice %arg11[%dma_start3A_582, %dma_start3A_585] : memref<32x128xi32, #tpu.memory_space<vmem>> -> memref<1x128xi32, #tpu.memory_space<vmem>>
      %dma_start3A_587 = tpu.memref_squeeze %dma_start3A_586 : memref<1x128xi32, #tpu.memory_space<vmem>> -> memref<128xi32, #tpu.memory_space<vmem>>
      %dma_start3A_588 = arith.constant 0 : i32
      %dma_start3A_589 = tpu.memref_slice %arg4[%dma_start3A_588] : memref<131072xi32, #tpu.memory_space<hbm>> -> memref<131072xi32, #tpu.memory_space<hbm>>
      tpu.enqueue_indirect_dma source(%dma_start3A_584 : memref<128xi32, #tpu.memory_space<vmem>>) target(%dma_start3A_589 : memref<131072xi32, #tpu.memory_space<hbm>>) offsets(%dma_start3A_587 : memref<128xi32, #tpu.memory_space<vmem>>) semaphore(%arg13 : memref<!tpu.dma_semaphore, #tpu.memory_space<semaphore_mem>>)
      %dma_start3A_590 = arith.constant 26 : i32
      %dma_start3A_591 = arith.constant 3328 : i32
      %dma_start3A_592 = tpu.memref_slice %arg10[%dma_start3A_591] : memref<4096xi32, #tpu.memory_space<vmem>> -> memref<128xi32, #tpu.memory_space<vmem>>
      %dma_start3A_593 = arith.constant 0 : i32
      %dma_start3A_594 = tpu.memref_slice %arg11[%dma_start3A_590, %dma_start3A_593] : memref<32x128xi32, #tpu.memory_space<vmem>> -> memref<1x128xi32, #tpu.memory_space<vmem>>
      %dma_start3A_595 = tpu.memref_squeeze %dma_start3A_594 : memref<1x128xi32, #tpu.memory_space<vmem>> -> memref<128xi32, #tpu.memory_space<vmem>>
      %dma_start3A_596 = arith.constant 0 : i32
      %dma_start3A_597 = tpu.memref_slice %arg3[%dma_start3A_596] : memref<131072xi32, #tpu.memory_space<hbm>> -> memref<131072xi32, #tpu.memory_space<hbm>>
      tpu.enqueue_indirect_dma source(%dma_start3A_592 : memref<128xi32, #tpu.memory_space<vmem>>) target(%dma_start3A_597 : memref<131072xi32, #tpu.memory_space<hbm>>) offsets(%dma_start3A_595 : memref<128xi32, #tpu.memory_space<vmem>>) semaphore(%arg13 : memref<!tpu.dma_semaphore, #tpu.memory_space<semaphore_mem>>)
      %dma_start3A_598 = arith.constant 26 : i32
      %dma_start3A_599 = arith.constant 3328 : i32
      %dma_start3A_600 = tpu.memref_slice %arg9[%dma_start3A_599] : memref<4096xi32, #tpu.memory_space<vmem>> -> memref<128xi32, #tpu.memory_space<vmem>>
      %dma_start3A_601 = arith.constant 0 : i32
      %dma_start3A_602 = tpu.memref_slice %arg11[%dma_start3A_598, %dma_start3A_601] : memref<32x128xi32, #tpu.memory_space<vmem>> -> memref<1x128xi32, #tpu.memory_space<vmem>>
      %dma_start3A_603 = tpu.memref_squeeze %dma_start3A_602 : memref<1x128xi32, #tpu.memory_space<vmem>> -> memref<128xi32, #tpu.memory_space<vmem>>
      %dma_start3A_604 = arith.constant 0 : i32
      %dma_start3A_605 = tpu.memref_slice %arg4[%dma_start3A_604] : memref<131072xi32, #tpu.memory_space<hbm>> -> memref<131072xi32, #tpu.memory_space<hbm>>
      tpu.enqueue_indirect_dma source(%dma_start3A_600 : memref<128xi32, #tpu.memory_space<vmem>>) target(%dma_start3A_605 : memref<131072xi32, #tpu.memory_space<hbm>>) offsets(%dma_start3A_603 : memref<128xi32, #tpu.memory_space<vmem>>) semaphore(%arg13 : memref<!tpu.dma_semaphore, #tpu.memory_space<semaphore_mem>>)
      %dma_start3A_606 = arith.constant 27 : i32
      %dma_start3A_607 = arith.constant 3456 : i32
      %dma_start3A_608 = tpu.memref_slice %arg10[%dma_start3A_607] : memref<4096xi32, #tpu.memory_space<vmem>> -> memref<128xi32, #tpu.memory_space<vmem>>
      %dma_start3A_609 = arith.constant 0 : i32
      %dma_start3A_610 = tpu.memref_slice %arg11[%dma_start3A_606, %dma_start3A_609] : memref<32x128xi32, #tpu.memory_space<vmem>> -> memref<1x128xi32, #tpu.memory_space<vmem>>
      %dma_start3A_611 = tpu.memref_squeeze %dma_start3A_610 : memref<1x128xi32, #tpu.memory_space<vmem>> -> memref<128xi32, #tpu.memory_space<vmem>>
      %dma_start3A_612 = arith.constant 0 : i32
      %dma_start3A_613 = tpu.memref_slice %arg3[%dma_start3A_612] : memref<131072xi32, #tpu.memory_space<hbm>> -> memref<131072xi32, #tpu.memory_space<hbm>>
      tpu.enqueue_indirect_dma source(%dma_start3A_608 : memref<128xi32, #tpu.memory_space<vmem>>) target(%dma_start3A_613 : memref<131072xi32, #tpu.memory_space<hbm>>) offsets(%dma_start3A_611 : memref<128xi32, #tpu.memory_space<vmem>>) semaphore(%arg13 : memref<!tpu.dma_semaphore, #tpu.memory_space<semaphore_mem>>)
      %dma_start3A_614 = arith.constant 27 : i32
      %dma_start3A_615 = arith.constant 3456 : i32
      %dma_start3A_616 = tpu.memref_slice %arg9[%dma_start3A_615] : memref<4096xi32, #tpu.memory_space<vmem>> -> memref<128xi32, #tpu.memory_space<vmem>>
      %dma_start3A_617 = arith.constant 0 : i32
      %dma_start3A_618 = tpu.memref_slice %arg11[%dma_start3A_614, %dma_start3A_617] : memref<32x128xi32, #tpu.memory_space<vmem>> -> memref<1x128xi32, #tpu.memory_space<vmem>>
      %dma_start3A_619 = tpu.memref_squeeze %dma_start3A_618 : memref<1x128xi32, #tpu.memory_space<vmem>> -> memref<128xi32, #tpu.memory_space<vmem>>
      %dma_start3A_620 = arith.constant 0 : i32
      %dma_start3A_621 = tpu.memref_slice %arg4[%dma_start3A_620] : memref<131072xi32, #tpu.memory_space<hbm>> -> memref<131072xi32, #tpu.memory_space<hbm>>
      tpu.enqueue_indirect_dma source(%dma_start3A_616 : memref<128xi32, #tpu.memory_space<vmem>>) target(%dma_start3A_621 : memref<131072xi32, #tpu.memory_space<hbm>>) offsets(%dma_start3A_619 : memref<128xi32, #tpu.memory_space<vmem>>) semaphore(%arg13 : memref<!tpu.dma_semaphore, #tpu.memory_space<semaphore_mem>>)
      %dma_start3A_622 = arith.constant 28 : i32
      %dma_start3A_623 = arith.constant 3584 : i32
      %dma_start3A_624 = tpu.memref_slice %arg10[%dma_start3A_623] : memref<4096xi32, #tpu.memory_space<vmem>> -> memref<128xi32, #tpu.memory_space<vmem>>
      %dma_start3A_625 = arith.constant 0 : i32
      %dma_start3A_626 = tpu.memref_slice %arg11[%dma_start3A_622, %dma_start3A_625] : memref<32x128xi32, #tpu.memory_space<vmem>> -> memref<1x128xi32, #tpu.memory_space<vmem>>
      %dma_start3A_627 = tpu.memref_squeeze %dma_start3A_626 : memref<1x128xi32, #tpu.memory_space<vmem>> -> memref<128xi32, #tpu.memory_space<vmem>>
      %dma_start3A_628 = arith.constant 0 : i32
      %dma_start3A_629 = tpu.memref_slice %arg3[%dma_start3A_628] : memref<131072xi32, #tpu.memory_space<hbm>> -> memref<131072xi32, #tpu.memory_space<hbm>>
      tpu.enqueue_indirect_dma source(%dma_start3A_624 : memref<128xi32, #tpu.memory_space<vmem>>) target(%dma_start3A_629 : memref<131072xi32, #tpu.memory_space<hbm>>) offsets(%dma_start3A_627 : memref<128xi32, #tpu.memory_space<vmem>>) semaphore(%arg13 : memref<!tpu.dma_semaphore, #tpu.memory_space<semaphore_mem>>)
      %dma_start3A_630 = arith.constant 28 : i32
      %dma_start3A_631 = arith.constant 3584 : i32
      %dma_start3A_632 = tpu.memref_slice %arg9[%dma_start3A_631] : memref<4096xi32, #tpu.memory_space<vmem>> -> memref<128xi32, #tpu.memory_space<vmem>>
      %dma_start3A_633 = arith.constant 0 : i32
      %dma_start3A_634 = tpu.memref_slice %arg11[%dma_start3A_630, %dma_start3A_633] : memref<32x128xi32, #tpu.memory_space<vmem>> -> memref<1x128xi32, #tpu.memory_space<vmem>>
      %dma_start3A_635 = tpu.memref_squeeze %dma_start3A_634 : memref<1x128xi32, #tpu.memory_space<vmem>> -> memref<128xi32, #tpu.memory_space<vmem>>
      %dma_start3A_636 = arith.constant 0 : i32
      %dma_start3A_637 = tpu.memref_slice %arg4[%dma_start3A_636] : memref<131072xi32, #tpu.memory_space<hbm>> -> memref<131072xi32, #tpu.memory_space<hbm>>
      tpu.enqueue_indirect_dma source(%dma_start3A_632 : memref<128xi32, #tpu.memory_space<vmem>>) target(%dma_start3A_637 : memref<131072xi32, #tpu.memory_space<hbm>>) offsets(%dma_start3A_635 : memref<128xi32, #tpu.memory_space<vmem>>) semaphore(%arg13 : memref<!tpu.dma_semaphore, #tpu.memory_space<semaphore_mem>>)
      %dma_start3A_638 = arith.constant 29 : i32
      %dma_start3A_639 = arith.constant 3712 : i32
      %dma_start3A_640 = tpu.memref_slice %arg10[%dma_start3A_639] : memref<4096xi32, #tpu.memory_space<vmem>> -> memref<128xi32, #tpu.memory_space<vmem>>
      %dma_start3A_641 = arith.constant 0 : i32
      %dma_start3A_642 = tpu.memref_slice %arg11[%dma_start3A_638, %dma_start3A_641] : memref<32x128xi32, #tpu.memory_space<vmem>> -> memref<1x128xi32, #tpu.memory_space<vmem>>
      %dma_start3A_643 = tpu.memref_squeeze %dma_start3A_642 : memref<1x128xi32, #tpu.memory_space<vmem>> -> memref<128xi32, #tpu.memory_space<vmem>>
      %dma_start3A_644 = arith.constant 0 : i32
      %dma_start3A_645 = tpu.memref_slice %arg3[%dma_start3A_644] : memref<131072xi32, #tpu.memory_space<hbm>> -> memref<131072xi32, #tpu.memory_space<hbm>>
      tpu.enqueue_indirect_dma source(%dma_start3A_640 : memref<128xi32, #tpu.memory_space<vmem>>) target(%dma_start3A_645 : memref<131072xi32, #tpu.memory_space<hbm>>) offsets(%dma_start3A_643 : memref<128xi32, #tpu.memory_space<vmem>>) semaphore(%arg13 : memref<!tpu.dma_semaphore, #tpu.memory_space<semaphore_mem>>)
      %dma_start3A_646 = arith.constant 29 : i32
      %dma_start3A_647 = arith.constant 3712 : i32
      %dma_start3A_648 = tpu.memref_slice %arg9[%dma_start3A_647] : memref<4096xi32, #tpu.memory_space<vmem>> -> memref<128xi32, #tpu.memory_space<vmem>>
      %dma_start3A_649 = arith.constant 0 : i32
      %dma_start3A_650 = tpu.memref_slice %arg11[%dma_start3A_646, %dma_start3A_649] : memref<32x128xi32, #tpu.memory_space<vmem>> -> memref<1x128xi32, #tpu.memory_space<vmem>>
      %dma_start3A_651 = tpu.memref_squeeze %dma_start3A_650 : memref<1x128xi32, #tpu.memory_space<vmem>> -> memref<128xi32, #tpu.memory_space<vmem>>
      %dma_start3A_652 = arith.constant 0 : i32
      %dma_start3A_653 = tpu.memref_slice %arg4[%dma_start3A_652] : memref<131072xi32, #tpu.memory_space<hbm>> -> memref<131072xi32, #tpu.memory_space<hbm>>
      tpu.enqueue_indirect_dma source(%dma_start3A_648 : memref<128xi32, #tpu.memory_space<vmem>>) target(%dma_start3A_653 : memref<131072xi32, #tpu.memory_space<hbm>>) offsets(%dma_start3A_651 : memref<128xi32, #tpu.memory_space<vmem>>) semaphore(%arg13 : memref<!tpu.dma_semaphore, #tpu.memory_space<semaphore_mem>>)
      %dma_start3A_654 = arith.constant 30 : i32
      %dma_start3A_655 = arith.constant 3840 : i32
      %dma_start3A_656 = tpu.memref_slice %arg10[%dma_start3A_655] : memref<4096xi32, #tpu.memory_space<vmem>> -> memref<128xi32, #tpu.memory_space<vmem>>
      %dma_start3A_657 = arith.constant 0 : i32
      %dma_start3A_658 = tpu.memref_slice %arg11[%dma_start3A_654, %dma_start3A_657] : memref<32x128xi32, #tpu.memory_space<vmem>> -> memref<1x128xi32, #tpu.memory_space<vmem>>
      %dma_start3A_659 = tpu.memref_squeeze %dma_start3A_658 : memref<1x128xi32, #tpu.memory_space<vmem>> -> memref<128xi32, #tpu.memory_space<vmem>>
      %dma_start3A_660 = arith.constant 0 : i32
      %dma_start3A_661 = tpu.memref_slice %arg3[%dma_start3A_660] : memref<131072xi32, #tpu.memory_space<hbm>> -> memref<131072xi32, #tpu.memory_space<hbm>>
      tpu.enqueue_indirect_dma source(%dma_start3A_656 : memref<128xi32, #tpu.memory_space<vmem>>) target(%dma_start3A_661 : memref<131072xi32, #tpu.memory_space<hbm>>) offsets(%dma_start3A_659 : memref<128xi32, #tpu.memory_space<vmem>>) semaphore(%arg13 : memref<!tpu.dma_semaphore, #tpu.memory_space<semaphore_mem>>)
      %dma_start3A_662 = arith.constant 30 : i32
      %dma_start3A_663 = arith.constant 3840 : i32
      %dma_start3A_664 = tpu.memref_slice %arg9[%dma_start3A_663] : memref<4096xi32, #tpu.memory_space<vmem>> -> memref<128xi32, #tpu.memory_space<vmem>>
      %dma_start3A_665 = arith.constant 0 : i32
      %dma_start3A_666 = tpu.memref_slice %arg11[%dma_start3A_662, %dma_start3A_665] : memref<32x128xi32, #tpu.memory_space<vmem>> -> memref<1x128xi32, #tpu.memory_space<vmem>>
      %dma_start3A_667 = tpu.memref_squeeze %dma_start3A_666 : memref<1x128xi32, #tpu.memory_space<vmem>> -> memref<128xi32, #tpu.memory_space<vmem>>
      %dma_start3A_668 = arith.constant 0 : i32
      %dma_start3A_669 = tpu.memref_slice %arg4[%dma_start3A_668] : memref<131072xi32, #tpu.memory_space<hbm>> -> memref<131072xi32, #tpu.memory_space<hbm>>
      tpu.enqueue_indirect_dma source(%dma_start3A_664 : memref<128xi32, #tpu.memory_space<vmem>>) target(%dma_start3A_669 : memref<131072xi32, #tpu.memory_space<hbm>>) offsets(%dma_start3A_667 : memref<128xi32, #tpu.memory_space<vmem>>) semaphore(%arg13 : memref<!tpu.dma_semaphore, #tpu.memory_space<semaphore_mem>>)
      %dma_start3A_670 = arith.constant 31 : i32
      %dma_start3A_671 = arith.constant 3968 : i32
      %dma_start3A_672 = tpu.memref_slice %arg10[%dma_start3A_671] : memref<4096xi32, #tpu.memory_space<vmem>> -> memref<128xi32, #tpu.memory_space<vmem>>
      %dma_start3A_673 = arith.constant 0 : i32
      %dma_start3A_674 = tpu.memref_slice %arg11[%dma_start3A_670, %dma_start3A_673] : memref<32x128xi32, #tpu.memory_space<vmem>> -> memref<1x128xi32, #tpu.memory_space<vmem>>
      %dma_start3A_675 = tpu.memref_squeeze %dma_start3A_674 : memref<1x128xi32, #tpu.memory_space<vmem>> -> memref<128xi32, #tpu.memory_space<vmem>>
      %dma_start3A_676 = arith.constant 0 : i32
      %dma_start3A_677 = tpu.memref_slice %arg3[%dma_start3A_676] : memref<131072xi32, #tpu.memory_space<hbm>> -> memref<131072xi32, #tpu.memory_space<hbm>>
      tpu.enqueue_indirect_dma source(%dma_start3A_672 : memref<128xi32, #tpu.memory_space<vmem>>) target(%dma_start3A_677 : memref<131072xi32, #tpu.memory_space<hbm>>) offsets(%dma_start3A_675 : memref<128xi32, #tpu.memory_space<vmem>>) semaphore(%arg13 : memref<!tpu.dma_semaphore, #tpu.memory_space<semaphore_mem>>)
      %dma_start3A_678 = arith.constant 31 : i32
      %dma_start3A_679 = arith.constant 3968 : i32
      %dma_start3A_680 = tpu.memref_slice %arg9[%dma_start3A_679] : memref<4096xi32, #tpu.memory_space<vmem>> -> memref<128xi32, #tpu.memory_space<vmem>>
      %dma_start3A_681 = arith.constant 0 : i32
      %dma_start3A_682 = tpu.memref_slice %arg11[%dma_start3A_678, %dma_start3A_681] : memref<32x128xi32, #tpu.memory_space<vmem>> -> memref<1x128xi32, #tpu.memory_space<vmem>>
      %dma_start3A_683 = tpu.memref_squeeze %dma_start3A_682 : memref<1x128xi32, #tpu.memory_space<vmem>> -> memref<128xi32, #tpu.memory_space<vmem>>
      %dma_start3A_684 = arith.constant 0 : i32
      %dma_start3A_685 = tpu.memref_slice %arg4[%dma_start3A_684] : memref<131072xi32, #tpu.memory_space<hbm>> -> memref<131072xi32, #tpu.memory_space<hbm>>
      tpu.enqueue_indirect_dma source(%dma_start3A_680 : memref<128xi32, #tpu.memory_space<vmem>>) target(%dma_start3A_685 : memref<131072xi32, #tpu.memory_space<hbm>>) offsets(%dma_start3A_683 : memref<128xi32, #tpu.memory_space<vmem>>) semaphore(%arg13 : memref<!tpu.dma_semaphore, #tpu.memory_space<semaphore_mem>>)
      %dma_wait3A_686 = arith.constant 0 : i32
      %dma_wait3A_687 = arith.constant 0 : i32
      %dma_wait3A_688 = tpu.memref_slice %arg10[%dma_wait3A_687] : memref<4096xi32, #tpu.memory_space<vmem>> -> memref<128xi32, #tpu.memory_space<vmem>>
      %dma_wait3A_689 = arith.constant 0 : i32
      %dma_wait3A_690 = tpu.memref_slice %arg11[%dma_wait3A_686, %dma_wait3A_689] : memref<32x128xi32, #tpu.memory_space<vmem>> -> memref<1x128xi32, #tpu.memory_space<vmem>>
      %dma_wait3A_691 = tpu.memref_squeeze %dma_wait3A_690 : memref<1x128xi32, #tpu.memory_space<vmem>> -> memref<128xi32, #tpu.memory_space<vmem>>
      %dma_wait3A_692 = arith.constant 0 : i32
      %dma_wait3A_693 = tpu.memref_slice %arg3[%dma_wait3A_692] : memref<131072xi32, #tpu.memory_space<hbm>> -> memref<131072xi32, #tpu.memory_space<hbm>>
      tpu.wait_indirect_dma semaphore(%arg13 : memref<!tpu.dma_semaphore, #tpu.memory_space<semaphore_mem>>) src(%dma_wait3A_688 : memref<128xi32, #tpu.memory_space<vmem>>) dst(%dma_wait3A_693 : memref<131072xi32, #tpu.memory_space<hbm>>)
      %dma_wait3A_694 = arith.constant 0 : i32
      %dma_wait3A_695 = arith.constant 0 : i32
      %dma_wait3A_696 = tpu.memref_slice %arg9[%dma_wait3A_695] : memref<4096xi32, #tpu.memory_space<vmem>> -> memref<128xi32, #tpu.memory_space<vmem>>
      %dma_wait3A_697 = arith.constant 0 : i32
      %dma_wait3A_698 = tpu.memref_slice %arg11[%dma_wait3A_694, %dma_wait3A_697] : memref<32x128xi32, #tpu.memory_space<vmem>> -> memref<1x128xi32, #tpu.memory_space<vmem>>
      %dma_wait3A_699 = tpu.memref_squeeze %dma_wait3A_698 : memref<1x128xi32, #tpu.memory_space<vmem>> -> memref<128xi32, #tpu.memory_space<vmem>>
      %dma_wait3A_700 = arith.constant 0 : i32
      %dma_wait3A_701 = tpu.memref_slice %arg4[%dma_wait3A_700] : memref<131072xi32, #tpu.memory_space<hbm>> -> memref<131072xi32, #tpu.memory_space<hbm>>
      tpu.wait_indirect_dma semaphore(%arg13 : memref<!tpu.dma_semaphore, #tpu.memory_space<semaphore_mem>>) src(%dma_wait3A_696 : memref<128xi32, #tpu.memory_space<vmem>>) dst(%dma_wait3A_701 : memref<131072xi32, #tpu.memory_space<hbm>>)
      %dma_wait3A_702 = arith.constant 1 : i32
      %dma_wait3A_703 = arith.constant 128 : i32
      %dma_wait3A_704 = tpu.memref_slice %arg10[%dma_wait3A_703] : memref<4096xi32, #tpu.memory_space<vmem>> -> memref<128xi32, #tpu.memory_space<vmem>>
      %dma_wait3A_705 = arith.constant 0 : i32
      %dma_wait3A_706 = tpu.memref_slice %arg11[%dma_wait3A_702, %dma_wait3A_705] : memref<32x128xi32, #tpu.memory_space<vmem>> -> memref<1x128xi32, #tpu.memory_space<vmem>>
      %dma_wait3A_707 = tpu.memref_squeeze %dma_wait3A_706 : memref<1x128xi32, #tpu.memory_space<vmem>> -> memref<128xi32, #tpu.memory_space<vmem>>
      %dma_wait3A_708 = arith.constant 0 : i32
      %dma_wait3A_709 = tpu.memref_slice %arg3[%dma_wait3A_708] : memref<131072xi32, #tpu.memory_space<hbm>> -> memref<131072xi32, #tpu.memory_space<hbm>>
      tpu.wait_indirect_dma semaphore(%arg13 : memref<!tpu.dma_semaphore, #tpu.memory_space<semaphore_mem>>) src(%dma_wait3A_704 : memref<128xi32, #tpu.memory_space<vmem>>) dst(%dma_wait3A_709 : memref<131072xi32, #tpu.memory_space<hbm>>)
      %dma_wait3A_710 = arith.constant 1 : i32
      %dma_wait3A_711 = arith.constant 128 : i32
      %dma_wait3A_712 = tpu.memref_slice %arg9[%dma_wait3A_711] : memref<4096xi32, #tpu.memory_space<vmem>> -> memref<128xi32, #tpu.memory_space<vmem>>
      %dma_wait3A_713 = arith.constant 0 : i32
      %dma_wait3A_714 = tpu.memref_slice %arg11[%dma_wait3A_710, %dma_wait3A_713] : memref<32x128xi32, #tpu.memory_space<vmem>> -> memref<1x128xi32, #tpu.memory_space<vmem>>
      %dma_wait3A_715 = tpu.memref_squeeze %dma_wait3A_714 : memref<1x128xi32, #tpu.memory_space<vmem>> -> memref<128xi32, #tpu.memory_space<vmem>>
      %dma_wait3A_716 = arith.constant 0 : i32
      %dma_wait3A_717 = tpu.memref_slice %arg4[%dma_wait3A_716] : memref<131072xi32, #tpu.memory_space<hbm>> -> memref<131072xi32, #tpu.memory_space<hbm>>
      tpu.wait_indirect_dma semaphore(%arg13 : memref<!tpu.dma_semaphore, #tpu.memory_space<semaphore_mem>>) src(%dma_wait3A_712 : memref<128xi32, #tpu.memory_space<vmem>>) dst(%dma_wait3A_717 : memref<131072xi32, #tpu.memory_space<hbm>>)
      %dma_wait3A_718 = arith.constant 2 : i32
      %dma_wait3A_719 = arith.constant 256 : i32
      %dma_wait3A_720 = tpu.memref_slice %arg10[%dma_wait3A_719] : memref<4096xi32, #tpu.memory_space<vmem>> -> memref<128xi32, #tpu.memory_space<vmem>>
      %dma_wait3A_721 = arith.constant 0 : i32
      %dma_wait3A_722 = tpu.memref_slice %arg11[%dma_wait3A_718, %dma_wait3A_721] : memref<32x128xi32, #tpu.memory_space<vmem>> -> memref<1x128xi32, #tpu.memory_space<vmem>>
      %dma_wait3A_723 = tpu.memref_squeeze %dma_wait3A_722 : memref<1x128xi32, #tpu.memory_space<vmem>> -> memref<128xi32, #tpu.memory_space<vmem>>
      %dma_wait3A_724 = arith.constant 0 : i32
      %dma_wait3A_725 = tpu.memref_slice %arg3[%dma_wait3A_724] : memref<131072xi32, #tpu.memory_space<hbm>> -> memref<131072xi32, #tpu.memory_space<hbm>>
      tpu.wait_indirect_dma semaphore(%arg13 : memref<!tpu.dma_semaphore, #tpu.memory_space<semaphore_mem>>) src(%dma_wait3A_720 : memref<128xi32, #tpu.memory_space<vmem>>) dst(%dma_wait3A_725 : memref<131072xi32, #tpu.memory_space<hbm>>)
      %dma_wait3A_726 = arith.constant 2 : i32
      %dma_wait3A_727 = arith.constant 256 : i32
      %dma_wait3A_728 = tpu.memref_slice %arg9[%dma_wait3A_727] : memref<4096xi32, #tpu.memory_space<vmem>> -> memref<128xi32, #tpu.memory_space<vmem>>
      %dma_wait3A_729 = arith.constant 0 : i32
      %dma_wait3A_730 = tpu.memref_slice %arg11[%dma_wait3A_726, %dma_wait3A_729] : memref<32x128xi32, #tpu.memory_space<vmem>> -> memref<1x128xi32, #tpu.memory_space<vmem>>
      %dma_wait3A_731 = tpu.memref_squeeze %dma_wait3A_730 : memref<1x128xi32, #tpu.memory_space<vmem>> -> memref<128xi32, #tpu.memory_space<vmem>>
      %dma_wait3A_732 = arith.constant 0 : i32
      %dma_wait3A_733 = tpu.memref_slice %arg4[%dma_wait3A_732] : memref<131072xi32, #tpu.memory_space<hbm>> -> memref<131072xi32, #tpu.memory_space<hbm>>
      tpu.wait_indirect_dma semaphore(%arg13 : memref<!tpu.dma_semaphore, #tpu.memory_space<semaphore_mem>>) src(%dma_wait3A_728 : memref<128xi32, #tpu.memory_space<vmem>>) dst(%dma_wait3A_733 : memref<131072xi32, #tpu.memory_space<hbm>>)
      %dma_wait3A_734 = arith.constant 3 : i32
      %dma_wait3A_735 = arith.constant 384 : i32
      %dma_wait3A_736 = tpu.memref_slice %arg10[%dma_wait3A_735] : memref<4096xi32, #tpu.memory_space<vmem>> -> memref<128xi32, #tpu.memory_space<vmem>>
      %dma_wait3A_737 = arith.constant 0 : i32
      %dma_wait3A_738 = tpu.memref_slice %arg11[%dma_wait3A_734, %dma_wait3A_737] : memref<32x128xi32, #tpu.memory_space<vmem>> -> memref<1x128xi32, #tpu.memory_space<vmem>>
      %dma_wait3A_739 = tpu.memref_squeeze %dma_wait3A_738 : memref<1x128xi32, #tpu.memory_space<vmem>> -> memref<128xi32, #tpu.memory_space<vmem>>
      %dma_wait3A_740 = arith.constant 0 : i32
      %dma_wait3A_741 = tpu.memref_slice %arg3[%dma_wait3A_740] : memref<131072xi32, #tpu.memory_space<hbm>> -> memref<131072xi32, #tpu.memory_space<hbm>>
      tpu.wait_indirect_dma semaphore(%arg13 : memref<!tpu.dma_semaphore, #tpu.memory_space<semaphore_mem>>) src(%dma_wait3A_736 : memref<128xi32, #tpu.memory_space<vmem>>) dst(%dma_wait3A_741 : memref<131072xi32, #tpu.memory_space<hbm>>)
      %dma_wait3A_742 = arith.constant 3 : i32
      %dma_wait3A_743 = arith.constant 384 : i32
      %dma_wait3A_744 = tpu.memref_slice %arg9[%dma_wait3A_743] : memref<4096xi32, #tpu.memory_space<vmem>> -> memref<128xi32, #tpu.memory_space<vmem>>
      %dma_wait3A_745 = arith.constant 0 : i32
      %dma_wait3A_746 = tpu.memref_slice %arg11[%dma_wait3A_742, %dma_wait3A_745] : memref<32x128xi32, #tpu.memory_space<vmem>> -> memref<1x128xi32, #tpu.memory_space<vmem>>
      %dma_wait3A_747 = tpu.memref_squeeze %dma_wait3A_746 : memref<1x128xi32, #tpu.memory_space<vmem>> -> memref<128xi32, #tpu.memory_space<vmem>>
      %dma_wait3A_748 = arith.constant 0 : i32
      %dma_wait3A_749 = tpu.memref_slice %arg4[%dma_wait3A_748] : memref<131072xi32, #tpu.memory_space<hbm>> -> memref<131072xi32, #tpu.memory_space<hbm>>
      tpu.wait_indirect_dma semaphore(%arg13 : memref<!tpu.dma_semaphore, #tpu.memory_space<semaphore_mem>>) src(%dma_wait3A_744 : memref<128xi32, #tpu.memory_space<vmem>>) dst(%dma_wait3A_749 : memref<131072xi32, #tpu.memory_space<hbm>>)
      %dma_wait3A_750 = arith.constant 4 : i32
      %dma_wait3A_751 = arith.constant 512 : i32
      %dma_wait3A_752 = tpu.memref_slice %arg10[%dma_wait3A_751] : memref<4096xi32, #tpu.memory_space<vmem>> -> memref<128xi32, #tpu.memory_space<vmem>>
      %dma_wait3A_753 = arith.constant 0 : i32
      %dma_wait3A_754 = tpu.memref_slice %arg11[%dma_wait3A_750, %dma_wait3A_753] : memref<32x128xi32, #tpu.memory_space<vmem>> -> memref<1x128xi32, #tpu.memory_space<vmem>>
      %dma_wait3A_755 = tpu.memref_squeeze %dma_wait3A_754 : memref<1x128xi32, #tpu.memory_space<vmem>> -> memref<128xi32, #tpu.memory_space<vmem>>
      %dma_wait3A_756 = arith.constant 0 : i32
      %dma_wait3A_757 = tpu.memref_slice %arg3[%dma_wait3A_756] : memref<131072xi32, #tpu.memory_space<hbm>> -> memref<131072xi32, #tpu.memory_space<hbm>>
      tpu.wait_indirect_dma semaphore(%arg13 : memref<!tpu.dma_semaphore, #tpu.memory_space<semaphore_mem>>) src(%dma_wait3A_752 : memref<128xi32, #tpu.memory_space<vmem>>) dst(%dma_wait3A_757 : memref<131072xi32, #tpu.memory_space<hbm>>)
      %dma_wait3A_758 = arith.constant 4 : i32
      %dma_wait3A_759 = arith.constant 512 : i32
      %dma_wait3A_760 = tpu.memref_slice %arg9[%dma_wait3A_759] : memref<4096xi32, #tpu.memory_space<vmem>> -> memref<128xi32, #tpu.memory_space<vmem>>
      %dma_wait3A_761 = arith.constant 0 : i32
      %dma_wait3A_762 = tpu.memref_slice %arg11[%dma_wait3A_758, %dma_wait3A_761] : memref<32x128xi32, #tpu.memory_space<vmem>> -> memref<1x128xi32, #tpu.memory_space<vmem>>
      %dma_wait3A_763 = tpu.memref_squeeze %dma_wait3A_762 : memref<1x128xi32, #tpu.memory_space<vmem>> -> memref<128xi32, #tpu.memory_space<vmem>>
      %dma_wait3A_764 = arith.constant 0 : i32
      %dma_wait3A_765 = tpu.memref_slice %arg4[%dma_wait3A_764] : memref<131072xi32, #tpu.memory_space<hbm>> -> memref<131072xi32, #tpu.memory_space<hbm>>
      tpu.wait_indirect_dma semaphore(%arg13 : memref<!tpu.dma_semaphore, #tpu.memory_space<semaphore_mem>>) src(%dma_wait3A_760 : memref<128xi32, #tpu.memory_space<vmem>>) dst(%dma_wait3A_765 : memref<131072xi32, #tpu.memory_space<hbm>>)
      %dma_wait3A_766 = arith.constant 5 : i32
      %dma_wait3A_767 = arith.constant 640 : i32
      %dma_wait3A_768 = tpu.memref_slice %arg10[%dma_wait3A_767] : memref<4096xi32, #tpu.memory_space<vmem>> -> memref<128xi32, #tpu.memory_space<vmem>>
      %dma_wait3A_769 = arith.constant 0 : i32
      %dma_wait3A_770 = tpu.memref_slice %arg11[%dma_wait3A_766, %dma_wait3A_769] : memref<32x128xi32, #tpu.memory_space<vmem>> -> memref<1x128xi32, #tpu.memory_space<vmem>>
      %dma_wait3A_771 = tpu.memref_squeeze %dma_wait3A_770 : memref<1x128xi32, #tpu.memory_space<vmem>> -> memref<128xi32, #tpu.memory_space<vmem>>
      %dma_wait3A_772 = arith.constant 0 : i32
      %dma_wait3A_773 = tpu.memref_slice %arg3[%dma_wait3A_772] : memref<131072xi32, #tpu.memory_space<hbm>> -> memref<131072xi32, #tpu.memory_space<hbm>>
      tpu.wait_indirect_dma semaphore(%arg13 : memref<!tpu.dma_semaphore, #tpu.memory_space<semaphore_mem>>) src(%dma_wait3A_768 : memref<128xi32, #tpu.memory_space<vmem>>) dst(%dma_wait3A_773 : memref<131072xi32, #tpu.memory_space<hbm>>)
      %dma_wait3A_774 = arith.constant 5 : i32
      %dma_wait3A_775 = arith.constant 640 : i32
      %dma_wait3A_776 = tpu.memref_slice %arg9[%dma_wait3A_775] : memref<4096xi32, #tpu.memory_space<vmem>> -> memref<128xi32, #tpu.memory_space<vmem>>
      %dma_wait3A_777 = arith.constant 0 : i32
      %dma_wait3A_778 = tpu.memref_slice %arg11[%dma_wait3A_774, %dma_wait3A_777] : memref<32x128xi32, #tpu.memory_space<vmem>> -> memref<1x128xi32, #tpu.memory_space<vmem>>
      %dma_wait3A_779 = tpu.memref_squeeze %dma_wait3A_778 : memref<1x128xi32, #tpu.memory_space<vmem>> -> memref<128xi32, #tpu.memory_space<vmem>>
      %dma_wait3A_780 = arith.constant 0 : i32
      %dma_wait3A_781 = tpu.memref_slice %arg4[%dma_wait3A_780] : memref<131072xi32, #tpu.memory_space<hbm>> -> memref<131072xi32, #tpu.memory_space<hbm>>
      tpu.wait_indirect_dma semaphore(%arg13 : memref<!tpu.dma_semaphore, #tpu.memory_space<semaphore_mem>>) src(%dma_wait3A_776 : memref<128xi32, #tpu.memory_space<vmem>>) dst(%dma_wait3A_781 : memref<131072xi32, #tpu.memory_space<hbm>>)
      %dma_wait3A_782 = arith.constant 6 : i32
      %dma_wait3A_783 = arith.constant 768 : i32
      %dma_wait3A_784 = tpu.memref_slice %arg10[%dma_wait3A_783] : memref<4096xi32, #tpu.memory_space<vmem>> -> memref<128xi32, #tpu.memory_space<vmem>>
      %dma_wait3A_785 = arith.constant 0 : i32
      %dma_wait3A_786 = tpu.memref_slice %arg11[%dma_wait3A_782, %dma_wait3A_785] : memref<32x128xi32, #tpu.memory_space<vmem>> -> memref<1x128xi32, #tpu.memory_space<vmem>>
      %dma_wait3A_787 = tpu.memref_squeeze %dma_wait3A_786 : memref<1x128xi32, #tpu.memory_space<vmem>> -> memref<128xi32, #tpu.memory_space<vmem>>
      %dma_wait3A_788 = arith.constant 0 : i32
      %dma_wait3A_789 = tpu.memref_slice %arg3[%dma_wait3A_788] : memref<131072xi32, #tpu.memory_space<hbm>> -> memref<131072xi32, #tpu.memory_space<hbm>>
      tpu.wait_indirect_dma semaphore(%arg13 : memref<!tpu.dma_semaphore, #tpu.memory_space<semaphore_mem>>) src(%dma_wait3A_784 : memref<128xi32, #tpu.memory_space<vmem>>) dst(%dma_wait3A_789 : memref<131072xi32, #tpu.memory_space<hbm>>)
      %dma_wait3A_790 = arith.constant 6 : i32
      %dma_wait3A_791 = arith.constant 768 : i32
      %dma_wait3A_792 = tpu.memref_slice %arg9[%dma_wait3A_791] : memref<4096xi32, #tpu.memory_space<vmem>> -> memref<128xi32, #tpu.memory_space<vmem>>
      %dma_wait3A_793 = arith.constant 0 : i32
      %dma_wait3A_794 = tpu.memref_slice %arg11[%dma_wait3A_790, %dma_wait3A_793] : memref<32x128xi32, #tpu.memory_space<vmem>> -> memref<1x128xi32, #tpu.memory_space<vmem>>
      %dma_wait3A_795 = tpu.memref_squeeze %dma_wait3A_794 : memref<1x128xi32, #tpu.memory_space<vmem>> -> memref<128xi32, #tpu.memory_space<vmem>>
      %dma_wait3A_796 = arith.constant 0 : i32
      %dma_wait3A_797 = tpu.memref_slice %arg4[%dma_wait3A_796] : memref<131072xi32, #tpu.memory_space<hbm>> -> memref<131072xi32, #tpu.memory_space<hbm>>
      tpu.wait_indirect_dma semaphore(%arg13 : memref<!tpu.dma_semaphore, #tpu.memory_space<semaphore_mem>>) src(%dma_wait3A_792 : memref<128xi32, #tpu.memory_space<vmem>>) dst(%dma_wait3A_797 : memref<131072xi32, #tpu.memory_space<hbm>>)
      %dma_wait3A_798 = arith.constant 7 : i32
      %dma_wait3A_799 = arith.constant 896 : i32
      %dma_wait3A_800 = tpu.memref_slice %arg10[%dma_wait3A_799] : memref<4096xi32, #tpu.memory_space<vmem>> -> memref<128xi32, #tpu.memory_space<vmem>>
      %dma_wait3A_801 = arith.constant 0 : i32
      %dma_wait3A_802 = tpu.memref_slice %arg11[%dma_wait3A_798, %dma_wait3A_801] : memref<32x128xi32, #tpu.memory_space<vmem>> -> memref<1x128xi32, #tpu.memory_space<vmem>>
      %dma_wait3A_803 = tpu.memref_squeeze %dma_wait3A_802 : memref<1x128xi32, #tpu.memory_space<vmem>> -> memref<128xi32, #tpu.memory_space<vmem>>
      %dma_wait3A_804 = arith.constant 0 : i32
      %dma_wait3A_805 = tpu.memref_slice %arg3[%dma_wait3A_804] : memref<131072xi32, #tpu.memory_space<hbm>> -> memref<131072xi32, #tpu.memory_space<hbm>>
      tpu.wait_indirect_dma semaphore(%arg13 : memref<!tpu.dma_semaphore, #tpu.memory_space<semaphore_mem>>) src(%dma_wait3A_800 : memref<128xi32, #tpu.memory_space<vmem>>) dst(%dma_wait3A_805 : memref<131072xi32, #tpu.memory_space<hbm>>)
      %dma_wait3A_806 = arith.constant 7 : i32
      %dma_wait3A_807 = arith.constant 896 : i32
      %dma_wait3A_808 = tpu.memref_slice %arg9[%dma_wait3A_807] : memref<4096xi32, #tpu.memory_space<vmem>> -> memref<128xi32, #tpu.memory_space<vmem>>
      %dma_wait3A_809 = arith.constant 0 : i32
      %dma_wait3A_810 = tpu.memref_slice %arg11[%dma_wait3A_806, %dma_wait3A_809] : memref<32x128xi32, #tpu.memory_space<vmem>> -> memref<1x128xi32, #tpu.memory_space<vmem>>
      %dma_wait3A_811 = tpu.memref_squeeze %dma_wait3A_810 : memref<1x128xi32, #tpu.memory_space<vmem>> -> memref<128xi32, #tpu.memory_space<vmem>>
      %dma_wait3A_812 = arith.constant 0 : i32
      %dma_wait3A_813 = tpu.memref_slice %arg4[%dma_wait3A_812] : memref<131072xi32, #tpu.memory_space<hbm>> -> memref<131072xi32, #tpu.memory_space<hbm>>
      tpu.wait_indirect_dma semaphore(%arg13 : memref<!tpu.dma_semaphore, #tpu.memory_space<semaphore_mem>>) src(%dma_wait3A_808 : memref<128xi32, #tpu.memory_space<vmem>>) dst(%dma_wait3A_813 : memref<131072xi32, #tpu.memory_space<hbm>>)
      %dma_wait3A_814 = arith.constant 8 : i32
      %dma_wait3A_815 = arith.constant 1024 : i32
      %dma_wait3A_816 = tpu.memref_slice %arg10[%dma_wait3A_815] : memref<4096xi32, #tpu.memory_space<vmem>> -> memref<128xi32, #tpu.memory_space<vmem>>
      %dma_wait3A_817 = arith.constant 0 : i32
      %dma_wait3A_818 = tpu.memref_slice %arg11[%dma_wait3A_814, %dma_wait3A_817] : memref<32x128xi32, #tpu.memory_space<vmem>> -> memref<1x128xi32, #tpu.memory_space<vmem>>
      %dma_wait3A_819 = tpu.memref_squeeze %dma_wait3A_818 : memref<1x128xi32, #tpu.memory_space<vmem>> -> memref<128xi32, #tpu.memory_space<vmem>>
      %dma_wait3A_820 = arith.constant 0 : i32
      %dma_wait3A_821 = tpu.memref_slice %arg3[%dma_wait3A_820] : memref<131072xi32, #tpu.memory_space<hbm>> -> memref<131072xi32, #tpu.memory_space<hbm>>
      tpu.wait_indirect_dma semaphore(%arg13 : memref<!tpu.dma_semaphore, #tpu.memory_space<semaphore_mem>>) src(%dma_wait3A_816 : memref<128xi32, #tpu.memory_space<vmem>>) dst(%dma_wait3A_821 : memref<131072xi32, #tpu.memory_space<hbm>>)
      %dma_wait3A_822 = arith.constant 8 : i32
      %dma_wait3A_823 = arith.constant 1024 : i32
      %dma_wait3A_824 = tpu.memref_slice %arg9[%dma_wait3A_823] : memref<4096xi32, #tpu.memory_space<vmem>> -> memref<128xi32, #tpu.memory_space<vmem>>
      %dma_wait3A_825 = arith.constant 0 : i32
      %dma_wait3A_826 = tpu.memref_slice %arg11[%dma_wait3A_822, %dma_wait3A_825] : memref<32x128xi32, #tpu.memory_space<vmem>> -> memref<1x128xi32, #tpu.memory_space<vmem>>
      %dma_wait3A_827 = tpu.memref_squeeze %dma_wait3A_826 : memref<1x128xi32, #tpu.memory_space<vmem>> -> memref<128xi32, #tpu.memory_space<vmem>>
      %dma_wait3A_828 = arith.constant 0 : i32
      %dma_wait3A_829 = tpu.memref_slice %arg4[%dma_wait3A_828] : memref<131072xi32, #tpu.memory_space<hbm>> -> memref<131072xi32, #tpu.memory_space<hbm>>
      tpu.wait_indirect_dma semaphore(%arg13 : memref<!tpu.dma_semaphore, #tpu.memory_space<semaphore_mem>>) src(%dma_wait3A_824 : memref<128xi32, #tpu.memory_space<vmem>>) dst(%dma_wait3A_829 : memref<131072xi32, #tpu.memory_space<hbm>>)
      %dma_wait3A_830 = arith.constant 9 : i32
      %dma_wait3A_831 = arith.constant 1152 : i32
      %dma_wait3A_832 = tpu.memref_slice %arg10[%dma_wait3A_831] : memref<4096xi32, #tpu.memory_space<vmem>> -> memref<128xi32, #tpu.memory_space<vmem>>
      %dma_wait3A_833 = arith.constant 0 : i32
      %dma_wait3A_834 = tpu.memref_slice %arg11[%dma_wait3A_830, %dma_wait3A_833] : memref<32x128xi32, #tpu.memory_space<vmem>> -> memref<1x128xi32, #tpu.memory_space<vmem>>
      %dma_wait3A_835 = tpu.memref_squeeze %dma_wait3A_834 : memref<1x128xi32, #tpu.memory_space<vmem>> -> memref<128xi32, #tpu.memory_space<vmem>>
      %dma_wait3A_836 = arith.constant 0 : i32
      %dma_wait3A_837 = tpu.memref_slice %arg3[%dma_wait3A_836] : memref<131072xi32, #tpu.memory_space<hbm>> -> memref<131072xi32, #tpu.memory_space<hbm>>
      tpu.wait_indirect_dma semaphore(%arg13 : memref<!tpu.dma_semaphore, #tpu.memory_space<semaphore_mem>>) src(%dma_wait3A_832 : memref<128xi32, #tpu.memory_space<vmem>>) dst(%dma_wait3A_837 : memref<131072xi32, #tpu.memory_space<hbm>>)
      %dma_wait3A_838 = arith.constant 9 : i32
      %dma_wait3A_839 = arith.constant 1152 : i32
      %dma_wait3A_840 = tpu.memref_slice %arg9[%dma_wait3A_839] : memref<4096xi32, #tpu.memory_space<vmem>> -> memref<128xi32, #tpu.memory_space<vmem>>
      %dma_wait3A_841 = arith.constant 0 : i32
      %dma_wait3A_842 = tpu.memref_slice %arg11[%dma_wait3A_838, %dma_wait3A_841] : memref<32x128xi32, #tpu.memory_space<vmem>> -> memref<1x128xi32, #tpu.memory_space<vmem>>
      %dma_wait3A_843 = tpu.memref_squeeze %dma_wait3A_842 : memref<1x128xi32, #tpu.memory_space<vmem>> -> memref<128xi32, #tpu.memory_space<vmem>>
      %dma_wait3A_844 = arith.constant 0 : i32
      %dma_wait3A_845 = tpu.memref_slice %arg4[%dma_wait3A_844] : memref<131072xi32, #tpu.memory_space<hbm>> -> memref<131072xi32, #tpu.memory_space<hbm>>
      tpu.wait_indirect_dma semaphore(%arg13 : memref<!tpu.dma_semaphore, #tpu.memory_space<semaphore_mem>>) src(%dma_wait3A_840 : memref<128xi32, #tpu.memory_space<vmem>>) dst(%dma_wait3A_845 : memref<131072xi32, #tpu.memory_space<hbm>>)
      %dma_wait3A_846 = arith.constant 10 : i32
      %dma_wait3A_847 = arith.constant 1280 : i32
      %dma_wait3A_848 = tpu.memref_slice %arg10[%dma_wait3A_847] : memref<4096xi32, #tpu.memory_space<vmem>> -> memref<128xi32, #tpu.memory_space<vmem>>
      %dma_wait3A_849 = arith.constant 0 : i32
      %dma_wait3A_850 = tpu.memref_slice %arg11[%dma_wait3A_846, %dma_wait3A_849] : memref<32x128xi32, #tpu.memory_space<vmem>> -> memref<1x128xi32, #tpu.memory_space<vmem>>
      %dma_wait3A_851 = tpu.memref_squeeze %dma_wait3A_850 : memref<1x128xi32, #tpu.memory_space<vmem>> -> memref<128xi32, #tpu.memory_space<vmem>>
      %dma_wait3A_852 = arith.constant 0 : i32
      %dma_wait3A_853 = tpu.memref_slice %arg3[%dma_wait3A_852] : memref<131072xi32, #tpu.memory_space<hbm>> -> memref<131072xi32, #tpu.memory_space<hbm>>
      tpu.wait_indirect_dma semaphore(%arg13 : memref<!tpu.dma_semaphore, #tpu.memory_space<semaphore_mem>>) src(%dma_wait3A_848 : memref<128xi32, #tpu.memory_space<vmem>>) dst(%dma_wait3A_853 : memref<131072xi32, #tpu.memory_space<hbm>>)
      %dma_wait3A_854 = arith.constant 10 : i32
      %dma_wait3A_855 = arith.constant 1280 : i32
      %dma_wait3A_856 = tpu.memref_slice %arg9[%dma_wait3A_855] : memref<4096xi32, #tpu.memory_space<vmem>> -> memref<128xi32, #tpu.memory_space<vmem>>
      %dma_wait3A_857 = arith.constant 0 : i32
      %dma_wait3A_858 = tpu.memref_slice %arg11[%dma_wait3A_854, %dma_wait3A_857] : memref<32x128xi32, #tpu.memory_space<vmem>> -> memref<1x128xi32, #tpu.memory_space<vmem>>
      %dma_wait3A_859 = tpu.memref_squeeze %dma_wait3A_858 : memref<1x128xi32, #tpu.memory_space<vmem>> -> memref<128xi32, #tpu.memory_space<vmem>>
      %dma_wait3A_860 = arith.constant 0 : i32
      %dma_wait3A_861 = tpu.memref_slice %arg4[%dma_wait3A_860] : memref<131072xi32, #tpu.memory_space<hbm>> -> memref<131072xi32, #tpu.memory_space<hbm>>
      tpu.wait_indirect_dma semaphore(%arg13 : memref<!tpu.dma_semaphore, #tpu.memory_space<semaphore_mem>>) src(%dma_wait3A_856 : memref<128xi32, #tpu.memory_space<vmem>>) dst(%dma_wait3A_861 : memref<131072xi32, #tpu.memory_space<hbm>>)
      %dma_wait3A_862 = arith.constant 11 : i32
      %dma_wait3A_863 = arith.constant 1408 : i32
      %dma_wait3A_864 = tpu.memref_slice %arg10[%dma_wait3A_863] : memref<4096xi32, #tpu.memory_space<vmem>> -> memref<128xi32, #tpu.memory_space<vmem>>
      %dma_wait3A_865 = arith.constant 0 : i32
      %dma_wait3A_866 = tpu.memref_slice %arg11[%dma_wait3A_862, %dma_wait3A_865] : memref<32x128xi32, #tpu.memory_space<vmem>> -> memref<1x128xi32, #tpu.memory_space<vmem>>
      %dma_wait3A_867 = tpu.memref_squeeze %dma_wait3A_866 : memref<1x128xi32, #tpu.memory_space<vmem>> -> memref<128xi32, #tpu.memory_space<vmem>>
      %dma_wait3A_868 = arith.constant 0 : i32
      %dma_wait3A_869 = tpu.memref_slice %arg3[%dma_wait3A_868] : memref<131072xi32, #tpu.memory_space<hbm>> -> memref<131072xi32, #tpu.memory_space<hbm>>
      tpu.wait_indirect_dma semaphore(%arg13 : memref<!tpu.dma_semaphore, #tpu.memory_space<semaphore_mem>>) src(%dma_wait3A_864 : memref<128xi32, #tpu.memory_space<vmem>>) dst(%dma_wait3A_869 : memref<131072xi32, #tpu.memory_space<hbm>>)
      %dma_wait3A_870 = arith.constant 11 : i32
      %dma_wait3A_871 = arith.constant 1408 : i32
      %dma_wait3A_872 = tpu.memref_slice %arg9[%dma_wait3A_871] : memref<4096xi32, #tpu.memory_space<vmem>> -> memref<128xi32, #tpu.memory_space<vmem>>
      %dma_wait3A_873 = arith.constant 0 : i32
      %dma_wait3A_874 = tpu.memref_slice %arg11[%dma_wait3A_870, %dma_wait3A_873] : memref<32x128xi32, #tpu.memory_space<vmem>> -> memref<1x128xi32, #tpu.memory_space<vmem>>
      %dma_wait3A_875 = tpu.memref_squeeze %dma_wait3A_874 : memref<1x128xi32, #tpu.memory_space<vmem>> -> memref<128xi32, #tpu.memory_space<vmem>>
      %dma_wait3A_876 = arith.constant 0 : i32
      %dma_wait3A_877 = tpu.memref_slice %arg4[%dma_wait3A_876] : memref<131072xi32, #tpu.memory_space<hbm>> -> memref<131072xi32, #tpu.memory_space<hbm>>
      tpu.wait_indirect_dma semaphore(%arg13 : memref<!tpu.dma_semaphore, #tpu.memory_space<semaphore_mem>>) src(%dma_wait3A_872 : memref<128xi32, #tpu.memory_space<vmem>>) dst(%dma_wait3A_877 : memref<131072xi32, #tpu.memory_space<hbm>>)
      %dma_wait3A_878 = arith.constant 12 : i32
      %dma_wait3A_879 = arith.constant 1536 : i32
      %dma_wait3A_880 = tpu.memref_slice %arg10[%dma_wait3A_879] : memref<4096xi32, #tpu.memory_space<vmem>> -> memref<128xi32, #tpu.memory_space<vmem>>
      %dma_wait3A_881 = arith.constant 0 : i32
      %dma_wait3A_882 = tpu.memref_slice %arg11[%dma_wait3A_878, %dma_wait3A_881] : memref<32x128xi32, #tpu.memory_space<vmem>> -> memref<1x128xi32, #tpu.memory_space<vmem>>
      %dma_wait3A_883 = tpu.memref_squeeze %dma_wait3A_882 : memref<1x128xi32, #tpu.memory_space<vmem>> -> memref<128xi32, #tpu.memory_space<vmem>>
      %dma_wait3A_884 = arith.constant 0 : i32
      %dma_wait3A_885 = tpu.memref_slice %arg3[%dma_wait3A_884] : memref<131072xi32, #tpu.memory_space<hbm>> -> memref<131072xi32, #tpu.memory_space<hbm>>
      tpu.wait_indirect_dma semaphore(%arg13 : memref<!tpu.dma_semaphore, #tpu.memory_space<semaphore_mem>>) src(%dma_wait3A_880 : memref<128xi32, #tpu.memory_space<vmem>>) dst(%dma_wait3A_885 : memref<131072xi32, #tpu.memory_space<hbm>>)
      %dma_wait3A_886 = arith.constant 12 : i32
      %dma_wait3A_887 = arith.constant 1536 : i32
      %dma_wait3A_888 = tpu.memref_slice %arg9[%dma_wait3A_887] : memref<4096xi32, #tpu.memory_space<vmem>> -> memref<128xi32, #tpu.memory_space<vmem>>
      %dma_wait3A_889 = arith.constant 0 : i32
      %dma_wait3A_890 = tpu.memref_slice %arg11[%dma_wait3A_886, %dma_wait3A_889] : memref<32x128xi32, #tpu.memory_space<vmem>> -> memref<1x128xi32, #tpu.memory_space<vmem>>
      %dma_wait3A_891 = tpu.memref_squeeze %dma_wait3A_890 : memref<1x128xi32, #tpu.memory_space<vmem>> -> memref<128xi32, #tpu.memory_space<vmem>>
      %dma_wait3A_892 = arith.constant 0 : i32
      %dma_wait3A_893 = tpu.memref_slice %arg4[%dma_wait3A_892] : memref<131072xi32, #tpu.memory_space<hbm>> -> memref<131072xi32, #tpu.memory_space<hbm>>
      tpu.wait_indirect_dma semaphore(%arg13 : memref<!tpu.dma_semaphore, #tpu.memory_space<semaphore_mem>>) src(%dma_wait3A_888 : memref<128xi32, #tpu.memory_space<vmem>>) dst(%dma_wait3A_893 : memref<131072xi32, #tpu.memory_space<hbm>>)
      %dma_wait3A_894 = arith.constant 13 : i32
      %dma_wait3A_895 = arith.constant 1664 : i32
      %dma_wait3A_896 = tpu.memref_slice %arg10[%dma_wait3A_895] : memref<4096xi32, #tpu.memory_space<vmem>> -> memref<128xi32, #tpu.memory_space<vmem>>
      %dma_wait3A_897 = arith.constant 0 : i32
      %dma_wait3A_898 = tpu.memref_slice %arg11[%dma_wait3A_894, %dma_wait3A_897] : memref<32x128xi32, #tpu.memory_space<vmem>> -> memref<1x128xi32, #tpu.memory_space<vmem>>
      %dma_wait3A_899 = tpu.memref_squeeze %dma_wait3A_898 : memref<1x128xi32, #tpu.memory_space<vmem>> -> memref<128xi32, #tpu.memory_space<vmem>>
      %dma_wait3A_900 = arith.constant 0 : i32
      %dma_wait3A_901 = tpu.memref_slice %arg3[%dma_wait3A_900] : memref<131072xi32, #tpu.memory_space<hbm>> -> memref<131072xi32, #tpu.memory_space<hbm>>
      tpu.wait_indirect_dma semaphore(%arg13 : memref<!tpu.dma_semaphore, #tpu.memory_space<semaphore_mem>>) src(%dma_wait3A_896 : memref<128xi32, #tpu.memory_space<vmem>>) dst(%dma_wait3A_901 : memref<131072xi32, #tpu.memory_space<hbm>>)
      %dma_wait3A_902 = arith.constant 13 : i32
      %dma_wait3A_903 = arith.constant 1664 : i32
      %dma_wait3A_904 = tpu.memref_slice %arg9[%dma_wait3A_903] : memref<4096xi32, #tpu.memory_space<vmem>> -> memref<128xi32, #tpu.memory_space<vmem>>
      %dma_wait3A_905 = arith.constant 0 : i32
      %dma_wait3A_906 = tpu.memref_slice %arg11[%dma_wait3A_902, %dma_wait3A_905] : memref<32x128xi32, #tpu.memory_space<vmem>> -> memref<1x128xi32, #tpu.memory_space<vmem>>
      %dma_wait3A_907 = tpu.memref_squeeze %dma_wait3A_906 : memref<1x128xi32, #tpu.memory_space<vmem>> -> memref<128xi32, #tpu.memory_space<vmem>>
      %dma_wait3A_908 = arith.constant 0 : i32
      %dma_wait3A_909 = tpu.memref_slice %arg4[%dma_wait3A_908] : memref<131072xi32, #tpu.memory_space<hbm>> -> memref<131072xi32, #tpu.memory_space<hbm>>
      tpu.wait_indirect_dma semaphore(%arg13 : memref<!tpu.dma_semaphore, #tpu.memory_space<semaphore_mem>>) src(%dma_wait3A_904 : memref<128xi32, #tpu.memory_space<vmem>>) dst(%dma_wait3A_909 : memref<131072xi32, #tpu.memory_space<hbm>>)
      %dma_wait3A_910 = arith.constant 14 : i32
      %dma_wait3A_911 = arith.constant 1792 : i32
      %dma_wait3A_912 = tpu.memref_slice %arg10[%dma_wait3A_911] : memref<4096xi32, #tpu.memory_space<vmem>> -> memref<128xi32, #tpu.memory_space<vmem>>
      %dma_wait3A_913 = arith.constant 0 : i32
      %dma_wait3A_914 = tpu.memref_slice %arg11[%dma_wait3A_910, %dma_wait3A_913] : memref<32x128xi32, #tpu.memory_space<vmem>> -> memref<1x128xi32, #tpu.memory_space<vmem>>
      %dma_wait3A_915 = tpu.memref_squeeze %dma_wait3A_914 : memref<1x128xi32, #tpu.memory_space<vmem>> -> memref<128xi32, #tpu.memory_space<vmem>>
      %dma_wait3A_916 = arith.constant 0 : i32
      %dma_wait3A_917 = tpu.memref_slice %arg3[%dma_wait3A_916] : memref<131072xi32, #tpu.memory_space<hbm>> -> memref<131072xi32, #tpu.memory_space<hbm>>
      tpu.wait_indirect_dma semaphore(%arg13 : memref<!tpu.dma_semaphore, #tpu.memory_space<semaphore_mem>>) src(%dma_wait3A_912 : memref<128xi32, #tpu.memory_space<vmem>>) dst(%dma_wait3A_917 : memref<131072xi32, #tpu.memory_space<hbm>>)
      %dma_wait3A_918 = arith.constant 14 : i32
      %dma_wait3A_919 = arith.constant 1792 : i32
      %dma_wait3A_920 = tpu.memref_slice %arg9[%dma_wait3A_919] : memref<4096xi32, #tpu.memory_space<vmem>> -> memref<128xi32, #tpu.memory_space<vmem>>
      %dma_wait3A_921 = arith.constant 0 : i32
      %dma_wait3A_922 = tpu.memref_slice %arg11[%dma_wait3A_918, %dma_wait3A_921] : memref<32x128xi32, #tpu.memory_space<vmem>> -> memref<1x128xi32, #tpu.memory_space<vmem>>
      %dma_wait3A_923 = tpu.memref_squeeze %dma_wait3A_922 : memref<1x128xi32, #tpu.memory_space<vmem>> -> memref<128xi32, #tpu.memory_space<vmem>>
      %dma_wait3A_924 = arith.constant 0 : i32
      %dma_wait3A_925 = tpu.memref_slice %arg4[%dma_wait3A_924] : memref<131072xi32, #tpu.memory_space<hbm>> -> memref<131072xi32, #tpu.memory_space<hbm>>
      tpu.wait_indirect_dma semaphore(%arg13 : memref<!tpu.dma_semaphore, #tpu.memory_space<semaphore_mem>>) src(%dma_wait3A_920 : memref<128xi32, #tpu.memory_space<vmem>>) dst(%dma_wait3A_925 : memref<131072xi32, #tpu.memory_space<hbm>>)
      %dma_wait3A_926 = arith.constant 15 : i32
      %dma_wait3A_927 = arith.constant 1920 : i32
      %dma_wait3A_928 = tpu.memref_slice %arg10[%dma_wait3A_927] : memref<4096xi32, #tpu.memory_space<vmem>> -> memref<128xi32, #tpu.memory_space<vmem>>
      %dma_wait3A_929 = arith.constant 0 : i32
      %dma_wait3A_930 = tpu.memref_slice %arg11[%dma_wait3A_926, %dma_wait3A_929] : memref<32x128xi32, #tpu.memory_space<vmem>> -> memref<1x128xi32, #tpu.memory_space<vmem>>
      %dma_wait3A_931 = tpu.memref_squeeze %dma_wait3A_930 : memref<1x128xi32, #tpu.memory_space<vmem>> -> memref<128xi32, #tpu.memory_space<vmem>>
      %dma_wait3A_932 = arith.constant 0 : i32
      %dma_wait3A_933 = tpu.memref_slice %arg3[%dma_wait3A_932] : memref<131072xi32, #tpu.memory_space<hbm>> -> memref<131072xi32, #tpu.memory_space<hbm>>
      tpu.wait_indirect_dma semaphore(%arg13 : memref<!tpu.dma_semaphore, #tpu.memory_space<semaphore_mem>>) src(%dma_wait3A_928 : memref<128xi32, #tpu.memory_space<vmem>>) dst(%dma_wait3A_933 : memref<131072xi32, #tpu.memory_space<hbm>>)
      %dma_wait3A_934 = arith.constant 15 : i32
      %dma_wait3A_935 = arith.constant 1920 : i32
      %dma_wait3A_936 = tpu.memref_slice %arg9[%dma_wait3A_935] : memref<4096xi32, #tpu.memory_space<vmem>> -> memref<128xi32, #tpu.memory_space<vmem>>
      %dma_wait3A_937 = arith.constant 0 : i32
      %dma_wait3A_938 = tpu.memref_slice %arg11[%dma_wait3A_934, %dma_wait3A_937] : memref<32x128xi32, #tpu.memory_space<vmem>> -> memref<1x128xi32, #tpu.memory_space<vmem>>
      %dma_wait3A_939 = tpu.memref_squeeze %dma_wait3A_938 : memref<1x128xi32, #tpu.memory_space<vmem>> -> memref<128xi32, #tpu.memory_space<vmem>>
      %dma_wait3A_940 = arith.constant 0 : i32
      %dma_wait3A_941 = tpu.memref_slice %arg4[%dma_wait3A_940] : memref<131072xi32, #tpu.memory_space<hbm>> -> memref<131072xi32, #tpu.memory_space<hbm>>
      tpu.wait_indirect_dma semaphore(%arg13 : memref<!tpu.dma_semaphore, #tpu.memory_space<semaphore_mem>>) src(%dma_wait3A_936 : memref<128xi32, #tpu.memory_space<vmem>>) dst(%dma_wait3A_941 : memref<131072xi32, #tpu.memory_space<hbm>>)
      %dma_wait3A_942 = arith.constant 16 : i32
      %dma_wait3A_943 = arith.constant 2048 : i32
      %dma_wait3A_944 = tpu.memref_slice %arg10[%dma_wait3A_943] : memref<4096xi32, #tpu.memory_space<vmem>> -> memref<128xi32, #tpu.memory_space<vmem>>
      %dma_wait3A_945 = arith.constant 0 : i32
      %dma_wait3A_946 = tpu.memref_slice %arg11[%dma_wait3A_942, %dma_wait3A_945] : memref<32x128xi32, #tpu.memory_space<vmem>> -> memref<1x128xi32, #tpu.memory_space<vmem>>
      %dma_wait3A_947 = tpu.memref_squeeze %dma_wait3A_946 : memref<1x128xi32, #tpu.memory_space<vmem>> -> memref<128xi32, #tpu.memory_space<vmem>>
      %dma_wait3A_948 = arith.constant 0 : i32
      %dma_wait3A_949 = tpu.memref_slice %arg3[%dma_wait3A_948] : memref<131072xi32, #tpu.memory_space<hbm>> -> memref<131072xi32, #tpu.memory_space<hbm>>
      tpu.wait_indirect_dma semaphore(%arg13 : memref<!tpu.dma_semaphore, #tpu.memory_space<semaphore_mem>>) src(%dma_wait3A_944 : memref<128xi32, #tpu.memory_space<vmem>>) dst(%dma_wait3A_949 : memref<131072xi32, #tpu.memory_space<hbm>>)
      %dma_wait3A_950 = arith.constant 16 : i32
      %dma_wait3A_951 = arith.constant 2048 : i32
      %dma_wait3A_952 = tpu.memref_slice %arg9[%dma_wait3A_951] : memref<4096xi32, #tpu.memory_space<vmem>> -> memref<128xi32, #tpu.memory_space<vmem>>
      %dma_wait3A_953 = arith.constant 0 : i32
      %dma_wait3A_954 = tpu.memref_slice %arg11[%dma_wait3A_950, %dma_wait3A_953] : memref<32x128xi32, #tpu.memory_space<vmem>> -> memref<1x128xi32, #tpu.memory_space<vmem>>
      %dma_wait3A_955 = tpu.memref_squeeze %dma_wait3A_954 : memref<1x128xi32, #tpu.memory_space<vmem>> -> memref<128xi32, #tpu.memory_space<vmem>>
      %dma_wait3A_956 = arith.constant 0 : i32
      %dma_wait3A_957 = tpu.memref_slice %arg4[%dma_wait3A_956] : memref<131072xi32, #tpu.memory_space<hbm>> -> memref<131072xi32, #tpu.memory_space<hbm>>
      tpu.wait_indirect_dma semaphore(%arg13 : memref<!tpu.dma_semaphore, #tpu.memory_space<semaphore_mem>>) src(%dma_wait3A_952 : memref<128xi32, #tpu.memory_space<vmem>>) dst(%dma_wait3A_957 : memref<131072xi32, #tpu.memory_space<hbm>>)
      %dma_wait3A_958 = arith.constant 17 : i32
      %dma_wait3A_959 = arith.constant 2176 : i32
      %dma_wait3A_960 = tpu.memref_slice %arg10[%dma_wait3A_959] : memref<4096xi32, #tpu.memory_space<vmem>> -> memref<128xi32, #tpu.memory_space<vmem>>
      %dma_wait3A_961 = arith.constant 0 : i32
      %dma_wait3A_962 = tpu.memref_slice %arg11[%dma_wait3A_958, %dma_wait3A_961] : memref<32x128xi32, #tpu.memory_space<vmem>> -> memref<1x128xi32, #tpu.memory_space<vmem>>
      %dma_wait3A_963 = tpu.memref_squeeze %dma_wait3A_962 : memref<1x128xi32, #tpu.memory_space<vmem>> -> memref<128xi32, #tpu.memory_space<vmem>>
      %dma_wait3A_964 = arith.constant 0 : i32
      %dma_wait3A_965 = tpu.memref_slice %arg3[%dma_wait3A_964] : memref<131072xi32, #tpu.memory_space<hbm>> -> memref<131072xi32, #tpu.memory_space<hbm>>
      tpu.wait_indirect_dma semaphore(%arg13 : memref<!tpu.dma_semaphore, #tpu.memory_space<semaphore_mem>>) src(%dma_wait3A_960 : memref<128xi32, #tpu.memory_space<vmem>>) dst(%dma_wait3A_965 : memref<131072xi32, #tpu.memory_space<hbm>>)
      %dma_wait3A_966 = arith.constant 17 : i32
      %dma_wait3A_967 = arith.constant 2176 : i32
      %dma_wait3A_968 = tpu.memref_slice %arg9[%dma_wait3A_967] : memref<4096xi32, #tpu.memory_space<vmem>> -> memref<128xi32, #tpu.memory_space<vmem>>
      %dma_wait3A_969 = arith.constant 0 : i32
      %dma_wait3A_970 = tpu.memref_slice %arg11[%dma_wait3A_966, %dma_wait3A_969] : memref<32x128xi32, #tpu.memory_space<vmem>> -> memref<1x128xi32, #tpu.memory_space<vmem>>
      %dma_wait3A_971 = tpu.memref_squeeze %dma_wait3A_970 : memref<1x128xi32, #tpu.memory_space<vmem>> -> memref<128xi32, #tpu.memory_space<vmem>>
      %dma_wait3A_972 = arith.constant 0 : i32
      %dma_wait3A_973 = tpu.memref_slice %arg4[%dma_wait3A_972] : memref<131072xi32, #tpu.memory_space<hbm>> -> memref<131072xi32, #tpu.memory_space<hbm>>
      tpu.wait_indirect_dma semaphore(%arg13 : memref<!tpu.dma_semaphore, #tpu.memory_space<semaphore_mem>>) src(%dma_wait3A_968 : memref<128xi32, #tpu.memory_space<vmem>>) dst(%dma_wait3A_973 : memref<131072xi32, #tpu.memory_space<hbm>>)
      %dma_wait3A_974 = arith.constant 18 : i32
      %dma_wait3A_975 = arith.constant 2304 : i32
      %dma_wait3A_976 = tpu.memref_slice %arg10[%dma_wait3A_975] : memref<4096xi32, #tpu.memory_space<vmem>> -> memref<128xi32, #tpu.memory_space<vmem>>
      %dma_wait3A_977 = arith.constant 0 : i32
      %dma_wait3A_978 = tpu.memref_slice %arg11[%dma_wait3A_974, %dma_wait3A_977] : memref<32x128xi32, #tpu.memory_space<vmem>> -> memref<1x128xi32, #tpu.memory_space<vmem>>
      %dma_wait3A_979 = tpu.memref_squeeze %dma_wait3A_978 : memref<1x128xi32, #tpu.memory_space<vmem>> -> memref<128xi32, #tpu.memory_space<vmem>>
      %dma_wait3A_980 = arith.constant 0 : i32
      %dma_wait3A_981 = tpu.memref_slice %arg3[%dma_wait3A_980] : memref<131072xi32, #tpu.memory_space<hbm>> -> memref<131072xi32, #tpu.memory_space<hbm>>
      tpu.wait_indirect_dma semaphore(%arg13 : memref<!tpu.dma_semaphore, #tpu.memory_space<semaphore_mem>>) src(%dma_wait3A_976 : memref<128xi32, #tpu.memory_space<vmem>>) dst(%dma_wait3A_981 : memref<131072xi32, #tpu.memory_space<hbm>>)
      %dma_wait3A_982 = arith.constant 18 : i32
      %dma_wait3A_983 = arith.constant 2304 : i32
      %dma_wait3A_984 = tpu.memref_slice %arg9[%dma_wait3A_983] : memref<4096xi32, #tpu.memory_space<vmem>> -> memref<128xi32, #tpu.memory_space<vmem>>
      %dma_wait3A_985 = arith.constant 0 : i32
      %dma_wait3A_986 = tpu.memref_slice %arg11[%dma_wait3A_982, %dma_wait3A_985] : memref<32x128xi32, #tpu.memory_space<vmem>> -> memref<1x128xi32, #tpu.memory_space<vmem>>
      %dma_wait3A_987 = tpu.memref_squeeze %dma_wait3A_986 : memref<1x128xi32, #tpu.memory_space<vmem>> -> memref<128xi32, #tpu.memory_space<vmem>>
      %dma_wait3A_988 = arith.constant 0 : i32
      %dma_wait3A_989 = tpu.memref_slice %arg4[%dma_wait3A_988] : memref<131072xi32, #tpu.memory_space<hbm>> -> memref<131072xi32, #tpu.memory_space<hbm>>
      tpu.wait_indirect_dma semaphore(%arg13 : memref<!tpu.dma_semaphore, #tpu.memory_space<semaphore_mem>>) src(%dma_wait3A_984 : memref<128xi32, #tpu.memory_space<vmem>>) dst(%dma_wait3A_989 : memref<131072xi32, #tpu.memory_space<hbm>>)
      %dma_wait3A_990 = arith.constant 19 : i32
      %dma_wait3A_991 = arith.constant 2432 : i32
      %dma_wait3A_992 = tpu.memref_slice %arg10[%dma_wait3A_991] : memref<4096xi32, #tpu.memory_space<vmem>> -> memref<128xi32, #tpu.memory_space<vmem>>
      %dma_wait3A_993 = arith.constant 0 : i32
      %dma_wait3A_994 = tpu.memref_slice %arg11[%dma_wait3A_990, %dma_wait3A_993] : memref<32x128xi32, #tpu.memory_space<vmem>> -> memref<1x128xi32, #tpu.memory_space<vmem>>
      %dma_wait3A_995 = tpu.memref_squeeze %dma_wait3A_994 : memref<1x128xi32, #tpu.memory_space<vmem>> -> memref<128xi32, #tpu.memory_space<vmem>>
      %dma_wait3A_996 = arith.constant 0 : i32
      %dma_wait3A_997 = tpu.memref_slice %arg3[%dma_wait3A_996] : memref<131072xi32, #tpu.memory_space<hbm>> -> memref<131072xi32, #tpu.memory_space<hbm>>
      tpu.wait_indirect_dma semaphore(%arg13 : memref<!tpu.dma_semaphore, #tpu.memory_space<semaphore_mem>>) src(%dma_wait3A_992 : memref<128xi32, #tpu.memory_space<vmem>>) dst(%dma_wait3A_997 : memref<131072xi32, #tpu.memory_space<hbm>>)
      %dma_wait3A_998 = arith.constant 19 : i32
      %dma_wait3A_999 = arith.constant 2432 : i32
      %dma_wait3A_1000 = tpu.memref_slice %arg9[%dma_wait3A_999] : memref<4096xi32, #tpu.memory_space<vmem>> -> memref<128xi32, #tpu.memory_space<vmem>>
      %dma_wait3A_1001 = arith.constant 0 : i32
      %dma_wait3A_1002 = tpu.memref_slice %arg11[%dma_wait3A_998, %dma_wait3A_1001] : memref<32x128xi32, #tpu.memory_space<vmem>> -> memref<1x128xi32, #tpu.memory_space<vmem>>
      %dma_wait3A_1003 = tpu.memref_squeeze %dma_wait3A_1002 : memref<1x128xi32, #tpu.memory_space<vmem>> -> memref<128xi32, #tpu.memory_space<vmem>>
      %dma_wait3A_1004 = arith.constant 0 : i32
      %dma_wait3A_1005 = tpu.memref_slice %arg4[%dma_wait3A_1004] : memref<131072xi32, #tpu.memory_space<hbm>> -> memref<131072xi32, #tpu.memory_space<hbm>>
      tpu.wait_indirect_dma semaphore(%arg13 : memref<!tpu.dma_semaphore, #tpu.memory_space<semaphore_mem>>) src(%dma_wait3A_1000 : memref<128xi32, #tpu.memory_space<vmem>>) dst(%dma_wait3A_1005 : memref<131072xi32, #tpu.memory_space<hbm>>)
      %dma_wait3A_1006 = arith.constant 20 : i32
      %dma_wait3A_1007 = arith.constant 2560 : i32
      %dma_wait3A_1008 = tpu.memref_slice %arg10[%dma_wait3A_1007] : memref<4096xi32, #tpu.memory_space<vmem>> -> memref<128xi32, #tpu.memory_space<vmem>>
      %dma_wait3A_1009 = arith.constant 0 : i32
      %dma_wait3A_1010 = tpu.memref_slice %arg11[%dma_wait3A_1006, %dma_wait3A_1009] : memref<32x128xi32, #tpu.memory_space<vmem>> -> memref<1x128xi32, #tpu.memory_space<vmem>>
      %dma_wait3A_1011 = tpu.memref_squeeze %dma_wait3A_1010 : memref<1x128xi32, #tpu.memory_space<vmem>> -> memref<128xi32, #tpu.memory_space<vmem>>
      %dma_wait3A_1012 = arith.constant 0 : i32
      %dma_wait3A_1013 = tpu.memref_slice %arg3[%dma_wait3A_1012] : memref<131072xi32, #tpu.memory_space<hbm>> -> memref<131072xi32, #tpu.memory_space<hbm>>
      tpu.wait_indirect_dma semaphore(%arg13 : memref<!tpu.dma_semaphore, #tpu.memory_space<semaphore_mem>>) src(%dma_wait3A_1008 : memref<128xi32, #tpu.memory_space<vmem>>) dst(%dma_wait3A_1013 : memref<131072xi32, #tpu.memory_space<hbm>>)
      %dma_wait3A_1014 = arith.constant 20 : i32
      %dma_wait3A_1015 = arith.constant 2560 : i32
      %dma_wait3A_1016 = tpu.memref_slice %arg9[%dma_wait3A_1015] : memref<4096xi32, #tpu.memory_space<vmem>> -> memref<128xi32, #tpu.memory_space<vmem>>
      %dma_wait3A_1017 = arith.constant 0 : i32
      %dma_wait3A_1018 = tpu.memref_slice %arg11[%dma_wait3A_1014, %dma_wait3A_1017] : memref<32x128xi32, #tpu.memory_space<vmem>> -> memref<1x128xi32, #tpu.memory_space<vmem>>
      %dma_wait3A_1019 = tpu.memref_squeeze %dma_wait3A_1018 : memref<1x128xi32, #tpu.memory_space<vmem>> -> memref<128xi32, #tpu.memory_space<vmem>>
      %dma_wait3A_1020 = arith.constant 0 : i32
      %dma_wait3A_1021 = tpu.memref_slice %arg4[%dma_wait3A_1020] : memref<131072xi32, #tpu.memory_space<hbm>> -> memref<131072xi32, #tpu.memory_space<hbm>>
      tpu.wait_indirect_dma semaphore(%arg13 : memref<!tpu.dma_semaphore, #tpu.memory_space<semaphore_mem>>) src(%dma_wait3A_1016 : memref<128xi32, #tpu.memory_space<vmem>>) dst(%dma_wait3A_1021 : memref<131072xi32, #tpu.memory_space<hbm>>)
      %dma_wait3A_1022 = arith.constant 21 : i32
      %dma_wait3A_1023 = arith.constant 2688 : i32
      %dma_wait3A_1024 = tpu.memref_slice %arg10[%dma_wait3A_1023] : memref<4096xi32, #tpu.memory_space<vmem>> -> memref<128xi32, #tpu.memory_space<vmem>>
      %dma_wait3A_1025 = arith.constant 0 : i32
      %dma_wait3A_1026 = tpu.memref_slice %arg11[%dma_wait3A_1022, %dma_wait3A_1025] : memref<32x128xi32, #tpu.memory_space<vmem>> -> memref<1x128xi32, #tpu.memory_space<vmem>>
      %dma_wait3A_1027 = tpu.memref_squeeze %dma_wait3A_1026 : memref<1x128xi32, #tpu.memory_space<vmem>> -> memref<128xi32, #tpu.memory_space<vmem>>
      %dma_wait3A_1028 = arith.constant 0 : i32
      %dma_wait3A_1029 = tpu.memref_slice %arg3[%dma_wait3A_1028] : memref<131072xi32, #tpu.memory_space<hbm>> -> memref<131072xi32, #tpu.memory_space<hbm>>
      tpu.wait_indirect_dma semaphore(%arg13 : memref<!tpu.dma_semaphore, #tpu.memory_space<semaphore_mem>>) src(%dma_wait3A_1024 : memref<128xi32, #tpu.memory_space<vmem>>) dst(%dma_wait3A_1029 : memref<131072xi32, #tpu.memory_space<hbm>>)
      %dma_wait3A_1030 = arith.constant 21 : i32
      %dma_wait3A_1031 = arith.constant 2688 : i32
      %dma_wait3A_1032 = tpu.memref_slice %arg9[%dma_wait3A_1031] : memref<4096xi32, #tpu.memory_space<vmem>> -> memref<128xi32, #tpu.memory_space<vmem>>
      %dma_wait3A_1033 = arith.constant 0 : i32
      %dma_wait3A_1034 = tpu.memref_slice %arg11[%dma_wait3A_1030, %dma_wait3A_1033] : memref<32x128xi32, #tpu.memory_space<vmem>> -> memref<1x128xi32, #tpu.memory_space<vmem>>
      %dma_wait3A_1035 = tpu.memref_squeeze %dma_wait3A_1034 : memref<1x128xi32, #tpu.memory_space<vmem>> -> memref<128xi32, #tpu.memory_space<vmem>>
      %dma_wait3A_1036 = arith.constant 0 : i32
      %dma_wait3A_1037 = tpu.memref_slice %arg4[%dma_wait3A_1036] : memref<131072xi32, #tpu.memory_space<hbm>> -> memref<131072xi32, #tpu.memory_space<hbm>>
      tpu.wait_indirect_dma semaphore(%arg13 : memref<!tpu.dma_semaphore, #tpu.memory_space<semaphore_mem>>) src(%dma_wait3A_1032 : memref<128xi32, #tpu.memory_space<vmem>>) dst(%dma_wait3A_1037 : memref<131072xi32, #tpu.memory_space<hbm>>)
      %dma_wait3A_1038 = arith.constant 22 : i32
      %dma_wait3A_1039 = arith.constant 2816 : i32
      %dma_wait3A_1040 = tpu.memref_slice %arg10[%dma_wait3A_1039] : memref<4096xi32, #tpu.memory_space<vmem>> -> memref<128xi32, #tpu.memory_space<vmem>>
      %dma_wait3A_1041 = arith.constant 0 : i32
      %dma_wait3A_1042 = tpu.memref_slice %arg11[%dma_wait3A_1038, %dma_wait3A_1041] : memref<32x128xi32, #tpu.memory_space<vmem>> -> memref<1x128xi32, #tpu.memory_space<vmem>>
      %dma_wait3A_1043 = tpu.memref_squeeze %dma_wait3A_1042 : memref<1x128xi32, #tpu.memory_space<vmem>> -> memref<128xi32, #tpu.memory_space<vmem>>
      %dma_wait3A_1044 = arith.constant 0 : i32
      %dma_wait3A_1045 = tpu.memref_slice %arg3[%dma_wait3A_1044] : memref<131072xi32, #tpu.memory_space<hbm>> -> memref<131072xi32, #tpu.memory_space<hbm>>
      tpu.wait_indirect_dma semaphore(%arg13 : memref<!tpu.dma_semaphore, #tpu.memory_space<semaphore_mem>>) src(%dma_wait3A_1040 : memref<128xi32, #tpu.memory_space<vmem>>) dst(%dma_wait3A_1045 : memref<131072xi32, #tpu.memory_space<hbm>>)
      %dma_wait3A_1046 = arith.constant 22 : i32
      %dma_wait3A_1047 = arith.constant 2816 : i32
      %dma_wait3A_1048 = tpu.memref_slice %arg9[%dma_wait3A_1047] : memref<4096xi32, #tpu.memory_space<vmem>> -> memref<128xi32, #tpu.memory_space<vmem>>
      %dma_wait3A_1049 = arith.constant 0 : i32
      %dma_wait3A_1050 = tpu.memref_slice %arg11[%dma_wait3A_1046, %dma_wait3A_1049] : memref<32x128xi32, #tpu.memory_space<vmem>> -> memref<1x128xi32, #tpu.memory_space<vmem>>
      %dma_wait3A_1051 = tpu.memref_squeeze %dma_wait3A_1050 : memref<1x128xi32, #tpu.memory_space<vmem>> -> memref<128xi32, #tpu.memory_space<vmem>>
      %dma_wait3A_1052 = arith.constant 0 : i32
      %dma_wait3A_1053 = tpu.memref_slice %arg4[%dma_wait3A_1052] : memref<131072xi32, #tpu.memory_space<hbm>> -> memref<131072xi32, #tpu.memory_space<hbm>>
      tpu.wait_indirect_dma semaphore(%arg13 : memref<!tpu.dma_semaphore, #tpu.memory_space<semaphore_mem>>) src(%dma_wait3A_1048 : memref<128xi32, #tpu.memory_space<vmem>>) dst(%dma_wait3A_1053 : memref<131072xi32, #tpu.memory_space<hbm>>)
      %dma_wait3A_1054 = arith.constant 23 : i32
      %dma_wait3A_1055 = arith.constant 2944 : i32
      %dma_wait3A_1056 = tpu.memref_slice %arg10[%dma_wait3A_1055] : memref<4096xi32, #tpu.memory_space<vmem>> -> memref<128xi32, #tpu.memory_space<vmem>>
      %dma_wait3A_1057 = arith.constant 0 : i32
      %dma_wait3A_1058 = tpu.memref_slice %arg11[%dma_wait3A_1054, %dma_wait3A_1057] : memref<32x128xi32, #tpu.memory_space<vmem>> -> memref<1x128xi32, #tpu.memory_space<vmem>>
      %dma_wait3A_1059 = tpu.memref_squeeze %dma_wait3A_1058 : memref<1x128xi32, #tpu.memory_space<vmem>> -> memref<128xi32, #tpu.memory_space<vmem>>
      %dma_wait3A_1060 = arith.constant 0 : i32
      %dma_wait3A_1061 = tpu.memref_slice %arg3[%dma_wait3A_1060] : memref<131072xi32, #tpu.memory_space<hbm>> -> memref<131072xi32, #tpu.memory_space<hbm>>
      tpu.wait_indirect_dma semaphore(%arg13 : memref<!tpu.dma_semaphore, #tpu.memory_space<semaphore_mem>>) src(%dma_wait3A_1056 : memref<128xi32, #tpu.memory_space<vmem>>) dst(%dma_wait3A_1061 : memref<131072xi32, #tpu.memory_space<hbm>>)
      %dma_wait3A_1062 = arith.constant 23 : i32
      %dma_wait3A_1063 = arith.constant 2944 : i32
      %dma_wait3A_1064 = tpu.memref_slice %arg9[%dma_wait3A_1063] : memref<4096xi32, #tpu.memory_space<vmem>> -> memref<128xi32, #tpu.memory_space<vmem>>
      %dma_wait3A_1065 = arith.constant 0 : i32
      %dma_wait3A_1066 = tpu.memref_slice %arg11[%dma_wait3A_1062, %dma_wait3A_1065] : memref<32x128xi32, #tpu.memory_space<vmem>> -> memref<1x128xi32, #tpu.memory_space<vmem>>
      %dma_wait3A_1067 = tpu.memref_squeeze %dma_wait3A_1066 : memref<1x128xi32, #tpu.memory_space<vmem>> -> memref<128xi32, #tpu.memory_space<vmem>>
      %dma_wait3A_1068 = arith.constant 0 : i32
      %dma_wait3A_1069 = tpu.memref_slice %arg4[%dma_wait3A_1068] : memref<131072xi32, #tpu.memory_space<hbm>> -> memref<131072xi32, #tpu.memory_space<hbm>>
      tpu.wait_indirect_dma semaphore(%arg13 : memref<!tpu.dma_semaphore, #tpu.memory_space<semaphore_mem>>) src(%dma_wait3A_1064 : memref<128xi32, #tpu.memory_space<vmem>>) dst(%dma_wait3A_1069 : memref<131072xi32, #tpu.memory_space<hbm>>)
      %dma_wait3A_1070 = arith.constant 24 : i32
      %dma_wait3A_1071 = arith.constant 3072 : i32
      %dma_wait3A_1072 = tpu.memref_slice %arg10[%dma_wait3A_1071] : memref<4096xi32, #tpu.memory_space<vmem>> -> memref<128xi32, #tpu.memory_space<vmem>>
      %dma_wait3A_1073 = arith.constant 0 : i32
      %dma_wait3A_1074 = tpu.memref_slice %arg11[%dma_wait3A_1070, %dma_wait3A_1073] : memref<32x128xi32, #tpu.memory_space<vmem>> -> memref<1x128xi32, #tpu.memory_space<vmem>>
      %dma_wait3A_1075 = tpu.memref_squeeze %dma_wait3A_1074 : memref<1x128xi32, #tpu.memory_space<vmem>> -> memref<128xi32, #tpu.memory_space<vmem>>
      %dma_wait3A_1076 = arith.constant 0 : i32
      %dma_wait3A_1077 = tpu.memref_slice %arg3[%dma_wait3A_1076] : memref<131072xi32, #tpu.memory_space<hbm>> -> memref<131072xi32, #tpu.memory_space<hbm>>
      tpu.wait_indirect_dma semaphore(%arg13 : memref<!tpu.dma_semaphore, #tpu.memory_space<semaphore_mem>>) src(%dma_wait3A_1072 : memref<128xi32, #tpu.memory_space<vmem>>) dst(%dma_wait3A_1077 : memref<131072xi32, #tpu.memory_space<hbm>>)
      %dma_wait3A_1078 = arith.constant 24 : i32
      %dma_wait3A_1079 = arith.constant 3072 : i32
      %dma_wait3A_1080 = tpu.memref_slice %arg9[%dma_wait3A_1079] : memref<4096xi32, #tpu.memory_space<vmem>> -> memref<128xi32, #tpu.memory_space<vmem>>
      %dma_wait3A_1081 = arith.constant 0 : i32
      %dma_wait3A_1082 = tpu.memref_slice %arg11[%dma_wait3A_1078, %dma_wait3A_1081] : memref<32x128xi32, #tpu.memory_space<vmem>> -> memref<1x128xi32, #tpu.memory_space<vmem>>
      %dma_wait3A_1083 = tpu.memref_squeeze %dma_wait3A_1082 : memref<1x128xi32, #tpu.memory_space<vmem>> -> memref<128xi32, #tpu.memory_space<vmem>>
      %dma_wait3A_1084 = arith.constant 0 : i32
      %dma_wait3A_1085 = tpu.memref_slice %arg4[%dma_wait3A_1084] : memref<131072xi32, #tpu.memory_space<hbm>> -> memref<131072xi32, #tpu.memory_space<hbm>>
      tpu.wait_indirect_dma semaphore(%arg13 : memref<!tpu.dma_semaphore, #tpu.memory_space<semaphore_mem>>) src(%dma_wait3A_1080 : memref<128xi32, #tpu.memory_space<vmem>>) dst(%dma_wait3A_1085 : memref<131072xi32, #tpu.memory_space<hbm>>)
      %dma_wait3A_1086 = arith.constant 25 : i32
      %dma_wait3A_1087 = arith.constant 3200 : i32
      %dma_wait3A_1088 = tpu.memref_slice %arg10[%dma_wait3A_1087] : memref<4096xi32, #tpu.memory_space<vmem>> -> memref<128xi32, #tpu.memory_space<vmem>>
      %dma_wait3A_1089 = arith.constant 0 : i32
      %dma_wait3A_1090 = tpu.memref_slice %arg11[%dma_wait3A_1086, %dma_wait3A_1089] : memref<32x128xi32, #tpu.memory_space<vmem>> -> memref<1x128xi32, #tpu.memory_space<vmem>>
      %dma_wait3A_1091 = tpu.memref_squeeze %dma_wait3A_1090 : memref<1x128xi32, #tpu.memory_space<vmem>> -> memref<128xi32, #tpu.memory_space<vmem>>
      %dma_wait3A_1092 = arith.constant 0 : i32
      %dma_wait3A_1093 = tpu.memref_slice %arg3[%dma_wait3A_1092] : memref<131072xi32, #tpu.memory_space<hbm>> -> memref<131072xi32, #tpu.memory_space<hbm>>
      tpu.wait_indirect_dma semaphore(%arg13 : memref<!tpu.dma_semaphore, #tpu.memory_space<semaphore_mem>>) src(%dma_wait3A_1088 : memref<128xi32, #tpu.memory_space<vmem>>) dst(%dma_wait3A_1093 : memref<131072xi32, #tpu.memory_space<hbm>>)
      %dma_wait3A_1094 = arith.constant 25 : i32
      %dma_wait3A_1095 = arith.constant 3200 : i32
      %dma_wait3A_1096 = tpu.memref_slice %arg9[%dma_wait3A_1095] : memref<4096xi32, #tpu.memory_space<vmem>> -> memref<128xi32, #tpu.memory_space<vmem>>
      %dma_wait3A_1097 = arith.constant 0 : i32
      %dma_wait3A_1098 = tpu.memref_slice %arg11[%dma_wait3A_1094, %dma_wait3A_1097] : memref<32x128xi32, #tpu.memory_space<vmem>> -> memref<1x128xi32, #tpu.memory_space<vmem>>
      %dma_wait3A_1099 = tpu.memref_squeeze %dma_wait3A_1098 : memref<1x128xi32, #tpu.memory_space<vmem>> -> memref<128xi32, #tpu.memory_space<vmem>>
      %dma_wait3A_1100 = arith.constant 0 : i32
      %dma_wait3A_1101 = tpu.memref_slice %arg4[%dma_wait3A_1100] : memref<131072xi32, #tpu.memory_space<hbm>> -> memref<131072xi32, #tpu.memory_space<hbm>>
      tpu.wait_indirect_dma semaphore(%arg13 : memref<!tpu.dma_semaphore, #tpu.memory_space<semaphore_mem>>) src(%dma_wait3A_1096 : memref<128xi32, #tpu.memory_space<vmem>>) dst(%dma_wait3A_1101 : memref<131072xi32, #tpu.memory_space<hbm>>)
      %dma_wait3A_1102 = arith.constant 26 : i32
      %dma_wait3A_1103 = arith.constant 3328 : i32
      %dma_wait3A_1104 = tpu.memref_slice %arg10[%dma_wait3A_1103] : memref<4096xi32, #tpu.memory_space<vmem>> -> memref<128xi32, #tpu.memory_space<vmem>>
      %dma_wait3A_1105 = arith.constant 0 : i32
      %dma_wait3A_1106 = tpu.memref_slice %arg11[%dma_wait3A_1102, %dma_wait3A_1105] : memref<32x128xi32, #tpu.memory_space<vmem>> -> memref<1x128xi32, #tpu.memory_space<vmem>>
      %dma_wait3A_1107 = tpu.memref_squeeze %dma_wait3A_1106 : memref<1x128xi32, #tpu.memory_space<vmem>> -> memref<128xi32, #tpu.memory_space<vmem>>
      %dma_wait3A_1108 = arith.constant 0 : i32
      %dma_wait3A_1109 = tpu.memref_slice %arg3[%dma_wait3A_1108] : memref<131072xi32, #tpu.memory_space<hbm>> -> memref<131072xi32, #tpu.memory_space<hbm>>
      tpu.wait_indirect_dma semaphore(%arg13 : memref<!tpu.dma_semaphore, #tpu.memory_space<semaphore_mem>>) src(%dma_wait3A_1104 : memref<128xi32, #tpu.memory_space<vmem>>) dst(%dma_wait3A_1109 : memref<131072xi32, #tpu.memory_space<hbm>>)
      %dma_wait3A_1110 = arith.constant 26 : i32
      %dma_wait3A_1111 = arith.constant 3328 : i32
      %dma_wait3A_1112 = tpu.memref_slice %arg9[%dma_wait3A_1111] : memref<4096xi32, #tpu.memory_space<vmem>> -> memref<128xi32, #tpu.memory_space<vmem>>
      %dma_wait3A_1113 = arith.constant 0 : i32
      %dma_wait3A_1114 = tpu.memref_slice %arg11[%dma_wait3A_1110, %dma_wait3A_1113] : memref<32x128xi32, #tpu.memory_space<vmem>> -> memref<1x128xi32, #tpu.memory_space<vmem>>
      %dma_wait3A_1115 = tpu.memref_squeeze %dma_wait3A_1114 : memref<1x128xi32, #tpu.memory_space<vmem>> -> memref<128xi32, #tpu.memory_space<vmem>>
      %dma_wait3A_1116 = arith.constant 0 : i32
      %dma_wait3A_1117 = tpu.memref_slice %arg4[%dma_wait3A_1116] : memref<131072xi32, #tpu.memory_space<hbm>> -> memref<131072xi32, #tpu.memory_space<hbm>>
      tpu.wait_indirect_dma semaphore(%arg13 : memref<!tpu.dma_semaphore, #tpu.memory_space<semaphore_mem>>) src(%dma_wait3A_1112 : memref<128xi32, #tpu.memory_space<vmem>>) dst(%dma_wait3A_1117 : memref<131072xi32, #tpu.memory_space<hbm>>)
      %dma_wait3A_1118 = arith.constant 27 : i32
      %dma_wait3A_1119 = arith.constant 3456 : i32
      %dma_wait3A_1120 = tpu.memref_slice %arg10[%dma_wait3A_1119] : memref<4096xi32, #tpu.memory_space<vmem>> -> memref<128xi32, #tpu.memory_space<vmem>>
      %dma_wait3A_1121 = arith.constant 0 : i32
      %dma_wait3A_1122 = tpu.memref_slice %arg11[%dma_wait3A_1118, %dma_wait3A_1121] : memref<32x128xi32, #tpu.memory_space<vmem>> -> memref<1x128xi32, #tpu.memory_space<vmem>>
      %dma_wait3A_1123 = tpu.memref_squeeze %dma_wait3A_1122 : memref<1x128xi32, #tpu.memory_space<vmem>> -> memref<128xi32, #tpu.memory_space<vmem>>
      %dma_wait3A_1124 = arith.constant 0 : i32
      %dma_wait3A_1125 = tpu.memref_slice %arg3[%dma_wait3A_1124] : memref<131072xi32, #tpu.memory_space<hbm>> -> memref<131072xi32, #tpu.memory_space<hbm>>
      tpu.wait_indirect_dma semaphore(%arg13 : memref<!tpu.dma_semaphore, #tpu.memory_space<semaphore_mem>>) src(%dma_wait3A_1120 : memref<128xi32, #tpu.memory_space<vmem>>) dst(%dma_wait3A_1125 : memref<131072xi32, #tpu.memory_space<hbm>>)
      %dma_wait3A_1126 = arith.constant 27 : i32
      %dma_wait3A_1127 = arith.constant 3456 : i32
      %dma_wait3A_1128 = tpu.memref_slice %arg9[%dma_wait3A_1127] : memref<4096xi32, #tpu.memory_space<vmem>> -> memref<128xi32, #tpu.memory_space<vmem>>
      %dma_wait3A_1129 = arith.constant 0 : i32
      %dma_wait3A_1130 = tpu.memref_slice %arg11[%dma_wait3A_1126, %dma_wait3A_1129] : memref<32x128xi32, #tpu.memory_space<vmem>> -> memref<1x128xi32, #tpu.memory_space<vmem>>
      %dma_wait3A_1131 = tpu.memref_squeeze %dma_wait3A_1130 : memref<1x128xi32, #tpu.memory_space<vmem>> -> memref<128xi32, #tpu.memory_space<vmem>>
      %dma_wait3A_1132 = arith.constant 0 : i32
      %dma_wait3A_1133 = tpu.memref_slice %arg4[%dma_wait3A_1132] : memref<131072xi32, #tpu.memory_space<hbm>> -> memref<131072xi32, #tpu.memory_space<hbm>>
      tpu.wait_indirect_dma semaphore(%arg13 : memref<!tpu.dma_semaphore, #tpu.memory_space<semaphore_mem>>) src(%dma_wait3A_1128 : memref<128xi32, #tpu.memory_space<vmem>>) dst(%dma_wait3A_1133 : memref<131072xi32, #tpu.memory_space<hbm>>)
      %dma_wait3A_1134 = arith.constant 28 : i32
      %dma_wait3A_1135 = arith.constant 3584 : i32
      %dma_wait3A_1136 = tpu.memref_slice %arg10[%dma_wait3A_1135] : memref<4096xi32, #tpu.memory_space<vmem>> -> memref<128xi32, #tpu.memory_space<vmem>>
      %dma_wait3A_1137 = arith.constant 0 : i32
      %dma_wait3A_1138 = tpu.memref_slice %arg11[%dma_wait3A_1134, %dma_wait3A_1137] : memref<32x128xi32, #tpu.memory_space<vmem>> -> memref<1x128xi32, #tpu.memory_space<vmem>>
      %dma_wait3A_1139 = tpu.memref_squeeze %dma_wait3A_1138 : memref<1x128xi32, #tpu.memory_space<vmem>> -> memref<128xi32, #tpu.memory_space<vmem>>
      %dma_wait3A_1140 = arith.constant 0 : i32
      %dma_wait3A_1141 = tpu.memref_slice %arg3[%dma_wait3A_1140] : memref<131072xi32, #tpu.memory_space<hbm>> -> memref<131072xi32, #tpu.memory_space<hbm>>
      tpu.wait_indirect_dma semaphore(%arg13 : memref<!tpu.dma_semaphore, #tpu.memory_space<semaphore_mem>>) src(%dma_wait3A_1136 : memref<128xi32, #tpu.memory_space<vmem>>) dst(%dma_wait3A_1141 : memref<131072xi32, #tpu.memory_space<hbm>>)
      %dma_wait3A_1142 = arith.constant 28 : i32
      %dma_wait3A_1143 = arith.constant 3584 : i32
      %dma_wait3A_1144 = tpu.memref_slice %arg9[%dma_wait3A_1143] : memref<4096xi32, #tpu.memory_space<vmem>> -> memref<128xi32, #tpu.memory_space<vmem>>
      %dma_wait3A_1145 = arith.constant 0 : i32
      %dma_wait3A_1146 = tpu.memref_slice %arg11[%dma_wait3A_1142, %dma_wait3A_1145] : memref<32x128xi32, #tpu.memory_space<vmem>> -> memref<1x128xi32, #tpu.memory_space<vmem>>
      %dma_wait3A_1147 = tpu.memref_squeeze %dma_wait3A_1146 : memref<1x128xi32, #tpu.memory_space<vmem>> -> memref<128xi32, #tpu.memory_space<vmem>>
      %dma_wait3A_1148 = arith.constant 0 : i32
      %dma_wait3A_1149 = tpu.memref_slice %arg4[%dma_wait3A_1148] : memref<131072xi32, #tpu.memory_space<hbm>> -> memref<131072xi32, #tpu.memory_space<hbm>>
      tpu.wait_indirect_dma semaphore(%arg13 : memref<!tpu.dma_semaphore, #tpu.memory_space<semaphore_mem>>) src(%dma_wait3A_1144 : memref<128xi32, #tpu.memory_space<vmem>>) dst(%dma_wait3A_1149 : memref<131072xi32, #tpu.memory_space<hbm>>)
      %dma_wait3A_1150 = arith.constant 29 : i32
      %dma_wait3A_1151 = arith.constant 3712 : i32
      %dma_wait3A_1152 = tpu.memref_slice %arg10[%dma_wait3A_1151] : memref<4096xi32, #tpu.memory_space<vmem>> -> memref<128xi32, #tpu.memory_space<vmem>>
      %dma_wait3A_1153 = arith.constant 0 : i32
      %dma_wait3A_1154 = tpu.memref_slice %arg11[%dma_wait3A_1150, %dma_wait3A_1153] : memref<32x128xi32, #tpu.memory_space<vmem>> -> memref<1x128xi32, #tpu.memory_space<vmem>>
      %dma_wait3A_1155 = tpu.memref_squeeze %dma_wait3A_1154 : memref<1x128xi32, #tpu.memory_space<vmem>> -> memref<128xi32, #tpu.memory_space<vmem>>
      %dma_wait3A_1156 = arith.constant 0 : i32
      %dma_wait3A_1157 = tpu.memref_slice %arg3[%dma_wait3A_1156] : memref<131072xi32, #tpu.memory_space<hbm>> -> memref<131072xi32, #tpu.memory_space<hbm>>
      tpu.wait_indirect_dma semaphore(%arg13 : memref<!tpu.dma_semaphore, #tpu.memory_space<semaphore_mem>>) src(%dma_wait3A_1152 : memref<128xi32, #tpu.memory_space<vmem>>) dst(%dma_wait3A_1157 : memref<131072xi32, #tpu.memory_space<hbm>>)
      %dma_wait3A_1158 = arith.constant 29 : i32
      %dma_wait3A_1159 = arith.constant 3712 : i32
      %dma_wait3A_1160 = tpu.memref_slice %arg9[%dma_wait3A_1159] : memref<4096xi32, #tpu.memory_space<vmem>> -> memref<128xi32, #tpu.memory_space<vmem>>
      %dma_wait3A_1161 = arith.constant 0 : i32
      %dma_wait3A_1162 = tpu.memref_slice %arg11[%dma_wait3A_1158, %dma_wait3A_1161] : memref<32x128xi32, #tpu.memory_space<vmem>> -> memref<1x128xi32, #tpu.memory_space<vmem>>
      %dma_wait3A_1163 = tpu.memref_squeeze %dma_wait3A_1162 : memref<1x128xi32, #tpu.memory_space<vmem>> -> memref<128xi32, #tpu.memory_space<vmem>>
      %dma_wait3A_1164 = arith.constant 0 : i32
      %dma_wait3A_1165 = tpu.memref_slice %arg4[%dma_wait3A_1164] : memref<131072xi32, #tpu.memory_space<hbm>> -> memref<131072xi32, #tpu.memory_space<hbm>>
      tpu.wait_indirect_dma semaphore(%arg13 : memref<!tpu.dma_semaphore, #tpu.memory_space<semaphore_mem>>) src(%dma_wait3A_1160 : memref<128xi32, #tpu.memory_space<vmem>>) dst(%dma_wait3A_1165 : memref<131072xi32, #tpu.memory_space<hbm>>)
      %dma_wait3A_1166 = arith.constant 30 : i32
      %dma_wait3A_1167 = arith.constant 3840 : i32
      %dma_wait3A_1168 = tpu.memref_slice %arg10[%dma_wait3A_1167] : memref<4096xi32, #tpu.memory_space<vmem>> -> memref<128xi32, #tpu.memory_space<vmem>>
      %dma_wait3A_1169 = arith.constant 0 : i32
      %dma_wait3A_1170 = tpu.memref_slice %arg11[%dma_wait3A_1166, %dma_wait3A_1169] : memref<32x128xi32, #tpu.memory_space<vmem>> -> memref<1x128xi32, #tpu.memory_space<vmem>>
      %dma_wait3A_1171 = tpu.memref_squeeze %dma_wait3A_1170 : memref<1x128xi32, #tpu.memory_space<vmem>> -> memref<128xi32, #tpu.memory_space<vmem>>
      %dma_wait3A_1172 = arith.constant 0 : i32
      %dma_wait3A_1173 = tpu.memref_slice %arg3[%dma_wait3A_1172] : memref<131072xi32, #tpu.memory_space<hbm>> -> memref<131072xi32, #tpu.memory_space<hbm>>
      tpu.wait_indirect_dma semaphore(%arg13 : memref<!tpu.dma_semaphore, #tpu.memory_space<semaphore_mem>>) src(%dma_wait3A_1168 : memref<128xi32, #tpu.memory_space<vmem>>) dst(%dma_wait3A_1173 : memref<131072xi32, #tpu.memory_space<hbm>>)
      %dma_wait3A_1174 = arith.constant 30 : i32
      %dma_wait3A_1175 = arith.constant 3840 : i32
      %dma_wait3A_1176 = tpu.memref_slice %arg9[%dma_wait3A_1175] : memref<4096xi32, #tpu.memory_space<vmem>> -> memref<128xi32, #tpu.memory_space<vmem>>
      %dma_wait3A_1177 = arith.constant 0 : i32
      %dma_wait3A_1178 = tpu.memref_slice %arg11[%dma_wait3A_1174, %dma_wait3A_1177] : memref<32x128xi32, #tpu.memory_space<vmem>> -> memref<1x128xi32, #tpu.memory_space<vmem>>
      %dma_wait3A_1179 = tpu.memref_squeeze %dma_wait3A_1178 : memref<1x128xi32, #tpu.memory_space<vmem>> -> memref<128xi32, #tpu.memory_space<vmem>>
      %dma_wait3A_1180 = arith.constant 0 : i32
      %dma_wait3A_1181 = tpu.memref_slice %arg4[%dma_wait3A_1180] : memref<131072xi32, #tpu.memory_space<hbm>> -> memref<131072xi32, #tpu.memory_space<hbm>>
      tpu.wait_indirect_dma semaphore(%arg13 : memref<!tpu.dma_semaphore, #tpu.memory_space<semaphore_mem>>) src(%dma_wait3A_1176 : memref<128xi32, #tpu.memory_space<vmem>>) dst(%dma_wait3A_1181 : memref<131072xi32, #tpu.memory_space<hbm>>)
      %dma_wait3A_1182 = arith.constant 31 : i32
      %dma_wait3A_1183 = arith.constant 3968 : i32
      %dma_wait3A_1184 = tpu.memref_slice %arg10[%dma_wait3A_1183] : memref<4096xi32, #tpu.memory_space<vmem>> -> memref<128xi32, #tpu.memory_space<vmem>>
      %dma_wait3A_1185 = arith.constant 0 : i32
      %dma_wait3A_1186 = tpu.memref_slice %arg11[%dma_wait3A_1182, %dma_wait3A_1185] : memref<32x128xi32, #tpu.memory_space<vmem>> -> memref<1x128xi32, #tpu.memory_space<vmem>>
      %dma_wait3A_1187 = tpu.memref_squeeze %dma_wait3A_1186 : memref<1x128xi32, #tpu.memory_space<vmem>> -> memref<128xi32, #tpu.memory_space<vmem>>
      %dma_wait3A_1188 = arith.constant 0 : i32
      %dma_wait3A_1189 = tpu.memref_slice %arg3[%dma_wait3A_1188] : memref<131072xi32, #tpu.memory_space<hbm>> -> memref<131072xi32, #tpu.memory_space<hbm>>
      tpu.wait_indirect_dma semaphore(%arg13 : memref<!tpu.dma_semaphore, #tpu.memory_space<semaphore_mem>>) src(%dma_wait3A_1184 : memref<128xi32, #tpu.memory_space<vmem>>) dst(%dma_wait3A_1189 : memref<131072xi32, #tpu.memory_space<hbm>>)
      %dma_wait3A_1190 = arith.constant 31 : i32
      %dma_wait3A_1191 = arith.constant 3968 : i32
      %dma_wait3A_1192 = tpu.memref_slice %arg9[%dma_wait3A_1191] : memref<4096xi32, #tpu.memory_space<vmem>> -> memref<128xi32, #tpu.memory_space<vmem>>
      %dma_wait3A_1193 = arith.constant 0 : i32
      %dma_wait3A_1194 = tpu.memref_slice %arg11[%dma_wait3A_1190, %dma_wait3A_1193] : memref<32x128xi32, #tpu.memory_space<vmem>> -> memref<1x128xi32, #tpu.memory_space<vmem>>
      %dma_wait3A_1195 = tpu.memref_squeeze %dma_wait3A_1194 : memref<1x128xi32, #tpu.memory_space<vmem>> -> memref<128xi32, #tpu.memory_space<vmem>>
      %dma_wait3A_1196 = arith.constant 0 : i32
      %dma_wait3A_1197 = tpu.memref_slice %arg4[%dma_wait3A_1196] : memref<131072xi32, #tpu.memory_space<hbm>> -> memref<131072xi32, #tpu.memory_space<hbm>>
      tpu.wait_indirect_dma semaphore(%arg13 : memref<!tpu.dma_semaphore, #tpu.memory_space<semaphore_mem>>) src(%dma_wait3A_1192 : memref<128xi32, #tpu.memory_space<vmem>>) dst(%dma_wait3A_1197 : memref<131072xi32, #tpu.memory_space<hbm>>)
    } else {
    }
    return
  }
}

</mosaic_0001>

<sc_bundles>
// kernel: kernel.3.cloned.1.call-start
scs
__scs_entry_jumppad:
0x0: {  	(pc) =	sbr.rel $0x88, $3  }
0x1: {  	(tag) =	ssettag $0x0;
	lr =	simm.s32 $0x1  }
0x2: {  	[smem:$0x3FA0] =	sst lr;
	_ =	strace $0xD0000000  }
0x3: {  	_ = 	snop  }
0x4: {  	_ = 	snop  }
0x5: {  	_ = 	snop  }
0x6: {  	_ = 	snop  }
0x7: {  	_ = 	snop  }
__scs_overlays_trampoline_lowered:
0x8: {  	[smem:$0x3FAF] =	sst s0  }
0x9: {  	[smem:$0x3FB0] =	sst s1  }
0xa: {  	[smem:$0x3FB1] =	sst s2  }
0xb: {  	[smem:$0x3FB2] =	sst s3  }
0xc: {  	[smem:$0x3FB3] =	sst s4  }
0xd: {  	[smem:$0x3FB4] =	sst s5  }
0xe: {  	[smem:$0x3FB5] =	sst s6  }
0xf: {  	[smem:$0x3FB6] =	sst s7  }
0x10: {  	[smem:$0x3FB7] =	sst s8  }
0x11: {  	[smem:$0x3FB8] =	sst s9;
	s0 =	simm.s32 @!p0 $0x0  }
0x12: {  	s1 =	sld [smem:$0x3F9E];
	s0 =	simm.s32 @p0 $0x1  }
0x13: {  	[smem:$0x3FB9] =	sst s0;
	s0 =	simm.s32 @!p1 $0x0  }
0x14: {  	s2 =	sld [smem:$0x3F9D];
	s0 =	simm.s32 @p1 $0x1  }
0x15: {  	[smem:$0x3FBA] =	sst s0;
	s0 =	simm.s32 @!p2 $0x0  }
0x16: {  	s3 =	sld [smem:$0x3FDB];
	s0 =	simm.s32 @p2 $0x1  }
0x17: {  	s4 =	simm.s32 $0x1BF5;
	[smem:$0x3FBC] =	sst s0  }
0x18: {  	s0 =	sld [smem:$0x3F9F];
	_ =	swait.ge [sflag:s4], $0x0  }
0x19: {  	s7 =	sld [smem:$0x3FA0]  }
0x1a: {  	s8 =	sadd.s32 $0xFFFFE003, lr  }
0x1b: {  	s9 =	sadd.s32 $0xFFFFFEF7, lr;
	s5 =	simm.s32 $0xFFFFFFFF;
	p2 =	slt.u32 s8, $0xFFFFF086  }
0x1c: {  	p1 =	slt.u32 s9, $0xF7A;
	s5 =	simm.s32 @!p2 $0x0  }
0x1d: {  	s5 =	simm.s32 @p1 $0x1;
	p0 =	seq.s32 s7, s2  }
0x1e: {  	s7 =	smul.u32 @!p0 $0xF7A, s2;
	p2 =	seq.s32 @!p0 s5, $0x0  }
0x1f: {  	s9 =	smul.u32 $0xF7A, s1;
	s8 =	simm.s32 @!p0 $0x1BF5;
	p2 =	por !p2, p0  }
0x20: {  	[sflag:s8] =	ssyncset.s32 @!p0 $0xFFFFF086;
	s6 =	sadd.s32 @!p0 s3, s7;
	s7 =	simm.s32 @!p0 $0x108  }
0x21: {  	s3 =	sadd.s32 s3, s9;
	s6 =	sadd.s32 @!p0 $0x88, s6;
	s7 =	simm.s32 @p2 $0x1082  }
0x22: {  	[simem:s7], [sflag:s8] =	dma.local @!p0 [hbm:s6], $0xF7A  }
0x23: {  	s9 =	sor.u32 $0xD0000000, s2;
	s6 =	simm.s32 $0x108;
	_ =	swait.ge @!p0 [sflag:s8], $0x0  }
0x24: {  	s3 =	sadd.s32 $0x88, s3;
	s6 =	simm.s32 @!p1 $0x1082;
	[sflag:s4] =	ssyncset.s32 $0xFFFFF086  }
0x25: {  	[simem:s6], [sflag:s4] =	dma.local [hbm:s3], $0xF7A  }
0x26: {  	[smem:$0x3FA0] =	sst s1;
	(tag) =	ssettag s2;
	_ =	strace s9  }
0x27: {  	s1 =	sld [smem:$0x3FB0]  }
0x28: {  	s2 =	sld [smem:$0x3FB1]  }
0x29: {  	s4 =	sld [smem:$0x3FB3]  }
0x2a: {  	p0 =	seq.s32 s5, $0x0;
	s5 =	sld [smem:$0x3FB4]  }
0x2b: {  	s6 =	sld [smem:$0x3FB5]  }
0x2c: {  	s7 =	sld [smem:$0x3FB6]  }
0x2d: {  	s3 =	simm.s32 $0x108;
	s8 =	sld [smem:$0x3FB7]  }
0x2e: {  	s3 =	simm.s32 @!p0 $0x1082;
	s9 =	sld [smem:$0x3FB8]  }
0x2f: {  	lr =	sadd.s32 s0, s3;
	s0 =	sld [smem:$0x3FAF]  }
0x30: {  	s3 =	sld [smem:$0x3FB2]  }
0x31: {  	[smem:$0x3FBB] =	sst s10  }
0x32: {  	s10 =	sld [smem:$0x3FB9];
	_ =	sdelay $0x3  }
0x33: {  	p0 =	seq.s32 s10, $0x1;
	s10 =	sld [smem:$0x3FBB];
	_ =	sdelay $0x3  }
0x34: {  	[smem:$0x3FBB] =	sst s10  }
0x35: {  	s10 =	sld [smem:$0x3FBA];
	_ =	sdelay $0x3  }
0x36: {  	p1 =	seq.s32 s10, $0x1;
	s10 =	sld [smem:$0x3FBB];
	_ =	sdelay $0x3  }
0x37: {  	[smem:$0x3FBB] =	sst s10  }
0x38: {  	s10 =	sld [smem:$0x3FBC]  }
0x39: {  	_ = 	snop;
	(pc) =	sbr.ind lr, $3  }
0x3a: {  	_ = 	snop  }
0x3b: {  	_ = 	snop  }
0x3c: {  	p2 =	seq.s32 s10, $0x1;
	s10 =	sld [smem:$0x3FBB]  }
0x3d: {  	_ =	shalt  }
0x3e: {  	_ =	shalt  }
0x3f: {  	_ =	shalt  }
0x40: {  	_ =	shalt  }
0x41: {  	_ =	shalt  }
0x42: {  	_ =	shalt  }
0x43: {  	_ =	shalt  }
0x44: {  	_ =	shalt  }
0x45: {  	_ =	shalt  }
0x46: {  	_ =	shalt  }
0x47: {  	_ =	shalt  }
0x48: {  	_ =	shalt  }
0x49: {  	_ =	shalt  }
0x4a: {  	_ =	shalt  }
0x4b: {  	_ =	shalt  }
0x4c: {  	_ =	shalt  }
0x4d: {  	_ =	shalt  }
0x4e: {  	_ =	shalt  }
0x4f: {  	_ =	shalt  }
0x50: {  	_ =	shalt  }
0x51: {  	_ =	shalt  }
0x52: {  	_ =	shalt  }
0x53: {  	_ =	shalt  }
0x54: {  	_ =	shalt  }
0x55: {  	_ =	shalt  }
0x56: {  	_ =	shalt  }
0x57: {  	_ =	shalt  }
0x58: {  	_ =	shalt  }
0x59: {  	_ =	shalt  }
0x5a: {  	_ =	shalt  }
0x5b: {  	_ =	shalt  }
0x5c: {  	_ =	shalt  }
0x5d: {  	_ =	shalt  }
0x5e: {  	_ =	shalt  }
0x5f: {  	_ =	shalt  }
0x60: {  	_ =	shalt  }
0x61: {  	_ =	shalt  }
0x62: {  	_ =	shalt  }
0x63: {  	_ =	shalt  }
0x64: {  	_ =	shalt  }
0x65: {  	_ =	shalt  }
0x66: {  	_ =	shalt  }
0x67: {  	_ =	shalt  }
0x68: {  	_ =	shalt  }
0x69: {  	_ =	shalt  }
0x6a: {  	_ =	shalt  }
0x6b: {  	_ =	shalt  }
0x6c: {  	_ =	shalt  }
0x6d: {  	_ =	shalt  }
0x6e: {  	_ =	shalt  }
0x6f: {  	_ =	shalt  }
0x70: {  	_ =	shalt  }
0x71: {  	_ =	shalt  }
0x72: {  	_ =	shalt  }
0x73: {  	_ =	shalt  }
0x74: {  	_ =	shalt  }
0x75: {  	_ =	shalt  }
0x76: {  	_ =	shalt  }
0x77: {  	_ =	shalt  }
0x78: {  	_ =	shalt  }
0x79: {  	_ =	shalt  }
0x7a: {  	_ =	shalt  }
0x7b: {  	_ =	shalt  }
0x7c: {  	_ =	shalt  }
0x7d: {  	_ =	shalt  }
0x7e: {  	_ =	shalt  }
0x7f: {  	_ =	shalt  }
0x80: {  	_ =	shalt  }
0x81: {  	_ =	shalt  }
0x82: {  	_ =	shalt  }
0x83: {  	_ =	shalt  }
0x84: {  	_ =	shalt  }
0x85: {  	_ =	shalt  }
0x86: {  	_ =	shalt  }
0x87: {  	_ =	shalt  }
.Lfunc_end0:
.L_simem_size_0:
called_computation_lowered:
.L_overlay_start_0:
0x88: {  	s2 =	sld [smem:$0x3FD9]  }
0x89: {  	s3 =	sld [smem:$0x3FFE];
	_ =	sdelay $0x1  }
0x8a: {  	s1 =	srdreg.scid  }
0x8b: {  	s0 =	sand.u32 $0x1, s1  }
0x8c: {  	s15 =	sshll.u32 s0, $0xA;
	s2 =	sadd.s32 s3, s2  }
0x8d: {  	s2 =	sadd.s32 s2, s15  }
0x8e: {  	[smem:$0x3FC7] =	sst s2  }
0x8f: {  	_ = 	snop  }
0x90: {  	s2 =	sld [smem:$0x3FD0];
	_ =	sdelay $0x2  }
0x91: {  	s4 =	simm.s32 $0xA;
	s5 =	simm.s32 $0x10;
	s16 =	sld [smem:$0x3FC9]  }
0x92: {  	[smem:s5], [sflag:s4] =	dma.local [hbm:s2], $0x1  }
0x93: {  	_ =	swait.eq [sflag:s4], $0x1  }
0x94: {  	[sflag:s4] =	ssyncset.done $0x0  }
0x95: {  	s17 =	sld [smem:$0x10];
	[sflag:s4] =	ssyncadd.s32 $0xFFFFFFFF  }
0x96: {  	s18 =	sld [smem:$0x11];
	(tm) =	ssettm $0x1  }
0x97: {  	s19 =	sld [smem:$0x3FFB];
	_ =	sdelay $0x3  }
0x98: {  	_ =	strace s19  }
0x99: {  	s5 =	sld [smem:$0x3FFC];
	_ =	sdelay $0x3  }
0x9a: {  	_ =	strace s5  }
0x9b: {  	s5 =	sld [smem:$0x3FFD];
	_ =	sdelay $0x3  }
0x9c: {  	_ =	strace s5  }
0x9d: {  	_ =	strace $0x8FFFFFFF  }
0x9e: {  	s20 =	sld [smem:$0x3FDB];
	_ =	sdelay $0x1  }
0x9f: {  	s6 =	simm.s32 $_scs_section_size  }
0xa0: {  	s7 =	simm.s32 $_size__tile_overlayer_lowered;
	s8 =	simm.s32 $_tile_overlayer_lowered  }
0xa1: {  	s23 =	simm.s32 $0x1BFF;
	s22 =	sshll.u32 s8, $0x1;
	s5 =	sadd.s32 s6, s20  }
0xa2: {  	s9 =	simm.s32 $0x0;
	s21 =	sshll.u32 s7, $0x1;
	s7 =	sadd.s32 s22, s5  }
0xa3: {  	[timem:s9], [sflag:s23] =	dma.local [hbm:s7], s21  }
0xa4: {  	_ =	swait.ge [sflag:s23], s21  }
0xa5: {  	s6 =	ssub.s32 $0x0, s21;
	[sflag:s23] =	ssyncset.done $0x0  }
0xa6: {  	[sflag:s23] =	ssyncadd.s32 s6;
	_ =	sdelay $0x1  }
0xa7: {  	s24 =	simm.s32 $0x1B8B  }
0xa8: {  	_ =	swait.ge [sflag:s24], $0x1  }
0xa9: {  	[sflag:s24] =	ssyncset.done $0x0  }
0xaa: {  	s25 =	simm.s32 $0x1B8E;
	[sflag:s24] =	ssyncadd.s32 $0xFFFFFFFF  }
0xab: {  	s26 =	simm.s32 $execute0_lowered;
	[smem:$0x3FD2] =	sst s25  }
0xac: {  	s6 =	sshll.u32 s26, $0x1;
	_ =	strace $0x80000046;
	[dreg:$0x1] =	wrdreg $0xFFFFFFFF  }
0xad: {  	s28 =	simm.s32 $_size_execute0_lowered;
	s5 =	sadd.s32 s5, s6;
	[dreg:$0x0] =	wrdreg $0x0  }
0xae: {  	s6 =	sshll.u32 s28, $0x1;
	[dreg:$0x2] =	wrdreg s5  }
0xaf: {  	[dreg:$0x3] =	wrdreg s6  }
0xb0: {  	[dreg:$0x4] =	wrdreg $0xC0  }
0xb1: {  	_ =	task [dreg:s9], $0x5FFFF  }
0xb2: {  	[dreg:$0x1] =	wrdreg $0xFFFFFFFF  }
0xb3: {  	[dreg:$0x0] =	wrdreg $0x60  }
0xb4: {  	[dreg:$0x2] =	wrdreg s16  }
0xb5: {  	[dreg:$0x3] =	wrdreg s17  }
0xb6: {  	[dreg:$0x4] =	wrdreg s18  }
0xb7: {  	[dreg:$0x5] =	wrdreg $0x68800  }
0xb8: {  	[dreg:$0x6] =	wrdreg $0x9  }
0xb9: {  	_ =	task.clear_ibuf [dreg:s9], $0x7FFFF;
	_ =	strace $0x90000046  }
0xba: {  	s29 =	simm.s32 $0x9;
	_ =	strace $0x80000048  }
0xbb: {  	_ =	swait.ge [sflag:s29], $0x1  }
0xbc: {  	[sflag:s29] =	ssyncadd.s32 $0xFFFFFFFF  }
0xbd: {  	_ =	strace $0x90000048  }
0xbe: {  	_ =	sfence  }
0xbf: {  	s30 =	sld [smem:$0x0];
	_ =	sdelay $0x2  }
0xc0: {  	s31 =	sshll.u32 s1, $0xD;
	s1 =	sshrl.u32 s1, $0x2  }
0xc1: {  	s3 =	sand.u32 $0x4000, s31;
	s1 =	sadd.s32 s1, s30  }
0xc2: {  	s0 =	sor.u32 s3, s0;
	s1 =	sshll.u32 s1, $0x11  }
0xc3: {  	s0 =	sor.u32 s1, s0  }
0xc4: {  	s0 =	sadd.s32 $0x8F2B, s0  }
0xc5: {  	[sflag:s0] =	ssyncadd.remote.s32 $0x1  }
0xc6: {  	_ =	sfence.sel $0xFFFF  }
0xc7: {  	[dreg:$0x0] =	wrdreg $0xFFFFFFFF;
	(pc) =	sbr.abs _section_cstart, $3  }
0xc8: {  	[dreg:$0x1] =	wrdreg $0xFFFFFFFF  }
0xc9: {  	_ =	task.clear_ibuf [dreg:s9], $0x2FFFF;
	_ =	strace $0x9FFFFFFF  }
0xca: {  	(tm) =	ssettm $0x7FFFFFFF  }
0xcb: {  	_ =	shalt  }
tec
execute0_lowered:
.L_overlay_start_1:
0x0: {  	(tag) =	ssettag $0x1  }
0x1: {  	s0 =	srdreg.scid  }
0x2: {  	s0 =	sand.u32 $0x1, s0  }
0x3: {  	s10 =	stileid.u32;
	s6 =	ssub.s32 $0x2, s0;
	s0 =	sshll.u32 s0, $0x4  }
0x4: {  	s4 =	rddreg [dreg:$0x0];
	v0 =	vlaneseq.u32;
	s0 =	sor.u32 s10, s0  }
0x5: {  	s1 =	rddreg [dreg:$0x1];
	v3 =	vimm.s32 $0x81800100;
	v2 =	vor.u32 $0x10, v0;
	v1 =	vmov s0  }
0x6: {  	s2 =	rddreg [dreg:$0x2];
	s3 =	simm.s32 $0x0;
	v4 =	vimm.s32 $0x0;
	v3 =	vunpack.c.0.s8.s32 v3;
	vm0 =	veq.s32 v1, v2  }
0x7: {  	[smem:$0x7FF] =	sst s3;
	vm2 =	vgt.u32 v1, v2;
	v4 =	vsel vm0, $0xFFFFFFFF, v4  }
0x8: {  	s7 =	rddreg [dreg:$0x3];
	_ =	strace $0x80000047;
	v2 =	vand.u32 $0xFF, v3;
	vm0 =	veq.s32 v1, v0;
	[tilespmem:$0x1FFE0] =	vst v4;
	v4 =	vimm.s32 $0x0  }
0x9: {  	v3 =	vimm.s32 $0x781;
	v4 =	vsel vm0, $0xFFFFFFFF, v4;
	vm0 =	vcmask $0x300  }
0xa: {  	vm4 =	vcmask $0xF00;
	v3 =	vsel vm0, $0x400, v3;
	vm0 =	vcmask $0x704  }
0xb: {  	vm5 =	vmmov $0x1;
	v3 =	vsel vm0, $0x401, v3;
	vm0 =	vcmask $0xB08  }
0xc: {  	vm3 =	vgt.u32 v1, v0;
	v3 =	vsel vm0, $0x480, v3;
	vm0 =	vcmask $0xF0C  }
0xd: {  	s13 =	simm.s32 $0x3800;
	s14 =	simm.s32 $0x2;
	v2 =	vnsel vm4, $0x381, v2;
	vm4 =	vcmask $0x1310;
	v3 =	vsel vm0, $0x481, v3  }
0xe: {  	s15 =	simm.s32 $0x3000;
	s16 =	simm.s32 $0x80;
	s19 =	simm.s32 $0x4880;
	v2 =	vsel vm4, $0x100, v2;
	vm0 =	vcmask $0x1714;
	v3 =	vsel vm4, $0x500, v3  }
0xf: {  	s20 =	simm.s32 $0x3880;
	s23 =	simm.s32 $0x6480;
	s26 =	simm.s32 $0x6580;
	v2 =	vsel vm0, $0x101, v2;
	vm4 =	vcmask $0x1B18;
	v3 =	vsel vm0, $0x501, v3  }
0x10: {  	s18 =	simm.s32 $0x6700;
	s21 =	simm.s32 $0x6780;
	s24 =	simm.s32 $0x6800;
	v2 =	vsel vm4, $0x180, v2;
	vm0 =	vcmask $0x1F1C;
	v3 =	vsel vm4, $0x580, v3  }
0x11: {  	s28 =	simm.s32 $0x0;
	s5 =	sshll.u32 s10, $0x5;
	s9 =	sshll.u32 s10, $0xA;
	v2 =	vsel vm0, $0x181, v2;
	vm4 =	vcmask $0x2320;
	v3 =	vsel vm0, $0x581, v3  }
0x12: {  	s7 =	sadd.s32 $0x1000, s7;
	s9 =	sor.u32 s5, s9;
	s8 =	sshrl.u32 s6, $0x1;
	v2 =	vsel vm4, $0x200, v2;
	vm0 =	vcmask $0x2724;
	v3 =	vsel vm4, $0x600, v3  }
0x13: {  	s10 =	sshll.u32 s10, $0x7;
	s29 =	sand.u32 $0x3060, s9;
	s5 =	sshll.u32 s0, $0xC;
	v2 =	vsel vm0, $0x201, v2;
	vm4 =	vcmask $0x2B28;
	v3 =	vsel vm0, $0x601, v3  }
.Ltmp0:
0x14: {  	s11 =	ssub.s32 s6, s8;
	s30 =	sor.u32 s10, s5;
	v2 =	vsel vm4, $0x280, v2;
	vm0 =	vcmask $0x2F2C;
	v3 =	vsel vm4, $0x680, v3;
	(pc) =	sbr.rel .LBB2_1-.Ltmp0, $4  }
0x15: {  	s6 =	sadd.s32 s4, s29;
	s9 =	sadd.s32 s10, s7;
	s12 =	sand.u32 $0x18380, s30;
	v2 =	vsel vm0, $0x281, v2;
	vm4 =	vcmask $0x3330;
	v3 =	vsel vm0, $0x681, v3  }
0x16: {  	s0 =	simm.s32 $0x6680;
	s8 =	sadd.s32 $0x10, s6;
	s31 =	sshrl.u32 s12, $0x3;
	v2 =	vsel vm4, $0x300, v2;
	vm0 =	vcmask $0x3734;
	v3 =	vsel vm4, $0x700, v3  }
0x17: {  	s11 =	smax.u32 s11, $0x1;
	s10 =	simm.s32 $0x6600;
	s4 =	sadd.s32 s4, s31;
	v2 =	vsel vm0, $0x301, v2;
	vm4 =	vcmask $0x3B38;
	v3 =	vsel vm0, $0x701, v3  }
0x18: {  	s12 =	simm.s32 $0x1;
	[dreg:$0x5] =	wrdreg s4;
	[tilespmem:$0x1FFF0] =	vst v4;
	s4 =	simm.s32 $0x6500;
	v4 =	vimm.s32 $0x0;
	v2 =	vsel vm4, $0x380, v2;
	v3 =	vsel vm4, $0x780, v3  }
.LBB2_10:
0x19: {  	s17 =	sshrl.u32 s17, $0x3  }
0x1a: {  	s22 =	sadd.s32 s1, s17  }
0x1b: {  	[hbm4b:s22+s3] =	stream.linear.scatter [tilespmem:s19], [sflag:$0x1], $0x1000, $0x38;
	[tilespmem:$0x68B0] =	vst v63  }
0x1c: {  	s17 =	sadd.s32 s2, s17  }
0x1d: {  	[hbm4b:s17+s3] =	stream.linear.scatter [tilespmem:s20], [sflag:$0x1], $0x1000, $0x38;
	[tilespmem:$0x68B0] =	vst v63  }
0x1e: {  	_ =	swait.ge [sflag:s12], $0x1000  }
0x1f: {  	[sflag:s12] =	ssyncset.done $0x0  }
0x20: {  	[sflag:s12] =	ssyncadd.s32 $0xFFFFF000  }
0x21: {  	_ =	swait.ge [sflag:s12], $0x1000  }
0x22: {  	[sflag:s12] =	ssyncset.done $0x0  }
0x23: {  	[sflag:s12] =	ssyncadd.s32 $0xFFFFF000  }
.LBB2_14:
0x24: {  	s28 =	sadd.s32 $0x1, s28  }
0x25: {  	p0 =	sne.s32 s28, s11  }
.Ltmp1:
0x26: {  	_ = 	snop;
	(pc) =	sbr.rel @!p0 .LBB2_15-.Ltmp1, $1  }
0x27: {  	_ =	sdelay $0x3  }
.LBB2_1:
0x28: {  	s17 =	simm.s32 $0x80  }
0x29: {  	s30 =	sadd.s32 $0x0, s6;
	s22 =	simm.s32 $0x100;
	s25 =	simm.s32 $0x0  }
.LBB2_2:
0x2a: {  	[tilespmem:s25], [sflag:$0x1] =	stream.linear.gather [hbm4b:s30+s3], $0x80, $0x38;
	[tilespmem:$0x68B0] =	vst v63  }
0x2b: {  	s30 =	smov.u32 s17;
	s25 =	smov.u32 s22;
	p0 =	sne.s32 s17, $0xF80  }
.Ltmp2:
0x2c: {  	s17 =	sadd.s32 $0x80, s17;
	(pc) =	sbr.rel @p0 .LBB2_2-.Ltmp2, $2  }
0x2d: {  	_ =	sdelay $0x2  }
0x2e: {  	s22 =	sadd.s32 $0x100, s22;
	s30 =	sadd.s32 s30, s6  }
0x2f: {  	[tilespmem:s25], [sflag:$0x1] =	stream.linear.gather [hbm4b:s30+s3], $0x80, $0x38;
	[tilespmem:$0x68B0] =	vst v63  }
0x30: {  	s17 =	simm.s32 $0x80  }
0x31: {  	s22 =	simm.s32 $0x80;
	s30 =	sadd.s32 $0x0, s8;
	s25 =	simm.s32 $0x180  }
.LBB2_4:
0x32: {  	[tilespmem:s17], [sflag:$0x1] =	stream.linear.gather [hbm4b:s30+s3], $0x80, $0x38;
	[tilespmem:$0x68B0] =	vst v63  }
0x33: {  	s30 =	smov.u32 s22;
	s17 =	smov.u32 s25;
	p0 =	sne.s32 s22, $0xF80  }
.Ltmp3:
0x34: {  	s22 =	sadd.s32 $0x80, s22;
	(pc) =	sbr.rel @p0 .LBB2_4-.Ltmp3, $2  }
0x35: {  	_ =	sdelay $0x2  }
0x36: {  	s25 =	sadd.s32 $0x100, s25;
	s30 =	sadd.s32 s30, s8  }
0x37: {  	[tilespmem:s17], [sflag:$0x1] =	stream.linear.gather [hbm4b:s30+s3], $0x80, $0x38;
	[tilespmem:$0x68B0] =	vst v63  }
0x38: {  	_ =	swait.ge [sflag:s12], $0x1000  }
0x39: {  	s22 =	simm.s32 $0x40;
	[sflag:s12] =	ssyncset.done $0x0  }
0x3a: {  	s25 =	simm.s32 $0x48C0;
	s30 =	simm.s32 $0x0;
	[sflag:s12] =	ssyncadd.s32 $0xFFFFF000  }
0x3b: {  	s29 =	simm.s32 $0x38C0;
	v6 =	vor.u32 s30, v0;
	v5 =	vld [tilespmem:s22+$0xFFFFFFC0];
	[tilespmem:s25+$0xFFFFFFC0] =	vst v1  }
0x3c: {  	s30 =	simm.s32 $0x10;
	[tilespmem:s29+$0xFFFFFFC0] =	vst v6  }
0x3d: {  	v7 =	vor.u32 s30, v0;
	v6 =	vld [tilespmem:s22+$0xFFFFFFD0];
	[tilespmem:s25+$0xFFFFFFD0] =	vst v1  }
0x3e: {  	s30 =	simm.s32 $0x20;
	[tilespmem:s29+$0xFFFFFFD0] =	vst v7  }
0x3f: {  	v8 =	vor.u32 s30, v0;
	v7 =	vld [tilespmem:s22+$0xFFFFFFE0];
	[tilespmem:s25+$0xFFFFFFE0] =	vst v1  }
0x40: {  	s30 =	simm.s32 $0x30;
	[tilespmem:s29+$0xFFFFFFE0] =	vst v8  }
0x41: {  	v9 =	vor.u32 s30, v0;
	s30 =	simm.s32 $0x40;
	vm0 =	vlt.f32 v5, $0.0e+00;
	vm4 =	vgt.f32 v5, $0.0e+00;
	v8 =	vld [tilespmem:s22+$0xFFFFFFF0];
	[tilespmem:s25+$0xFFFFFFF0] =	vst v1  }
0x42: {  	v5 =	vor.u32 s30, v0;
	vm0 =	vmor vm4, vm0;
	[tilespmem:s29+$0xFFFFFFF0] =	vst v9  }
0x43: {  	s30 =	simm.s32 $0x50;
	v10 =	vmpcnt.ones.xlane vm0;
	vm0 =	vlt.f32 v6, $0.0e+00;
	vm4 =	vgt.f32 v6, $0.0e+00;
	v9 =	vld [tilespmem:s22+$0x0];
	[tilespmem:s25+$0x0] =	vst v1  }
0x44: {  	v6 =	vor.u32 s30, v0;
	vm0 =	vmor vm4, vm0;
	[tilespmem:s29+$0x0] =	vst v5  }
0x45: {  	v5 =	vimm.s32 $0x0;
	vm4 =	vlt.f32 v7, $0.0e+00;
	vm6 =	vgt.f32 v7, $0.0e+00;
	v11 =	vld [tilespmem:s22+$0x10];
	[tilespmem:s25+$0x10] =	vst v1  }
0x46: {  	s30 =	simm.s32 $0x60;
	v5 =	vadd.s32 v5, v10;
	[tilespmem:s29+$0x10] =	vst v6;
	v6 =	vmpcnt.ones.xlane vm0;
	vm0 =	vmor vm6, vm4  }
0x47: {  	vm4 =	vlt.f32 v8, $0.0e+00;
	vm6 =	vgt.f32 v8, $0.0e+00;
	v8 =	vor.u32 s30, v0;
	s30 =	simm.s32 $0x70;
	v7 =	vld [tilespmem:s22+$0x20];
	[tilespmem:s25+$0x20] =	vst v1  }
0x48: {  	v60 =	vmpcnt.ones.xlane vm0;
	vm0 =	vmor vm6, vm4;
	v61 =	vor.u32 s30, v0;
	[tilespmem:s29+$0x20] =	vst v8  }
0x49: {  	v5 =	vadd.s32 v6, v5;
	v6 =	vmpcnt.ones.xlane vm0;
	vm0 =	vlt.f32 v9, $0.0e+00;
	v8 =	vld [tilespmem:s22+$0x30]  }
0x4a: {  	vm4 =	vgt.f32 v9, $0.0e+00;
	[tilespmem:s25+$0x30] =	vst v1;
	vm6 =	vlt.f32 v11, $0.0e+00;
	vm7 =	vgt.f32 v11, $0.0e+00  }
0x4b: {  	s31 =	simm.s32 $0x140;
	vm0 =	vmor vm4, vm0;
	v5 =	vadd.s32 v60, v5;
	[tilespmem:s29+$0x30] =	vst v61;
	vm4 =	vmor vm7, vm6  }
0x4c: {  	s17 =	simm.s32 $0x4940;
	s25 =	simm.s32 $0x80;
	v5 =	vadd.s32 v6, v5;
	v6 =	vmpcnt.ones.xlane vm0;
	v63 =	vld [tilespmem:s31+$0xFFFFFFC0];
	v62 =	vmpcnt.ones.xlane vm4  }
0x4d: {  	[tilespmem:s17+$0xFFFFFFC0] =	vst v1;
	vm0 =	vlt.f32 v7, $0.0e+00;
	vm4 =	vgt.f32 v7, $0.0e+00;
	v7 =	vor.u32 s25, v0;
	s25 =	simm.s32 $0x3940  }
0x4e: {  	vm0 =	vmor vm4, vm0;
	[tilespmem:s25+$0xFFFFFFC0] =	vst v7;
	vm4 =	vlt.f32 v8, $0.0e+00;
	vm6 =	vgt.f32 v8, $0.0e+00  }
0x4f: {  	s29 =	simm.s32 $0x90;
	v6 =	vadd.s32 v6, v5;
	v5 =	vld [tilespmem:s31+$0xFFFFFFD0];
	v7 =	vmpcnt.ones.xlane vm0;
	vm0 =	vmor vm6, vm4  }
0x50: {  	[tilespmem:s17+$0xFFFFFFD0] =	vst v1;
	v8 =	vor.u32 s29, v0;
	v9 =	vadd.s32 v62, v6;
	v6 =	vmpcnt.ones.xlane vm0  }
0x51: {  	s30 =	simm.s32 $0xF0;
	s22 =	simm.s32 $0x8;
	[tilespmem:s25+$0xFFFFFFD0] =	vst v8;
	vm6 =	vlt.f32 v63, $0.0e+00;
	vm7 =	vgt.f32 v63, $0.0e+00;
	v7 =	vadd.s32 v7, v9  }
.LBB2_6:
0x52: {  	s22 =	sadd.s32 $0x8, s22;
	vm0 =	vmor vm7, vm6;
	s29 =	sadd.s32 $0xFFFFFFB0, s30;
	v8 =	vld [tilespmem:s31+$0xFFFFFFE0];
	v6 =	vadd.s32 v6, v7  }
0x53: {  	p0 =	slt.u32 s22, $0xF8;
	v7 =	vmpcnt.ones.xlane vm0;
	[tilespmem:s17+$0xFFFFFFE0] =	vst v1;
	v9 =	vor.u32 s29, v0  }
0x54: {  	vm0 =	vlt.f32 v5, $0.0e+00;
	vm4 =	vgt.f32 v5, $0.0e+00;
	[tilespmem:s25+$0xFFFFFFE0] =	vst v9  }
0x55: {  	s29 =	sadd.s32 $0xFFFFFFC0, s30;
	vm0 =	vmor vm4, vm0;
	v5 =	vld [tilespmem:s31+$0xFFFFFFF0]  }
0x56: {  	v10 =	vor.u32 s29, v0;
	v9 =	vmpcnt.ones.xlane vm0;
	[tilespmem:s17+$0xFFFFFFF0] =	vst v1  }
0x57: {  	vm0 =	vlt.f32 v8, $0.0e+00;
	vm4 =	vgt.f32 v8, $0.0e+00;
	[tilespmem:s25+$0xFFFFFFF0] =	vst v10  }
0x58: {  	s29 =	sadd.s32 $0xFFFFFFD0, s30;
	vm0 =	vmor vm4, vm0;
	v8 =	vld [tilespmem:s31+$0x0]  }
0x59: {  	v11 =	vor.u32 s29, v0;
	v10 =	vmpcnt.ones.xlane vm0;
	[tilespmem:s17+$0x0] =	vst v1  }
0x5a: {  	vm0 =	vlt.f32 v5, $0.0e+00;
	vm4 =	vgt.f32 v5, $0.0e+00;
	[tilespmem:s25+$0x0] =	vst v11  }
0x5b: {  	s29 =	sadd.s32 $0xFFFFFFE0, s30;
	v5 =	vadd.s32 v6, v7;
	vm0 =	vmor vm4, vm0;
	v6 =	vld [tilespmem:s31+$0x10]  }
0x5c: {  	v5 =	vadd.s32 v9, v5;
	v9 =	vor.u32 s29, v0;
	v7 =	vmpcnt.ones.xlane vm0;
	[tilespmem:s17+$0x10] =	vst v1  }
0x5d: {  	v5 =	vadd.s32 v10, v5;
	vm0 =	vlt.f32 v8, $0.0e+00;
	vm4 =	vgt.f32 v8, $0.0e+00;
	[tilespmem:s25+$0x10] =	vst v9  }
0x5e: {  	s29 =	sadd.s32 $0xFFFFFFF0, s30;
	v5 =	vadd.s32 v7, v5;
	vm0 =	vmor vm4, vm0;
	v7 =	vld [tilespmem:s31+$0x20]  }
0x5f: {  	v9 =	vor.u32 s29, v0;
	v8 =	vmpcnt.ones.xlane vm0;
	[tilespmem:s17+$0x20] =	vst v1  }
0x60: {  	vm0 =	vlt.f32 v6, $0.0e+00;
	vm4 =	vgt.f32 v6, $0.0e+00;
	[tilespmem:s25+$0x20] =	vst v9  }
0x61: {  	v6 =	vadd.s32 v8, v5;
	vm0 =	vmor vm4, vm0;
	v5 =	vld [tilespmem:s31+$0x30]  }
0x62: {  	v9 =	vor.u32 s30, v0;
	v8 =	vmpcnt.ones.xlane vm0;
	[tilespmem:s17+$0x30] =	vst v1  }
0x63: {  	s30 =	sadd.s32 $0x80, s30;
	s31 =	sadd.s32 $0x100, s31;
	vm0 =	vlt.f32 v7, $0.0e+00;
	vm4 =	vgt.f32 v7, $0.0e+00;
	[tilespmem:s25+$0x30] =	vst v9  }
0x64: {  	s29 =	sadd.s32 $0xFFFFFF90, s30;
	s17 =	sadd.s32 $0x80, s17;
	v7 =	vld [tilespmem:s31+$0xFFFFFFC0];
	vm0 =	vmor vm4, vm0  }
.Ltmp4:
0x65: {  	v9 =	vor.u32 s29, v0;
	s25 =	sadd.s32 $0x80, s25;
	[tilespmem:s17+$0xFFFFFFC0] =	vst v1;
	(pc) =	sbr.rel @p0 .LBB2_6-.Ltmp4, $4  }
0x66: {  	[tilespmem:s25+$0xFFFFFFC0] =	vst v9;
	vm4 =	vlt.f32 v5, $0.0e+00;
	vm6 =	vgt.f32 v5, $0.0e+00  }
0x67: {  	s29 =	sadd.s32 $0xFFFFFFA0, s30;
	v9 =	vmpcnt.ones.xlane vm0;
	v5 =	vld [tilespmem:s31+$0xFFFFFFD0];
	vm0 =	vmor vm6, vm4  }
0x68: {  	v10 =	vor.u32 s29, v0;
	v8 =	vadd.s32 v8, v6;
	[tilespmem:s17+$0xFFFFFFD0] =	vst v1;
	v6 =	vmpcnt.ones.xlane vm0  }
0x69: {  	vm6 =	vlt.f32 v7, $0.0e+00;
	vm7 =	vgt.f32 v7, $0.0e+00;
	[tilespmem:s25+$0xFFFFFFD0] =	vst v10;
	v7 =	vadd.s32 v9, v8  }
0x6a: {  	s22 =	sadd.s32 $0xFFFFFFB0, s30  }
0x6b: {  	v8 =	vld [tilespmem:s31+$0xFFFFFFE0];
	[tilespmem:s17+$0xFFFFFFE0] =	vst v1;
	v9 =	vor.u32 s22, v0  }
0x6c: {  	s29 =	sadd.s32 $0xFFFFFFC0, s30;
	[tilespmem:s25+$0xFFFFFFE0] =	vst v9  }
0x6d: {  	v10 =	vor.u32 s29, v0;
	v9 =	vld [tilespmem:s31+$0xFFFFFFF0];
	[tilespmem:s17+$0xFFFFFFF0] =	vst v1  }
0x6e: {  	s29 =	sadd.s32 $0xFFFFFFD0, s30;
	[tilespmem:s25+$0xFFFFFFF0] =	vst v10  }
0x6f: {  	v11 =	vor.u32 s29, v0;
	v10 =	vld [tilespmem:s31+$0x0];
	[tilespmem:s17+$0x0] =	vst v1  }
0x70: {  	s29 =	sadd.s32 $0xFFFFFFE0, s30;
	[tilespmem:s25+$0x0] =	vst v11  }
0x71: {  	v12 =	vor.u32 s29, v0;
	v11 =	vld [tilespmem:s31+$0x10];
	[tilespmem:s17+$0x10] =	vst v1  }
0x72: {  	vm0 =	vlt.f32 v5, $0.0e+00;
	vm4 =	vgt.f32 v5, $0.0e+00;
	s29 =	sadd.s32 $0xFFFFFFF0, s30;
	[tilespmem:s25+$0x10] =	vst v12  }
0x73: {  	vm6 =	vmor vm7, vm6;
	vm0 =	vmor vm4, vm0;
	v5 =	vor.u32 s29, v0;
	v12 =	vld [tilespmem:s31+$0x20];
	[tilespmem:s17+$0x20] =	vst v1  }
0x74: {  	vm4 =	vgt.f32 v8, $0.0e+00;
	[tilespmem:s25+$0x20] =	vst v5;
	v5 =	vadd.s32 v6, v7;
	v6 =	vmpcnt.ones.xlane vm6  }
0x75: {  	v7 =	vmpcnt.ones.xlane vm0;
	vm0 =	vlt.f32 v8, $0.0e+00;
	v8 =	vor.u32 s30, v0;
	v13 =	vld [tilespmem:s31+$0x30];
	[tilespmem:s17+$0x30] =	vst v1  }
0x76: {  	vm6 =	vgt.f32 v9, $0.0e+00;
	vm0 =	vmor vm4, vm0;
	[tilespmem:s25+$0x30] =	vst v8  }
0x77: {  	vm4 =	vlt.f32 v9, $0.0e+00;
	v8 =	vmpcnt.ones.xlane vm0;
	v5 =	vadd.s32 v5, v6;
	_ =	swait.ge [sflag:s12], $0x1000  }
0x78: {  	vm0 =	vmor vm6, vm4;
	vm4 =	vgt.f32 v10, $0.0e+00;
	vm6 =	vgt.f32 v11, $0.0e+00;
	[sflag:s12] =	ssyncset.done $0x0  }
0x79: {  	s31 =	simm.s32 $0xF0;
	v5 =	vadd.s32 v7, v5;
	v6 =	vmpcnt.ones.xlane vm0;
	vm0 =	vlt.f32 v10, $0.0e+00;
	[sflag:s12] =	ssyncadd.s32 $0xFFFFF000  }
0x7a: {  	v5 =	vadd.s32 v8, v5;
	vm0 =	vmor vm4, vm0;
	vm4 =	vlt.f32 v11, $0.0e+00;
	v8 =	vld [tilespmem:s31+$0x0]  }
0x7b: {  	v5 =	vadd.s32 v6, v5;
	v6 =	vmpcnt.ones.xlane vm0;
	vm0 =	vmor vm6, vm4;
	v9 =	vld [tilespmem:s31+$0xFFFFFFF0]  }
0x7c: {  	vm4 =	vgt.f32 v12, $0.0e+00;
	v7 =	vmpcnt.ones.xlane vm0;
	vm0 =	vlt.f32 v12, $0.0e+00;
	v10 =	vld [tilespmem:s31+$0xFFFFFFE0]  }
0x7d: {  	vm6 =	vgt.f32 v13, $0.0e+00;
	v11 =	vld [tilespmem:s31+$0xFFFFFFD0];
	vm0 =	vmor vm4, vm0;
	vm4 =	vlt.f32 v13, $0.0e+00  }
0x7e: {  	v62 =	vld [tilespmem:s31+$0xFFFFFFB0];
	v5 =	vadd.s32 v6, v5;
	v61 =	vmpcnt.ones.xlane vm0;
	vm0 =	vmor vm6, vm4  }
0x7f: {  	v63 =	vld [tilespmem:s31+$0xFFFFFF90];
	v5 =	vadd.s32 v7, v5;
	v7 =	vmpcnt.ones.xlane vm0  }
0x80: {  	v14 =	vld [tilespmem:s31+$0xFFFFFFA0];
	v5 =	vadd.s32 v61, v5  }
0x81: {  	v6 =	vld [tilespmem:s31+$0xFFFFFFC0];
	v5 =	vadd.s32 v7, v5;
	v7 =	vimm.s32 $0x0  }
0x82: {  	vm6 =	vlt.f32 v8, $0.0e+00;
	vm8 =	vlt.f32 v9, $0.0e+00;
	vm7 =	vgt.f32 v8, $0.0e+00  }
0x83: {  	vm10 =	vlt.f32 v10, $0.0e+00;
	vm11 =	vgt.f32 v10, $0.0e+00;
	vm9 =	vgt.f32 v9, $0.0e+00  }
0x84: {  	vm12 =	vlt.f32 v11, $0.0e+00;
	vm13 =	vgt.f32 v11, $0.0e+00;
	vm0 =	vlt.f32 v63, $0.0e+00  }
0x85: {  	vm4 =	vgt.f32 v63, $0.0e+00;
	vm15 =	vlt.f32 v62, $0.0e+00;
	vm1 =	vgt.f32 v14, $0.0e+00  }
0x86: {  	vm14 =	vlt.f32 v6, $0.0e+00;
	vm0 =	vmor vm4, vm0;
	vm4 =	vlt.f32 v14, $0.0e+00  }
0x87: {  	s22 =	simm.s32 $0x1F0;
	s17 =	simm.s32 $0x0;
	v8 =	vmpcnt.ones.xlane vm0;
	vm4 =	vmor vm1, vm4;
	vm0 =	vgt.f32 v62, $0.0e+00  }
.LBB2_8:
0x88: {  	v9 =	vld [tilespmem:s22+$0x0];
	v10 =	vmpcnt.ones.xlane vm4;
	vm0 =	vmor vm0, vm15;
	vm1 =	vgt.f32 v6, $0.0e+00  }
0x89: {  	v11 =	vld [tilespmem:s22+$0xFFFFFFF0];
	v6 =	vadd.s32 v7, v8;
	v7 =	vmpcnt.ones.xlane vm0;
	vm0 =	vmor vm1, vm14  }
0x8a: {  	v8 =	vld [tilespmem:s22+$0xFFFFFFE0];
	v6 =	vadd.s32 v10, v6;
	v10 =	vmpcnt.ones.xlane vm0;
	vm0 =	vmor vm13, vm12  }
0x8b: {  	v12 =	vld [tilespmem:s22+$0xFFFFFFD0];
	v7 =	vadd.s32 v7, v6;
	v13 =	vmpcnt.ones.xlane vm0;
	vm0 =	vmor vm11, vm10  }
0x8c: {  	v6 =	vld [tilespmem:s22+$0xFFFFFFC0];
	v7 =	vadd.s32 v10, v7;
	v10 =	vmpcnt.ones.xlane vm0;
	vm0 =	vmor vm9, vm8  }
0x8d: {  	v14 =	vld [tilespmem:s22+$0xFFFFFFB0];
	v7 =	vadd.s32 v13, v7;
	v13 =	vmpcnt.ones.xlane vm0;
	vm0 =	vmor vm7, vm6  }
0x8e: {  	s17 =	sadd.s32 $0x8, s17;
	v15 =	vld [tilespmem:s22+$0xFFFFFF90];
	v7 =	vadd.s32 v10, v7;
	v10 =	vmpcnt.ones.xlane vm0  }
0x8f: {  	p0 =	slt.u32 s17, $0xF8;
	vm6 =	vlt.f32 v9, $0.0e+00;
	v16 =	vld [tilespmem:s22+$0xFFFFFFA0];
	v7 =	vadd.s32 v13, v7  }
0x90: {  	vm7 =	vgt.f32 v9, $0.0e+00;
	vm8 =	vlt.f32 v11, $0.0e+00;
	v7 =	vadd.s32 v10, v7  }
.Ltmp5:
0x91: {  	vm9 =	vgt.f32 v11, $0.0e+00;
	vm10 =	vlt.f32 v8, $0.0e+00;
	vm11 =	vgt.f32 v8, $0.0e+00;
	(pc) =	sbr.rel @p0 .LBB2_8-.Ltmp5, $4  }
0x92: {  	vm12 =	vlt.f32 v12, $0.0e+00;
	vm13 =	vgt.f32 v12, $0.0e+00;
	vm14 =	vlt.f32 v6, $0.0e+00  }
0x93: {  	vm15 =	vlt.f32 v14, $0.0e+00;
	vm0 =	vlt.f32 v15, $0.0e+00;
	vm1 =	vgt.f32 v15, $0.0e+00  }
0x94: {  	vm0 =	vmor vm1, vm0;
	vm1 =	vlt.f32 v16, $0.0e+00;
	vm4 =	vgt.f32 v16, $0.0e+00  }
0x95: {  	s22 =	sadd.s32 $0x100, s22;
	v8 =	vmpcnt.ones.xlane vm0;
	vm4 =	vmor vm4, vm1;
	vm0 =	vgt.f32 v14, $0.0e+00  }
0x96: {  	v9 =	vmpcnt.ones.xlane vm4;
	vm0 =	vmor vm0, vm15;
	vm1 =	vgt.f32 v6, $0.0e+00  }
0x97: {  	v6 =	vmpcnt.ones.xlane vm0;
	vm0 =	vmor vm1, vm14;
	v7 =	vadd.s32 v7, v8  }
0x98: {  	v8 =	vmpcnt.ones.xlane vm0;
	vm0 =	vmor vm13, vm12;
	v7 =	vadd.s32 v9, v7  }
0x99: {  	v62 =	vmpcnt.ones.xlane vm0;
	vm0 =	vmor vm11, vm10;
	v6 =	vadd.s32 v6, v7  }
0x9a: {  	v7 =	vmpcnt.ones.xlane vm0;
	vm0 =	vmor vm9, vm8;
	v6 =	vadd.s32 v8, v6  }
0x9b: {  	v8 =	vmpcnt.ones.xlane vm0;
	vm0 =	vmor vm7, vm6;
	v6 =	vadd.s32 v62, v6  }
0x9c: {  	v63 =	vmpcnt.ones.xlane vm0;
	v6 =	vadd.s32 v7, v6  }
0x9d: {  	v6 =	vadd.s32 v8, v6  }
0x9e: {  	vm0 =	vcmask $0x3F08;
	v6 =	vadd.s32 v63, v6  }
0x9f: {  	v6 =	vsel vm0, $0x0, v6  }
0xa0: {  	v5 =	vsel vm5, v5, v6  }
0xa1: {  	[tilespmem:$0x3800] =	vst v5  }
0xa2: {  	[spmem:s9] =	stream.linear.scatter [tilespmem:s13], [sflag:$0x2], $0x80, $0x38;
	[tilespmem:$0x68B0] =	vst v63  }
0xa3: {  	_ =	swait.ge [sflag:s14], $0x80  }
0xa4: {  	[sflag:s14] =	ssyncset.done $0x0  }
0xa5: {  	[sflag:s14] =	ssyncadd.s32 $0xFFFFFF80  }
0xa6: {  	[bflag:$0x0] =	sbarrier.arrive $0xFFFF  }
0xa7: {  	[tilespmem:s15], [sflag:$0x2] =	stream.linear.gather [spmem:s7], $0x800, $0x38;
	[tilespmem:$0x68B0] =	vst v63  }
0xa8: {  	_ =	swait.ge [sflag:s14], $0x800  }
0xa9: {  	[sflag:s14] =	ssyncset.done $0x0  }
0xaa: {  	[sflag:s14] =	ssyncadd.s32 $0xFFFFF800  }
0xab: {  	v5 =	vld.idx.msk [tilespmem:v2+s15+$0x0], $0xffff  }
0xac: {  	v6 =	vld.idx.msk [tilespmem:v3+s15+$0x0], $0xffff;
	_ =	sdelay $0x3  }
0xad: {  	v7 =	vnsel vm3, $0x0, v5  }
0xae: {  	(xrf0) =	vadd.scan.msk.s32 $0xffff, v7;
	v7 =	vnsel vm2, $0x0, v6  }
0xaf: {  	(xrf0) =	vadd.scan.msk.s32 $0xffff, v7;
	v7 =	vld [tilespmem:$0x1FFF0];
	_ =	sdelay $0x4  }
0xb0: {  	vm0 =	vnez.u8 v7  }
0xb1: {  	v7 =	vnsel vm0, $0x0, v5  }
0xb2: {  	(xrf0) =	vadd.scan.msk.s32 $0xffff, v7;
	v7 =	vld [tilespmem:$0x1FFE0];
	_ =	sdelay $0x4  }
0xb3: {  	vm0 =	vnez.u8 v7  }
0xb4: {  	v7 =	vnsel vm0, $0x0, v6  }
0xb5: {  	(xrf0) =	vadd.scan.msk.s32 $0xffff, v7;
	_ =	sdelay $0x2  }
0xb6: {  	v7, _, _ =	vpop (xrf0)  }
0xb7: {  	v8, _, _ =	vpop (xrf0);
	(v2sf) =	vpush v7, $0xF  }
0xb8: {  	v7, _, _ =	vpop (xrf0);
	(v2sf) =	vpush v8, $0xF  }
0xb9: {  	(v2sf) =	vpush v7, $0xF;
	v7, _, _ =	vpop (xrf0)  }
0xba: {  	(v2sf) =	vpush v7, $0xF;
	_ =	sdelay $0xb  }
0xbb: {  	s17 =	spop (v2sf)  }
0xbc: {  	s22 =	spop (v2sf)  }
0xbd: {  	s25 =	spop (v2sf)  }
0xbe: {  	s29 =	spop (v2sf)  }
0xbf: {  	s17 =	sadd.s32 s17, s22;
	s31 =	sadd.s32 s25, s29  }
0xc0: {  	s22 =	sand.u32 $0x7, s17;
	p0 =	sne.s32 s31, $0x1000  }
0xc1: {  	p1 =	sne.s32 @!p0 s22, $0x0  }
0xc2: {  	p0 =	por p0, p1  }
.Ltmp6:
0xc3: {  	_ = 	snop;
	(pc) =	sbr.rel @!p0 .LBB2_10-.Ltmp6, $1  }
0xc4: {  	_ =	sdelay $0x3  }
0xc5: {  	(xrf0) =	vadd.scan.msk.s32 $0xffff, v5  }
0xc6: {  	(xrf0) =	vadd.scan.msk.s32 $0xffff, v6;
	_ =	sdelay $0x4  }
0xc7: {  	v5, _, _ =	vpop (xrf0)  }
0xc8: {  	(v2sf) =	vpush v5, $0xF;
	v5, _, _ =	vpop (xrf0)  }
0xc9: {  	(v2sf) =	vpush v5, $0xF;
	_ =	sdelay $0xb  }
0xca: {  	s29 =	simm.s32 $0x2000;
	s30 =	rddreg [dreg:$0x5];
	s31 =	simm.s32 $0x400  }
0xcb: {  	[tilespmem:s29], [sflag:$0x2] =	stream.strided.gather [hbm4b:s30+s16], $0x1000, s31, s16, $0x38;
	[tilespmem:$0x68B0] =	vst v63  }
0xcc: {  	s22 =	spop (v2sf)  }
0xcd: {  	s25 =	spop (v2sf)  }
0xce: {  	_ =	swait.ge [sflag:s14], $0x1000  }
0xcf: {  	[sflag:s14] =	ssyncset.done $0x0  }
0xd0: {  	[sflag:s14] =	ssyncadd.s32 $0xFFFFF000  }
0xd1: {  	v5 =	vld [tilespmem:s29+$0x0];
	_ =	sdelay $0x4  }
0xd2: {  	vm0 =	vlt.f32 v5, $0.0e+00;
	vm1 =	vgt.f32 v5, $0.0e+00  }
0xd3: {  	vm0 =	vmor vm1, vm0  }
0xd4: {  	v5 =	vsel vm0, $0x1, v4  }
0xd5: {  	(xrf0) =	vadd.scan.msk.s32 $0xffff, v5;
	_ =	sdelay $0x3  }
0xd6: {  	s22 =	sadd.s32 s5, s22  }
0xd7: {  	s22 =	sadd.s32 s25, s22  }
0xd8: {  	s22 =	ssub.s32 s22, s17;
	v6, _, _ =	vpop (xrf0)  }
0xd9: {  	v7 =	vmov s22;
	v5 =	vsub.s32 v6, v5  }
0xda: {  	v6 =	vmov s17;
	v8 =	vsub.s32 v7, v5  }
0xdb: {  	s22 =	simm.s32 $0x0;
	v5 =	vadd.s32 v6, v5;
	v8 =	vadd.s32 v0, v8  }
0xdc: {  	s29 =	sand.u32 $0xFF0, s22;
	v5 =	vsel vm0, v5, v8  }
0xdd: {  	v9 =	vmpcnt.ones.xlane vm0;
	s17 =	simm.s32 $0x4880;
	v8 =	vor.u32 s22, v0;
	[tilespmem:s29+$0x5880] =	vst v5;
	v5 =	vnsel vm0, $0x0, v1  }
0xde: {  	s22 =	simm.s32 $0x3880;
	[tilespmem:s17+$0x0] =	vst v5;
	v5 =	vnsel vm0, $0x0, v8  }
0xdf: {  	s30 =	simm.s32 $0x2010;
	v7 =	vsub.s32 v7, v9;
	[tilespmem:s22+$0x0] =	vst v5  }
0xe0: {  	v6 =	vadd.s32 v6, v9;
	v9 =	vld [tilespmem:s30+$0x0]  }
0xe1: {  	v8 =	vadd.s32 $0x10, v7  }
0xe2: {  	s31 =	simm.s32 $0x20;
	s25 =	simm.s32 $0x10;
	v7 =	vmov v6;
	v5 =	vmov v8  }
.LBB2_12:
0xe3: {  	p0 =	sne.s32 s31, $0xFF0;
	_ =	sdelay $0x1  }
0xe4: {  	vm0 =	vlt.f32 v9, $0.0e+00;
	vm1 =	vgt.f32 v9, $0.0e+00  }
0xe5: {  	vm6 =	vmor vm1, vm0  }
0xe6: {  	v9 =	vsel vm6, $0x1, v4;
	v10 =	vmpcnt.ones.xlane vm6  }
0xe7: {  	(xrf0) =	vadd.scan.msk.s32 $0xffff, v9  }
0xe8: {  	v6 =	vadd.s32 v6, v10;
	v8 =	vsub.s32 v8, v10  }
0xe9: {  	v8 =	vadd.s32 $0x10, v8;
	_ =	sdelay $0x3  }
0xea: {  	v10, _, _ =	vpop (xrf0)  }
0xeb: {  	v9 =	vsub.s32 v10, v9  }
0xec: {  	v10 =	vsub.s32 v5, v9;
	v5 =	vmov v8  }
0xed: {  	v9 =	vadd.s32 v7, v9;
	v7 =	vmov v6;
	v10 =	vadd.s32 v0, v10  }
0xee: {  	s29 =	sand.u32 $0xFF0, s25;
	v9 =	vsel vm6, v9, v10  }
0xef: {  	s17 =	sadd.s32 $0x10, s17;
	v10 =	vor.u32 s25, v0;
	s25 =	smov.u32 s31;
	[tilespmem:s29+$0x5880] =	vst v9;
	v9 =	vnsel vm6, $0x0, v1  }
.Ltmp7:
0xf0: {  	s22 =	sadd.s32 $0x10, s22;
	[tilespmem:s17+$0x0] =	vst v9;
	v9 =	vnsel vm6, $0x0, v10;
	(pc) =	sbr.rel @p0 .LBB2_12-.Ltmp7, $3  }
0xf1: {  	s30 =	sadd.s32 $0x10, s30;
	[tilespmem:s22+$0x0] =	vst v9  }
0xf2: {  	v9 =	vld [tilespmem:s30+$0x0];
	_ =	sdelay $0x1  }
0xf3: {  	s31 =	sadd.s32 $0x10, s31  }
0xf4: {  	_ =	sdelay $0x1  }
0xf5: {  	vm0 =	vlt.f32 v9, $0.0e+00;
	vm1 =	vgt.f32 v9, $0.0e+00  }
0xf6: {  	vm0 =	vmor vm1, vm0  }
0xf7: {  	v6 =	vsel vm0, $0x1, v4  }
0xf8: {  	(xrf0) =	vadd.scan.msk.s32 $0xffff, v6;
	_ =	sdelay $0x5  }
0xf9: {  	v8, _, _ =	vpop (xrf0)  }
0xfa: {  	v6 =	vsub.s32 v8, v6  }
0xfb: {  	v5 =	vsub.s32 v5, v6  }
0xfc: {  	v6 =	vadd.s32 v7, v6;
	v5 =	vadd.s32 v0, v5  }
0xfd: {  	s29 =	sand.u32 $0xFF0, s25;
	v5 =	vsel vm0, v6, v5  }
0xfe: {  	s17 =	sadd.s32 $0x10, s17;
	v6 =	vnsel vm0, $0x0, v1;
	[tilespmem:s29+$0x5880] =	vst v5;
	v5 =	vor.u32 s25, v0  }
0xff: {  	s25 =	sadd.s32 $0x10, s22;
	[tilespmem:s17+$0x0] =	vst v6;
	v5 =	vnsel vm0, $0x0, v5  }
0x100: {  	s29 =	simm.s32 $0x5880;
	[tilespmem:s25+$0x0] =	vst v5  }
0x101: {  	[hbm4b:s1+s16] =	stream.indirect.scatter [tilespmem:s19], [sflag:$0x1], $0x1, s29, s16, $0xb8;
	[tilespmem:$0x68B0] =	vst v63  }
0x102: {  	_ = 	snop  }
0x103: {  	[hbm4b:s2+s16] =	stream.indirect.scatter [tilespmem:s20], [sflag:$0x1], $0x1, s29, s16, $0xb8;
	[tilespmem:$0x68B0] =	vst v63  }
0x104: {  	s30 =	simm.s32 $0x5900;
	s31 =	simm.s32 $0x4900  }
0x105: {  	[hbm4b:s1+s16] =	stream.indirect.scatter [tilespmem:s31], [sflag:$0x1], $0x1, s30, s16, $0xb8;
	[tilespmem:$0x68B0] =	vst v63  }
0x106: {  	s25 =	simm.s32 $0x3900  }
0x107: {  	[hbm4b:s2+s16] =	stream.indirect.scatter [tilespmem:s25], [sflag:$0x1], $0x1, s30, s16, $0xb8;
	[tilespmem:$0x68B0] =	vst v63  }
0x108: {  	s29 =	simm.s32 $0x5980;
	s30 =	simm.s32 $0x4980  }
0x109: {  	[hbm4b:s1+s16] =	stream.indirect.scatter [tilespmem:s30], [sflag:$0x1], $0x1, s29, s16, $0xb8;
	[tilespmem:$0x68B0] =	vst v63  }
0x10a: {  	s31 =	simm.s32 $0x3980  }
0x10b: {  	[hbm4b:s2+s16] =	stream.indirect.scatter [tilespmem:s31], [sflag:$0x1], $0x1, s29, s16, $0xb8;
	[tilespmem:$0x68B0] =	vst v63  }
0x10c: {  	s25 =	simm.s32 $0x5A00;
	s29 =	simm.s32 $0x4A00  }
0x10d: {  	[hbm4b:s1+s16] =	stream.indirect.scatter [tilespmem:s29], [sflag:$0x1], $0x1, s25, s16, $0xb8;
	[tilespmem:$0x68B0] =	vst v63  }
0x10e: {  	s30 =	simm.s32 $0x3A00  }
0x10f: {  	[hbm4b:s2+s16] =	stream.indirect.scatter [tilespmem:s30], [sflag:$0x1], $0x1, s25, s16, $0xb8;
	[tilespmem:$0x68B0] =	vst v63  }
0x110: {  	s31 =	simm.s32 $0x5A80;
	s25 =	simm.s32 $0x4A80  }
0x111: {  	[hbm4b:s1+s16] =	stream.indirect.scatter [tilespmem:s25], [sflag:$0x1], $0x1, s31, s16, $0xb8;
	[tilespmem:$0x68B0] =	vst v63  }
0x112: {  	s29 =	simm.s32 $0x3A80  }
0x113: {  	[hbm4b:s2+s16] =	stream.indirect.scatter [tilespmem:s29], [sflag:$0x1], $0x1, s31, s16, $0xb8;
	[tilespmem:$0x68B0] =	vst v63  }
0x114: {  	s30 =	simm.s32 $0x5B00;
	s31 =	simm.s32 $0x4B00  }
0x115: {  	[hbm4b:s1+s16] =	stream.indirect.scatter [tilespmem:s31], [sflag:$0x1], $0x1, s30, s16, $0xb8;
	[tilespmem:$0x68B0] =	vst v63  }
0x116: {  	s25 =	simm.s32 $0x3B00  }
0x117: {  	[hbm4b:s2+s16] =	stream.indirect.scatter [tilespmem:s25], [sflag:$0x1], $0x1, s30, s16, $0xb8;
	[tilespmem:$0x68B0] =	vst v63  }
0x118: {  	s29 =	simm.s32 $0x5B80;
	s30 =	simm.s32 $0x4B80  }
0x119: {  	[hbm4b:s1+s16] =	stream.indirect.scatter [tilespmem:s30], [sflag:$0x1], $0x1, s29, s16, $0xb8;
	[tilespmem:$0x68B0] =	vst v63  }
0x11a: {  	s31 =	simm.s32 $0x3B80  }
0x11b: {  	[hbm4b:s2+s16] =	stream.indirect.scatter [tilespmem:s31], [sflag:$0x1], $0x1, s29, s16, $0xb8;
	[tilespmem:$0x68B0] =	vst v63  }
0x11c: {  	s25 =	simm.s32 $0x5C00;
	s29 =	simm.s32 $0x4C00  }
0x11d: {  	[hbm4b:s1+s16] =	stream.indirect.scatter [tilespmem:s29], [sflag:$0x1], $0x1, s25, s16, $0xb8;
	[tilespmem:$0x68B0] =	vst v63  }
0x11e: {  	s30 =	simm.s32 $0x3C00  }
0x11f: {  	[hbm4b:s2+s16] =	stream.indirect.scatter [tilespmem:s30], [sflag:$0x1], $0x1, s25, s16, $0xb8;
	[tilespmem:$0x68B0] =	vst v63  }
0x120: {  	s31 =	simm.s32 $0x5C80;
	s25 =	simm.s32 $0x4C80  }
0x121: {  	[hbm4b:s1+s16] =	stream.indirect.scatter [tilespmem:s25], [sflag:$0x1], $0x1, s31, s16, $0xb8;
	[tilespmem:$0x68B0] =	vst v63  }
0x122: {  	s29 =	simm.s32 $0x3C80  }
0x123: {  	[hbm4b:s2+s16] =	stream.indirect.scatter [tilespmem:s29], [sflag:$0x1], $0x1, s31, s16, $0xb8;
	[tilespmem:$0x68B0] =	vst v63  }
0x124: {  	s30 =	simm.s32 $0x5D00;
	s31 =	simm.s32 $0x4D00  }
0x125: {  	[hbm4b:s1+s16] =	stream.indirect.scatter [tilespmem:s31], [sflag:$0x1], $0x1, s30, s16, $0xb8;
	[tilespmem:$0x68B0] =	vst v63  }
0x126: {  	s25 =	simm.s32 $0x3D00  }
0x127: {  	[hbm4b:s2+s16] =	stream.indirect.scatter [tilespmem:s25], [sflag:$0x1], $0x1, s30, s16, $0xb8;
	[tilespmem:$0x68B0] =	vst v63  }
0x128: {  	s29 =	simm.s32 $0x5D80;
	s30 =	simm.s32 $0x4D80  }
0x129: {  	[hbm4b:s1+s16] =	stream.indirect.scatter [tilespmem:s30], [sflag:$0x1], $0x1, s29, s16, $0xb8;
	[tilespmem:$0x68B0] =	vst v63  }
0x12a: {  	s31 =	simm.s32 $0x3D80  }
0x12b: {  	[hbm4b:s2+s16] =	stream.indirect.scatter [tilespmem:s31], [sflag:$0x1], $0x1, s29, s16, $0xb8;
	[tilespmem:$0x68B0] =	vst v63  }
0x12c: {  	s25 =	simm.s32 $0x5E00;
	s29 =	simm.s32 $0x4E00  }
0x12d: {  	[hbm4b:s1+s16] =	stream.indirect.scatter [tilespmem:s29], [sflag:$0x1], $0x1, s25, s16, $0xb8;
	[tilespmem:$0x68B0] =	vst v63  }
0x12e: {  	s30 =	simm.s32 $0x3E00  }
0x12f: {  	[hbm4b:s2+s16] =	stream.indirect.scatter [tilespmem:s30], [sflag:$0x1], $0x1, s25, s16, $0xb8;
	[tilespmem:$0x68B0] =	vst v63  }
0x130: {  	s31 =	simm.s32 $0x5E80;
	s25 =	simm.s32 $0x4E80  }
0x131: {  	[hbm4b:s1+s16] =	stream.indirect.scatter [tilespmem:s25], [sflag:$0x1], $0x1, s31, s16, $0xb8;
	[tilespmem:$0x68B0] =	vst v63  }
0x132: {  	s29 =	simm.s32 $0x3E80  }
0x133: {  	[hbm4b:s2+s16] =	stream.indirect.scatter [tilespmem:s29], [sflag:$0x1], $0x1, s31, s16, $0xb8;
	[tilespmem:$0x68B0] =	vst v63  }
0x134: {  	s30 =	simm.s32 $0x5F00;
	s31 =	simm.s32 $0x4F00  }
0x135: {  	[hbm4b:s1+s16] =	stream.indirect.scatter [tilespmem:s31], [sflag:$0x1], $0x1, s30, s16, $0xb8;
	[tilespmem:$0x68B0] =	vst v63  }
0x136: {  	s25 =	simm.s32 $0x3F00  }
0x137: {  	[hbm4b:s2+s16] =	stream.indirect.scatter [tilespmem:s25], [sflag:$0x1], $0x1, s30, s16, $0xb8;
	[tilespmem:$0x68B0] =	vst v63  }
0x138: {  	s29 =	simm.s32 $0x5F80;
	s30 =	simm.s32 $0x4F80  }
0x139: {  	[hbm4b:s1+s16] =	stream.indirect.scatter [tilespmem:s30], [sflag:$0x1], $0x1, s29, s16, $0xb8;
	[tilespmem:$0x68B0] =	vst v63  }
0x13a: {  	s31 =	simm.s32 $0x3F80  }
0x13b: {  	[hbm4b:s2+s16] =	stream.indirect.scatter [tilespmem:s31], [sflag:$0x1], $0x1, s29, s16, $0xb8;
	[tilespmem:$0x68B0] =	vst v63  }
0x13c: {  	s25 =	simm.s32 $0x6000;
	s29 =	simm.s32 $0x5000  }
0x13d: {  	[hbm4b:s1+s16] =	stream.indirect.scatter [tilespmem:s29], [sflag:$0x1], $0x1, s25, s16, $0xb8;
	[tilespmem:$0x68B0] =	vst v63  }
0x13e: {  	s30 =	simm.s32 $0x4000  }
0x13f: {  	[hbm4b:s2+s16] =	stream.indirect.scatter [tilespmem:s30], [sflag:$0x1], $0x1, s25, s16, $0xb8;
	[tilespmem:$0x68B0] =	vst v63  }
0x140: {  	s31 =	simm.s32 $0x6080;
	s25 =	simm.s32 $0x5080  }
0x141: {  	[hbm4b:s1+s16] =	stream.indirect.scatter [tilespmem:s25], [sflag:$0x1], $0x1, s31, s16, $0xb8;
	[tilespmem:$0x68B0] =	vst v63  }
0x142: {  	s29 =	simm.s32 $0x4080  }
0x143: {  	[hbm4b:s2+s16] =	stream.indirect.scatter [tilespmem:s29], [sflag:$0x1], $0x1, s31, s16, $0xb8;
	[tilespmem:$0x68B0] =	vst v63  }
0x144: {  	s30 =	simm.s32 $0x6100;
	s31 =	simm.s32 $0x5100  }
0x145: {  	[hbm4b:s1+s16] =	stream.indirect.scatter [tilespmem:s31], [sflag:$0x1], $0x1, s30, s16, $0xb8;
	[tilespmem:$0x68B0] =	vst v63  }
0x146: {  	s25 =	simm.s32 $0x4100  }
0x147: {  	[hbm4b:s2+s16] =	stream.indirect.scatter [tilespmem:s25], [sflag:$0x1], $0x1, s30, s16, $0xb8;
	[tilespmem:$0x68B0] =	vst v63  }
0x148: {  	s29 =	simm.s32 $0x6180;
	s30 =	simm.s32 $0x5180  }
0x149: {  	[hbm4b:s1+s16] =	stream.indirect.scatter [tilespmem:s30], [sflag:$0x1], $0x1, s29, s16, $0xb8;
	[tilespmem:$0x68B0] =	vst v63  }
0x14a: {  	s31 =	simm.s32 $0x4180  }
0x14b: {  	[hbm4b:s2+s16] =	stream.indirect.scatter [tilespmem:s31], [sflag:$0x1], $0x1, s29, s16, $0xb8;
	[tilespmem:$0x68B0] =	vst v63  }
0x14c: {  	s25 =	simm.s32 $0x6200;
	s29 =	simm.s32 $0x5200  }
0x14d: {  	[hbm4b:s1+s16] =	stream.indirect.scatter [tilespmem:s29], [sflag:$0x1], $0x1, s25, s16, $0xb8;
	[tilespmem:$0x68B0] =	vst v63  }
0x14e: {  	s30 =	simm.s32 $0x4200  }
0x14f: {  	[hbm4b:s2+s16] =	stream.indirect.scatter [tilespmem:s30], [sflag:$0x1], $0x1, s25, s16, $0xb8;
	[tilespmem:$0x68B0] =	vst v63  }
0x150: {  	s31 =	simm.s32 $0x6280;
	s25 =	simm.s32 $0x5280  }
0x151: {  	[hbm4b:s1+s16] =	stream.indirect.scatter [tilespmem:s25], [sflag:$0x1], $0x1, s31, s16, $0xb8;
	[tilespmem:$0x68B0] =	vst v63  }
0x152: {  	s29 =	simm.s32 $0x4280  }
0x153: {  	[hbm4b:s2+s16] =	stream.indirect.scatter [tilespmem:s29], [sflag:$0x1], $0x1, s31, s16, $0xb8;
	[tilespmem:$0x68B0] =	vst v63  }
0x154: {  	s30 =	simm.s32 $0x6300;
	s31 =	simm.s32 $0x5300  }
0x155: {  	[hbm4b:s1+s16] =	stream.indirect.scatter [tilespmem:s31], [sflag:$0x1], $0x1, s30, s16, $0xb8;
	[tilespmem:$0x68B0] =	vst v63  }
0x156: {  	s25 =	simm.s32 $0x4300  }
0x157: {  	[hbm4b:s2+s16] =	stream.indirect.scatter [tilespmem:s25], [sflag:$0x1], $0x1, s30, s16, $0xb8;
	[tilespmem:$0x68B0] =	vst v63  }
0x158: {  	s29 =	simm.s32 $0x6380;
	s30 =	simm.s32 $0x5380  }
0x159: {  	[hbm4b:s1+s16] =	stream.indirect.scatter [tilespmem:s30], [sflag:$0x1], $0x1, s29, s16, $0xb8;
	[tilespmem:$0x68B0] =	vst v63  }
0x15a: {  	s31 =	simm.s32 $0x4380  }
0x15b: {  	[hbm4b:s2+s16] =	stream.indirect.scatter [tilespmem:s31], [sflag:$0x1], $0x1, s29, s16, $0xb8;
	[tilespmem:$0x68B0] =	vst v63  }
0x15c: {  	s25 =	simm.s32 $0x6400;
	s29 =	simm.s32 $0x5400  }
0x15d: {  	[hbm4b:s1+s16] =	stream.indirect.scatter [tilespmem:s29], [sflag:$0x1], $0x1, s25, s16, $0xb8;
	[tilespmem:$0x68B0] =	vst v63  }
0x15e: {  	s30 =	simm.s32 $0x4400  }
0x15f: {  	[hbm4b:s2+s16] =	stream.indirect.scatter [tilespmem:s30], [sflag:$0x1], $0x1, s25, s16, $0xb8;
	[tilespmem:$0x68B0] =	vst v63  }
0x160: {  	s31 =	simm.s32 $0x5480  }
0x161: {  	[hbm4b:s1+s16] =	stream.indirect.scatter [tilespmem:s31], [sflag:$0x1], $0x1, s23, s16, $0xb8;
	[tilespmem:$0x68B0] =	vst v63  }
0x162: {  	s22 =	simm.s32 $0x4480  }
0x163: {  	[hbm4b:s2+s16] =	stream.indirect.scatter [tilespmem:s22], [sflag:$0x1], $0x1, s23, s16, $0xb8;
	[tilespmem:$0x68B0] =	vst v63  }
0x164: {  	s25 =	simm.s32 $0x5500  }
0x165: {  	[hbm4b:s1+s16] =	stream.indirect.scatter [tilespmem:s25], [sflag:$0x1], $0x1, s4, s16, $0xb8;
	[tilespmem:$0x68B0] =	vst v63  }
0x166: {  	s29 =	simm.s32 $0x4500  }
0x167: {  	[hbm4b:s2+s16] =	stream.indirect.scatter [tilespmem:s29], [sflag:$0x1], $0x1, s4, s16, $0xb8;
	[tilespmem:$0x68B0] =	vst v63  }
0x168: {  	s30 =	simm.s32 $0x5580  }
0x169: {  	[hbm4b:s1+s16] =	stream.indirect.scatter [tilespmem:s30], [sflag:$0x1], $0x1, s26, s16, $0xb8;
	[tilespmem:$0x68B0] =	vst v63  }
0x16a: {  	s31 =	simm.s32 $0x4580  }
0x16b: {  	[hbm4b:s2+s16] =	stream.indirect.scatter [tilespmem:s31], [sflag:$0x1], $0x1, s26, s16, $0xb8;
	[tilespmem:$0x68B0] =	vst v63  }
0x16c: {  	s22 =	simm.s32 $0x5600  }
0x16d: {  	[hbm4b:s1+s16] =	stream.indirect.scatter [tilespmem:s22], [sflag:$0x1], $0x1, s10, s16, $0xb8;
	[tilespmem:$0x68B0] =	vst v63  }
0x16e: {  	s25 =	simm.s32 $0x4600  }
0x16f: {  	[hbm4b:s2+s16] =	stream.indirect.scatter [tilespmem:s25], [sflag:$0x1], $0x1, s10, s16, $0xb8;
	[tilespmem:$0x68B0] =	vst v63  }
0x170: {  	s29 =	simm.s32 $0x5680  }
0x171: {  	[hbm4b:s1+s16] =	stream.indirect.scatter [tilespmem:s29], [sflag:$0x1], $0x1, s0, s16, $0xb8;
	[tilespmem:$0x68B0] =	vst v63  }
0x172: {  	s30 =	simm.s32 $0x4680  }
0x173: {  	[hbm4b:s2+s16] =	stream.indirect.scatter [tilespmem:s30], [sflag:$0x1], $0x1, s0, s16, $0xb8;
	[tilespmem:$0x68B0] =	vst v63  }
0x174: {  	s31 =	simm.s32 $0x5700  }
0x175: {  	[hbm4b:s1+s16] =	stream.indirect.scatter [tilespmem:s31], [sflag:$0x1], $0x1, s18, s16, $0xb8;
	[tilespmem:$0x68B0] =	vst v63  }
0x176: {  	s22 =	simm.s32 $0x4700  }
0x177: {  	[hbm4b:s2+s16] =	stream.indirect.scatter [tilespmem:s22], [sflag:$0x1], $0x1, s18, s16, $0xb8;
	[tilespmem:$0x68B0] =	vst v63  }
0x178: {  	s25 =	simm.s32 $0x5780  }
0x179: {  	[hbm4b:s1+s16] =	stream.indirect.scatter [tilespmem:s25], [sflag:$0x1], $0x1, s21, s16, $0xb8;
	[tilespmem:$0x68B0] =	vst v63  }
0x17a: {  	s29 =	simm.s32 $0x4780  }
0x17b: {  	[hbm4b:s2+s16] =	stream.indirect.scatter [tilespmem:s29], [sflag:$0x1], $0x1, s21, s16, $0xb8;
	[tilespmem:$0x68B0] =	vst v63  }
0x17c: {  	s30 =	simm.s32 $0x5800  }
0x17d: {  	[hbm4b:s1+s16] =	stream.indirect.scatter [tilespmem:s30], [sflag:$0x1], $0x1, s24, s16, $0xb8;
	[tilespmem:$0x68B0] =	vst v63  }
0x17e: {  	s31 =	simm.s32 $0x4800  }
0x17f: {  	[hbm4b:s2+s16] =	stream.indirect.scatter [tilespmem:s31], [sflag:$0x1], $0x1, s24, s16, $0xb8;
	[tilespmem:$0x68B0] =	vst v63  }
0x180: {  	_ =	swait.ge [sflag:s12], $0x80  }
0x181: {  	[sflag:s12] =	ssyncset.done $0x0  }
0x182: {  	[sflag:s12] =	ssyncadd.s32 $0xFFFFFF80  }
0x183: {  	_ =	swait.ge [sflag:s12], $0x80  }
0x184: {  	[sflag:s12] =	ssyncset.done $0x0  }
0x185: {  	[sflag:s12] =	ssyncadd.s32 $0xFFFFFF80  }
0x186: {  	_ =	swait.ge [sflag:s12], $0x80  }
0x187: {  	[sflag:s12] =	ssyncset.done $0x0  }
0x188: {  	[sflag:s12] =	ssyncadd.s32 $0xFFFFFF80  }
0x189: {  	_ =	swait.ge [sflag:s12], $0x80  }
0x18a: {  	[sflag:s12] =	ssyncset.done $0x0  }
0x18b: {  	[sflag:s12] =	ssyncadd.s32 $0xFFFFFF80  }
0x18c: {  	_ =	swait.ge [sflag:s12], $0x80  }
0x18d: {  	[sflag:s12] =	ssyncset.done $0x0  }
0x18e: {  	[sflag:s12] =	ssyncadd.s32 $0xFFFFFF80  }
0x18f: {  	_ =	swait.ge [sflag:s12], $0x80  }
0x190: {  	[sflag:s12] =	ssyncset.done $0x0  }
0x191: {  	[sflag:s12] =	ssyncadd.s32 $0xFFFFFF80  }
0x192: {  	_ =	swait.ge [sflag:s12], $0x80  }
0x193: {  	[sflag:s12] =	ssyncset.done $0x0  }
0x194: {  	[sflag:s12] =	ssyncadd.s32 $0xFFFFFF80  }
0x195: {  	_ =	swait.ge [sflag:s12], $0x80  }
0x196: {  	[sflag:s12] =	ssyncset.done $0x0  }
0x197: {  	[sflag:s12] =	ssyncadd.s32 $0xFFFFFF80  }
0x198: {  	_ =	swait.ge [sflag:s12], $0x80  }
0x199: {  	[sflag:s12] =	ssyncset.done $0x0  }
0x19a: {  	[sflag:s12] =	ssyncadd.s32 $0xFFFFFF80  }
0x19b: {  	_ =	swait.ge [sflag:s12], $0x80  }
0x19c: {  	[sflag:s12] =	ssyncset.done $0x0  }
0x19d: {  	[sflag:s12] =	ssyncadd.s32 $0xFFFFFF80  }
0x19e: {  	_ =	swait.ge [sflag:s12], $0x80  }
0x19f: {  	[sflag:s12] =	ssyncset.done $0x0  }
0x1a0: {  	[sflag:s12] =	ssyncadd.s32 $0xFFFFFF80  }
0x1a1: {  	_ =	swait.ge [sflag:s12], $0x80  }
0x1a2: {  	[sflag:s12] =	ssyncset.done $0x0  }
0x1a3: {  	[sflag:s12] =	ssyncadd.s32 $0xFFFFFF80  }
0x1a4: {  	_ =	swait.ge [sflag:s12], $0x80  }
0x1a5: {  	[sflag:s12] =	ssyncset.done $0x0  }
0x1a6: {  	[sflag:s12] =	ssyncadd.s32 $0xFFFFFF80  }
0x1a7: {  	_ =	swait.ge [sflag:s12], $0x80  }
0x1a8: {  	[sflag:s12] =	ssyncset.done $0x0  }
0x1a9: {  	[sflag:s12] =	ssyncadd.s32 $0xFFFFFF80  }
0x1aa: {  	_ =	swait.ge [sflag:s12], $0x80  }
0x1ab: {  	[sflag:s12] =	ssyncset.done $0x0  }
0x1ac: {  	[sflag:s12] =	ssyncadd.s32 $0xFFFFFF80  }
0x1ad: {  	_ =	swait.ge [sflag:s12], $0x80  }
0x1ae: {  	[sflag:s12] =	ssyncset.done $0x0  }
0x1af: {  	[sflag:s12] =	ssyncadd.s32 $0xFFFFFF80  }
0x1b0: {  	_ =	swait.ge [sflag:s12], $0x80  }
0x1b1: {  	[sflag:s12] =	ssyncset.done $0x0  }
0x1b2: {  	[sflag:s12] =	ssyncadd.s32 $0xFFFFFF80  }
0x1b3: {  	_ =	swait.ge [sflag:s12], $0x80  }
0x1b4: {  	[sflag:s12] =	ssyncset.done $0x0  }
0x1b5: {  	[sflag:s12] =	ssyncadd.s32 $0xFFFFFF80  }
0x1b6: {  	_ =	swait.ge [sflag:s12], $0x80  }
0x1b7: {  	[sflag:s12] =	ssyncset.done $0x0  }
0x1b8: {  	[sflag:s12] =	ssyncadd.s32 $0xFFFFFF80  }
0x1b9: {  	_ =	swait.ge [sflag:s12], $0x80  }
0x1ba: {  	[sflag:s12] =	ssyncset.done $0x0  }
0x1bb: {  	[sflag:s12] =	ssyncadd.s32 $0xFFFFFF80  }
0x1bc: {  	_ =	swait.ge [sflag:s12], $0x80  }
0x1bd: {  	[sflag:s12] =	ssyncset.done $0x0  }
0x1be: {  	[sflag:s12] =	ssyncadd.s32 $0xFFFFFF80  }
0x1bf: {  	_ =	swait.ge [sflag:s12], $0x80  }
0x1c0: {  	[sflag:s12] =	ssyncset.done $0x0  }
0x1c1: {  	[sflag:s12] =	ssyncadd.s32 $0xFFFFFF80  }
0x1c2: {  	_ =	swait.ge [sflag:s12], $0x80  }
0x1c3: {  	[sflag:s12] =	ssyncset.done $0x0  }
0x1c4: {  	[sflag:s12] =	ssyncadd.s32 $0xFFFFFF80  }
0x1c5: {  	_ =	swait.ge [sflag:s12], $0x80  }
0x1c6: {  	[sflag:s12] =	ssyncset.done $0x0  }
0x1c7: {  	[sflag:s12] =	ssyncadd.s32 $0xFFFFFF80  }
0x1c8: {  	_ =	swait.ge [sflag:s12], $0x80  }
0x1c9: {  	[sflag:s12] =	ssyncset.done $0x0  }
0x1ca: {  	[sflag:s12] =	ssyncadd.s32 $0xFFFFFF80  }
0x1cb: {  	_ =	swait.ge [sflag:s12], $0x80  }
0x1cc: {  	[sflag:s12] =	ssyncset.done $0x0  }
0x1cd: {  	[sflag:s12] =	ssyncadd.s32 $0xFFFFFF80  }
0x1ce: {  	_ =	swait.ge [sflag:s12], $0x80  }
0x1cf: {  	[sflag:s12] =	ssyncset.done $0x0  }
0x1d0: {  	[sflag:s12] =	ssyncadd.s32 $0xFFFFFF80  }
0x1d1: {  	_ =	swait.ge [sflag:s12], $0x80  }
0x1d2: {  	[sflag:s12] =	ssyncset.done $0x0  }
0x1d3: {  	[sflag:s12] =	ssyncadd.s32 $0xFFFFFF80  }
0x1d4: {  	_ =	swait.ge [sflag:s12], $0x80  }
0x1d5: {  	[sflag:s12] =	ssyncset.done $0x0  }
0x1d6: {  	[sflag:s12] =	ssyncadd.s32 $0xFFFFFF80  }
0x1d7: {  	_ =	swait.ge [sflag:s12], $0x80  }
0x1d8: {  	[sflag:s12] =	ssyncset.done $0x0  }
0x1d9: {  	[sflag:s12] =	ssyncadd.s32 $0xFFFFFF80  }
0x1da: {  	_ =	swait.ge [sflag:s12], $0x80  }
0x1db: {  	[sflag:s12] =	ssyncset.done $0x0  }
0x1dc: {  	[sflag:s12] =	ssyncadd.s32 $0xFFFFFF80  }
0x1dd: {  	_ =	swait.ge [sflag:s12], $0x80  }
0x1de: {  	[sflag:s12] =	ssyncset.done $0x0  }
0x1df: {  	[sflag:s12] =	ssyncadd.s32 $0xFFFFFF80  }
0x1e0: {  	_ =	swait.ge [sflag:s12], $0x80  }
0x1e1: {  	[sflag:s12] =	ssyncset.done $0x0  }
0x1e2: {  	[sflag:s12] =	ssyncadd.s32 $0xFFFFFF80  }
0x1e3: {  	_ =	swait.ge [sflag:s12], $0x80  }
0x1e4: {  	[sflag:s12] =	ssyncset.done $0x0  }
0x1e5: {  	[sflag:s12] =	ssyncadd.s32 $0xFFFFFF80  }
0x1e6: {  	_ =	swait.ge [sflag:s12], $0x80  }
0x1e7: {  	[sflag:s12] =	ssyncset.done $0x0  }
0x1e8: {  	[sflag:s12] =	ssyncadd.s32 $0xFFFFFF80  }
0x1e9: {  	_ =	swait.ge [sflag:s12], $0x80  }
0x1ea: {  	[sflag:s12] =	ssyncset.done $0x0  }
0x1eb: {  	[sflag:s12] =	ssyncadd.s32 $0xFFFFFF80  }
0x1ec: {  	_ =	swait.ge [sflag:s12], $0x80  }
0x1ed: {  	[sflag:s12] =	ssyncset.done $0x0  }
0x1ee: {  	[sflag:s12] =	ssyncadd.s32 $0xFFFFFF80  }
0x1ef: {  	_ =	swait.ge [sflag:s12], $0x80  }
0x1f0: {  	[sflag:s12] =	ssyncset.done $0x0  }
0x1f1: {  	[sflag:s12] =	ssyncadd.s32 $0xFFFFFF80  }
0x1f2: {  	_ =	swait.ge [sflag:s12], $0x80  }
0x1f3: {  	[sflag:s12] =	ssyncset.done $0x0  }
0x1f4: {  	[sflag:s12] =	ssyncadd.s32 $0xFFFFFF80  }
0x1f5: {  	_ =	swait.ge [sflag:s12], $0x80  }
0x1f6: {  	[sflag:s12] =	ssyncset.done $0x0  }
0x1f7: {  	[sflag:s12] =	ssyncadd.s32 $0xFFFFFF80  }
0x1f8: {  	_ =	swait.ge [sflag:s12], $0x80  }
0x1f9: {  	[sflag:s12] =	ssyncset.done $0x0  }
0x1fa: {  	[sflag:s12] =	ssyncadd.s32 $0xFFFFFF80  }
0x1fb: {  	_ =	swait.ge [sflag:s12], $0x80  }
0x1fc: {  	[sflag:s12] =	ssyncset.done $0x0  }
0x1fd: {  	[sflag:s12] =	ssyncadd.s32 $0xFFFFFF80  }
0x1fe: {  	_ =	swait.ge [sflag:s12], $0x80  }
0x1ff: {  	[sflag:s12] =	ssyncset.done $0x0  }
0x200: {  	[sflag:s12] =	ssyncadd.s32 $0xFFFFFF80  }
0x201: {  	_ =	swait.ge [sflag:s12], $0x80  }
0x202: {  	[sflag:s12] =	ssyncset.done $0x0  }
0x203: {  	[sflag:s12] =	ssyncadd.s32 $0xFFFFFF80  }
0x204: {  	_ =	swait.ge [sflag:s12], $0x80  }
0x205: {  	[sflag:s12] =	ssyncset.done $0x0  }
0x206: {  	[sflag:s12] =	ssyncadd.s32 $0xFFFFFF80  }
0x207: {  	_ =	swait.ge [sflag:s12], $0x80  }
0x208: {  	[sflag:s12] =	ssyncset.done $0x0  }
0x209: {  	[sflag:s12] =	ssyncadd.s32 $0xFFFFFF80  }
0x20a: {  	_ =	swait.ge [sflag:s12], $0x80  }
0x20b: {  	[sflag:s12] =	ssyncset.done $0x0  }
0x20c: {  	[sflag:s12] =	ssyncadd.s32 $0xFFFFFF80  }
0x20d: {  	_ =	swait.ge [sflag:s12], $0x80  }
0x20e: {  	[sflag:s12] =	ssyncset.done $0x0  }
0x20f: {  	[sflag:s12] =	ssyncadd.s32 $0xFFFFFF80  }
0x210: {  	_ =	swait.ge [sflag:s12], $0x80  }
0x211: {  	[sflag:s12] =	ssyncset.done $0x0  }
0x212: {  	[sflag:s12] =	ssyncadd.s32 $0xFFFFFF80  }
0x213: {  	_ =	swait.ge [sflag:s12], $0x80  }
0x214: {  	[sflag:s12] =	ssyncset.done $0x0  }
0x215: {  	[sflag:s12] =	ssyncadd.s32 $0xFFFFFF80  }
0x216: {  	_ =	swait.ge [sflag:s12], $0x80  }
0x217: {  	[sflag:s12] =	ssyncset.done $0x0  }
0x218: {  	[sflag:s12] =	ssyncadd.s32 $0xFFFFFF80  }
0x219: {  	_ =	swait.ge [sflag:s12], $0x80  }
0x21a: {  	[sflag:s12] =	ssyncset.done $0x0  }
0x21b: {  	[sflag:s12] =	ssyncadd.s32 $0xFFFFFF80  }
0x21c: {  	_ =	swait.ge [sflag:s12], $0x80  }
0x21d: {  	[sflag:s12] =	ssyncset.done $0x0  }
0x21e: {  	[sflag:s12] =	ssyncadd.s32 $0xFFFFFF80  }
0x21f: {  	_ =	swait.ge [sflag:s12], $0x80  }
0x220: {  	[sflag:s12] =	ssyncset.done $0x0  }
0x221: {  	[sflag:s12] =	ssyncadd.s32 $0xFFFFFF80  }
0x222: {  	_ =	swait.ge [sflag:s12], $0x80  }
0x223: {  	[sflag:s12] =	ssyncset.done $0x0  }
0x224: {  	[sflag:s12] =	ssyncadd.s32 $0xFFFFFF80  }
0x225: {  	_ =	swait.ge [sflag:s12], $0x80  }
0x226: {  	[sflag:s12] =	ssyncset.done $0x0  }
0x227: {  	[sflag:s12] =	ssyncadd.s32 $0xFFFFFF80  }
0x228: {  	_ =	swait.ge [sflag:s12], $0x80  }
0x229: {  	[sflag:s12] =	ssyncset.done $0x0  }
0x22a: {  	[sflag:s12] =	ssyncadd.s32 $0xFFFFFF80  }
0x22b: {  	_ =	swait.ge [sflag:s12], $0x80  }
0x22c: {  	[sflag:s12] =	ssyncset.done $0x0  }
0x22d: {  	[sflag:s12] =	ssyncadd.s32 $0xFFFFFF80  }
0x22e: {  	_ =	swait.ge [sflag:s12], $0x80  }
0x22f: {  	[sflag:s12] =	ssyncset.done $0x0  }
0x230: {  	[sflag:s12] =	ssyncadd.s32 $0xFFFFFF80  }
0x231: {  	_ =	swait.ge [sflag:s12], $0x80  }
0x232: {  	[sflag:s12] =	ssyncset.done $0x0  }
0x233: {  	[sflag:s12] =	ssyncadd.s32 $0xFFFFFF80  }
0x234: {  	_ =	swait.ge [sflag:s12], $0x80  }
0x235: {  	[sflag:s12] =	ssyncset.done $0x0  }
0x236: {  	[sflag:s12] =	ssyncadd.s32 $0xFFFFFF80  }
0x237: {  	_ =	swait.ge [sflag:s12], $0x80  }
0x238: {  	[sflag:s12] =	ssyncset.done $0x0  }
0x239: {  	[sflag:s12] =	ssyncadd.s32 $0xFFFFFF80  }
0x23a: {  	_ =	swait.ge [sflag:s12], $0x80  }
.Ltmp8:
0x23b: {  	[sflag:s12] =	ssyncset.done $0x0;
	(pc) =	sbr.rel .LBB2_14-.Ltmp8, $4  }
0x23c: {  	[sflag:s12] =	ssyncadd.s32 $0xFFFFFF80  }
0x23d: {  	_ =	swait.ge [sflag:s12], $0x80  }
0x23e: {  	[sflag:s12] =	ssyncset.done $0x0  }
0x23f: {  	[sflag:s12] =	ssyncadd.s32 $0xFFFFFF80  }
.LBB2_15:
0x240: {  	_ =	sfence.sel $0x180000  }
0x241: {  	[bflag:$0x0] =	sbarrier.arrive $0xFFFF  }
0x242: {  	_ =	strace $0x90000047  }
0x243: {  	s0 =	stileid.u32;
	[bflag:$0x2] =	sbarrier.arrive $0xFFFF  }
0x244: {  	p0 =	sne.s32 s0, $0x0;
	s0 =	rddreg [dreg:$0x4]  }
0x245: {  	s0 =	sadd.s32 @!p0 $0x100000, s0  }
0x246: {  	[sflag:s0] =	ssyncadd.tile.s32 @!p0 $0x1;
	_ =	shalt  }
.Lfunc_end2:
_tile_overlayer_lowered:
.L_overlay_start_2:
0x247: {  	(tag) =	ssettag $0x2  }
0x248: {  	s0 =	rddreg [dreg:$0x0];
	s2 =	stileid.u32  }
0x249: {  	s1 =	rddreg [dreg:$0x1];
	p0 =	sne.s32 s2, $0x0  }
0x24a: {  	s3 =	rddreg [dreg:$0x2];
	[bflag:$0x3] =	sbarrier.arrive $0xFFFF;
	s2 =	simm.s32 @!p0 $0x1C02  }
0x24b: {  	[timem:s3], [sflag:s2] =	dma.local @!p0 [hbm:s0], s1  }
0x24c: {  	s0 =	simm.s32 @!p0 $0x2  }
0x24d: {  	_ =	swait.ge @!p0 [sflag:s0], s1  }
0x24e: {  	s1 =	ssub.s32 @!p0 $0x0, s1;
	[sflag:s0] =	ssyncset.done @!p0 $0x0  }
0x24f: {  	[sflag:s0] =	ssyncadd.s32 @!p0 s1  }
0x250: {  	[bflag:$0x3] =	sbarrier.arrive $0xFFFF  }
0x251: {  	_ =	shalt  }

</sc_bundles>
